<compile_context>
chip_gen: v7x
topology: tpu7x:2x2x1
jax: 0.10.2.dev20260603
libtpu: 0.0.44.dev20260713+nightly
codegen_flags: <defaults>
</compile_context>

<pallas_src>
import functools

import jax
import jax.numpy as jnp
from jax import lax
from jax.experimental import pallas as pl
from jax.experimental.pallas import tpu as pltpu
from jax.experimental.pallas import tpu_sc as plsc

B = 4096
L = 200
D = 32
V = 1000000
TOT = B * L
NC = 2
NS = 16
NW = NC * NS
PER_W = TOT // NW
CHUNK = 1600
NCHUNK = PER_W // CHUNK

TBLK = 1024
NBLK = V // TBLK
VTAIL = NBLK * TBLK
NPAIR = ((NBLK + NW - 1) // NW + 1) // 2

_mesh = plsc.VectorSubcoreMesh(core_axis_name="c", subcore_axis_name="s")


@functools.partial(
    pl.kernel,
    mesh=_mesh,
    compiler_params=pltpu.CompilerParams(use_tc_tiling_on_sc=True,
                                         needs_layout_passes=False,
                                         disable_bounds_checks=True),
    out_type=jax.ShapeDtypeStruct((V * D,), jnp.float32),
    scratch_types=[
        pltpu.VMEM((D, TBLK), jnp.float32),
        pltpu.VMEM((D, TBLK), jnp.float32),
        pltpu.VMEM((TBLK * D,), jnp.float32),
        pltpu.VMEM((D * 17,), jnp.float32),
        pltpu.SemaphoreType.DMA,
        pltpu.SemaphoreType.DMA,
    ],
)
def _transpose_sc(tableT_hbm, tail_hbm, out_hbm, in0, in1, obuf, stage,
                  sem0, sem1):
    wid = lax.axis_index("s") * NC + lax.axis_index("c")
    iota16 = lax.iota(jnp.int32, 16)
    idx_lo = iota16 * 17
    idx_hi = (iota16 + 16) * 17

    def start_in(slot, buf, sem):
        blk = slot * NW + wid

        @pl.when(blk < NBLK)
        def _():
            pltpu.make_async_copy(
                tableT_hbm.at[:, pl.ds(blk * TBLK, TBLK)], buf, sem).start()

    def transpose_write(slot, buf, sem):
        blk = slot * NW + wid

        @pl.when(blk < NBLK)
        def _():
            pltpu.make_async_copy(
                tableT_hbm.at[:, pl.ds(blk * TBLK, TBLK)], buf, sem).wait()

            def col_body(ci, _):
                c = ci * 16
                for d in range(D):
                    stage[pl.ds(d * 17, 16)] = buf[d, pl.ds(c, 16)]
                for j in range(16):
                    lo = plsc.load_gather(stage, [idx_lo + j])
                    hi = plsc.load_gather(stage, [idx_hi + j])
                    base = (c + j) * D
                    obuf[pl.ds(base, 16)] = lo
                    obuf[pl.ds(base + 16, 16)] = hi
                return 0

            lax.fori_loop(0, TBLK // 16, col_body, 0)
            pltpu.sync_copy(obuf, out_hbm.at[pl.ds(blk * TBLK * D, TBLK * D)])

    start_in(0, in0, sem0)

    def pair(k, _):
        s0 = 2 * k
        start_in(s0 + 1, in1, sem1)
        transpose_write(s0, in0, sem0)
        start_in(s0 + 2, in0, sem0)
        transpose_write(s0 + 1, in1, sem1)
        return 0

    lax.fori_loop(0, NPAIR, pair, 0)

    @pl.when(wid == 0)
    def _():
        pltpu.sync_copy(tail_hbm, out_hbm.at[pl.ds(VTAIL * D, (V - VTAIL) * D)])


@functools.partial(
    pl.kernel,
    mesh=_mesh,
    compiler_params=pltpu.CompilerParams(use_tc_tiling_on_sc=False),
    out_type=jax.ShapeDtypeStruct((TOT, D), jnp.float32),
    scratch_types=[
        pltpu.VMEM((CHUNK,), jnp.int32),
        pltpu.VMEM((CHUNK,), jnp.int32),
        pltpu.VMEM((CHUNK, D), jnp.float32),
        pltpu.VMEM((CHUNK, D), jnp.float32),
        pltpu.SemaphoreType.DMA,
        pltpu.SemaphoreType.DMA,
    ],
)
def _gather_sc(idx_hbm, table_hbm, out_hbm, idx0, idx1, rows0, rows1,
               gsem0, gsem1):
    wid = lax.axis_index("s") * NC + lax.axis_index("c")
    base = wid * PER_W

    bufs = [(idx0, rows0, gsem0), (idx1, rows1, gsem1)]

    pltpu.sync_copy(idx_hbm.at[pl.ds(base, CHUNK)], idx0)
    pltpu.make_async_copy(table_hbm.at[idx0], rows0, gsem0).start()
    for i in range(NCHUNK):
        cidx, crows, csem = bufs[i % 2]
        nidx, nrows, nsem = bufs[(i + 1) % 2]
        if i + 1 < NCHUNK:
            pltpu.sync_copy(idx_hbm.at[pl.ds(base + (i + 1) * CHUNK, CHUNK)],
                            nidx)
            pltpu.make_async_copy(table_hbm.at[nidx], nrows, nsem).start()
        pltpu.make_async_copy(table_hbm.at[cidx], crows, csem).wait()
        pltpu.sync_copy(crows, out_hbm.at[pl.ds(base + i * CHUNK, CHUNK)])


def _mask_body(ids_ref, mask_ref):
    mask_ref[...] = ids_ref[...] == 0


_mask_tc = pl.pallas_call(
    _mask_body,
    out_shape=jax.ShapeDtypeStruct((B, L), jnp.bool_),
)


def kernel(lookup_ids, embedding_matrix):
    flat_ids = lookup_ids.reshape(-1)
    table_t = embedding_matrix.T
    tail = embedding_matrix[VTAIL:, :].reshape(-1)
    table_lin = _transpose_sc(table_t, tail)
    table_rm = table_lin.reshape(V, D)
    gathered = _gather_sc(flat_ids, table_rm)
    matrices = gathered.reshape(B, L, D)
    mask = _mask_tc(lookup_ids)
    return matrices, mask, lookup_ids

# --- scband reference (transcript-rebuilt; emitter-appended) ---
"""Pipeline reference for scband-agent-level-11510512353698 (READ-ONLY COPY).

The authoritative reference and input builder live on the scoring server;
editing this copy changes nothing except your own understanding.
"""

import jax, jax.numpy as jnp
import numpy as np

VOCAB = 1000000
B = 4096
L = 200
D = 32
PAD_TOKEN_ID = 0


def setup_inputs(seed: int = 0) -> dict:
    key = jax.random.key(seed)
    k1, k2 = jax.random.split(key)
    lookup_ids = jax.random.randint(k1, (B, L), 0, VOCAB)
    embedding_matrix = jax.random.normal(k2, (VOCAB, D), dtype=jnp.float32) * 0.02
    return {"lookup_ids": lookup_ids, "embedding_matrix": embedding_matrix}


def reference(lookup_ids, embedding_matrix):
    # Faithful translation of AgentLevel.get_children at level==0:
    #   mask = lookup_ids == Config.pad_token_id
    #   matrices = torch.index_select(embedding_matrix, 0, lookup_ids.view(-1))
    #                 .view(B, sequence_length, vector_size)
    #   labels = lookup_ids
    mask = lookup_ids == PAD_TOKEN_ID
    flat_ids = lookup_ids.reshape(-1)
    matrices = jnp.take(embedding_matrix, flat_ids, axis=0).reshape(B, L, D)
    labels = lookup_ids
    return matrices, mask, labels

if __name__ == "__main__":
    import jax
    _d = setup_inputs()
    print(jax.jit(kernel)(*tuple(_d.values())))

</pallas_src>

<mosaic_0001>
#map = affine_map<(d0, d1) -> (0, 0)>
#map1 = affine_map<(d0, d1) -> (0)>
module attributes {stable_mosaic.version = 14 : i64} {
  func.func @_transpose_sc(%arg0: i32, %arg1: i32, %arg2: memref<32x1000000xf32, #tpu.memory_space<hbm>>, %arg3: memref<18432xf32, #tpu.memory_space<hbm>>, %arg4: memref<32000000xf32, #tpu.memory_space<hbm>>, %arg5: memref<32x1024xf32, #tpu.memory_space<vmem>>, %arg6: memref<32x1024xf32, #tpu.memory_space<vmem>>, %arg7: memref<32768xf32, #tpu.memory_space<vmem>>, %arg8: memref<544xf32, #tpu.memory_space<vmem>>, %arg9: memref<!tpu.dma_semaphore, #tpu.memory_space<semaphore_mem>>, %arg10: memref<!tpu.dma_semaphore, #tpu.memory_space<semaphore_mem>>) attributes {dimension_semantics = [#tpu.dimension_semantics<core_parallel>, #tpu.dimension_semantics<subcore_parallel>], iteration_bounds = array<i64: 2, 16>, scalar_prefetch = 0 : i64, scratch_operands = 6 : i64, tpu.core_type = #tpu.core_type<sc_vector_subcore>, window_params = [{transform_indices = #map}, {transform_indices = #map1}, {transform_indices = #map1}]} {
    %mul3A = arith.constant 2 : i32
    %mul3A_0 = arith.muli %arg1, %mul3A : i32
    %add3A = arith.addi %mul3A_0, %arg0 : i32
    %iota3A = tpu.iota {dimensions = array<i32: 0>} : vector<16xi32>
    %mul3A_1 = arith.constant 17 : i32
    %mul3A_2 = vector.broadcast %mul3A_1 : i32 to vector<16xi32>
    %mul3A_3 = arith.muli %iota3A, %mul3A_2 : vector<16xi32>
    %add3A_4 = arith.constant 16 : i32
    %add3A_5 = vector.broadcast %add3A_4 : i32 to vector<16xi32>
    %add3A_6 = arith.addi %iota3A, %add3A_5 : vector<16xi32>
    %mul3A_7 = arith.constant 17 : i32
    %mul3A_8 = vector.broadcast %mul3A_7 : i32 to vector<16xi32>
    %mul3A_9 = arith.muli %add3A_6, %mul3A_8 : vector<16xi32>
    %add3A_10 = arith.constant 0 : i32
    %add3A_11 = arith.addi %add3A_10, %add3A : i32
    %lt3A = arith.constant 976 : i32
    %lt3A_12 = arith.cmpi slt, %add3A_11, %lt3A : i32
    %convert_element_type3A = arith.extui %lt3A_12 : i1 to i32
    %cond3A = arith.constant 0 : i32
    %cond3A_13 = arith.cmpi ne, %convert_element_type3A, %cond3A : i32
    scf.if %cond3A_13 {
      %mul3A_24 = arith.constant 1024 : i32
      %mul3A_25 = arith.muli %add3A_11, %mul3A_24 : i32
      %dma_start3A = arith.constant 0 : i32
      %dma_start3A_26 = tpu.memref_slice %arg2[%dma_start3A, %mul3A_25] : memref<32x1000000xf32, #tpu.memory_space<hbm>> -> memref<32x1024xf32, #tpu.memory_space<hbm>>
      %dma_start3A_27 = arith.constant 0 : i32
      %dma_start3A_28 = tpu.memref_slice %arg2[%dma_start3A_27, %mul3A_25] : memref<32x1000000xf32, #tpu.memory_space<hbm>> -> memref<32x1024xf32, #tpu.memory_space<hbm>>
      tpu.enqueue_dma source(%dma_start3A_28 : memref<32x1024xf32, #tpu.memory_space<hbm>>) target(%arg5 : memref<32x1024xf32, #tpu.memory_space<vmem>>) target_semaphore(%arg9 : memref<!tpu.dma_semaphore, #tpu.memory_space<semaphore_mem>>)
    } else {
    }
    %scan3A = arith.constant 0 : i32
    %scan3A_14 = arith.constant 0 : i32
    %scan3A_15 = arith.constant 16 : i32
    %scan3A_16 = arith.addi %scan3A_14, %scan3A_15 : i32
    %scan3A_17 = arith.constant 1 : i32
    %scan3A_18 = scf.for %scan3A_24 = %scan3A_14 to %scan3A_16 step %scan3A_17 iter_args(%scan3A_25 = %scan3A) -> (i32)  : i32 {
      %mul3A_26 = arith.constant 2 : i32
      %mul3A_27 = arith.muli %mul3A_26, %scan3A_24 : i32
      %add3A_28 = arith.constant 1 : i32
      %add3A_29 = arith.addi %mul3A_27, %add3A_28 : i32
      %mul3A_30 = arith.constant 32 : i32
      %mul3A_31 = arith.muli %add3A_29, %mul3A_30 : i32
      %add3A_32 = arith.addi %mul3A_31, %add3A : i32
      %lt3A_33 = arith.constant 976 : i32
      %lt3A_34 = arith.cmpi slt, %add3A_32, %lt3A_33 : i32
      %convert_element_type3A_35 = arith.extui %lt3A_34 : i1 to i32
      %cond3A_36 = arith.constant 0 : i32
      %cond3A_37 = arith.cmpi ne, %convert_element_type3A_35, %cond3A_36 : i32
      scf.if %cond3A_37 {
        %mul3A_67 = arith.constant 1024 : i32
        %mul3A_68 = arith.muli %add3A_32, %mul3A_67 : i32
        %dma_start3A = arith.constant 0 : i32
        %dma_start3A_69 = tpu.memref_slice %arg2[%dma_start3A, %mul3A_68] : memref<32x1000000xf32, #tpu.memory_space<hbm>> -> memref<32x1024xf32, #tpu.memory_space<hbm>>
        %dma_start3A_70 = arith.constant 0 : i32
        %dma_start3A_71 = tpu.memref_slice %arg2[%dma_start3A_70, %mul3A_68] : memref<32x1000000xf32, #tpu.memory_space<hbm>> -> memref<32x1024xf32, #tpu.memory_space<hbm>>
        tpu.enqueue_dma source(%dma_start3A_71 : memref<32x1024xf32, #tpu.memory_space<hbm>>) target(%arg6 : memref<32x1024xf32, #tpu.memory_space<vmem>>) target_semaphore(%arg10 : memref<!tpu.dma_semaphore, #tpu.memory_space<semaphore_mem>>)
      } else {
      }
      %mul3A_38 = arith.constant 32 : i32
      %mul3A_39 = arith.muli %mul3A_27, %mul3A_38 : i32
      %add3A_40 = arith.addi %mul3A_39, %add3A : i32
      %lt3A_41 = arith.constant 976 : i32
      %lt3A_42 = arith.cmpi slt, %add3A_40, %lt3A_41 : i32
      %convert_element_type3A_43 = arith.extui %lt3A_42 : i1 to i32
      %cond3A_44 = arith.constant 0 : i32
      %cond3A_45 = arith.cmpi ne, %convert_element_type3A_43, %cond3A_44 : i32
      scf.if %cond3A_45 {
        %mul3A_67 = arith.constant 1024 : i32
        %mul3A_68 = arith.muli %add3A_40, %mul3A_67 : i32
        %dma_wait3A = arith.constant 0 : i32
        %dma_wait3A_69 = tpu.memref_slice %arg2[%dma_wait3A, %mul3A_68] : memref<32x1000000xf32, #tpu.memory_space<hbm>> -> memref<32x1024xf32, #tpu.memory_space<hbm>>
        %dma_wait3A_70 = arith.constant 0 : i32
        %dma_wait3A_71 = tpu.memref_slice %arg2[%dma_wait3A_70, %mul3A_68] : memref<32x1000000xf32, #tpu.memory_space<hbm>> -> memref<32x1024xf32, #tpu.memory_space<hbm>>
        tpu.wait_dma2 semaphore(%arg9 : memref<!tpu.dma_semaphore, #tpu.memory_space<semaphore_mem>>) src(%dma_wait3A_71 : memref<32x1024xf32, #tpu.memory_space<hbm>>) dst(%arg5 : memref<32x1024xf32, #tpu.memory_space<vmem>>)
        %scan3A_72 = arith.constant 0 : i32
        %scan3A_73 = arith.constant 0 : i32
        %scan3A_74 = arith.constant 64 : i32
        %scan3A_75 = arith.addi %scan3A_73, %scan3A_74 : i32
        %scan3A_76 = arith.constant 1 : i32
        %scan3A_77 = scf.for %scan3A_83 = %scan3A_73 to %scan3A_75 step %scan3A_76 iter_args(%scan3A_84 = %scan3A_72) -> (i32)  : i32 {
          %mul3A_85 = arith.constant 16 : i32
          %mul3A_86 = arith.muli %scan3A_83, %mul3A_85 : i32
          %get3A = arith.constant 0 : i32
          %get3A_87 = arith.index_cast %get3A : i32 to index
          %get3A_88 = arith.index_cast %mul3A_86 : i32 to index
          %get3A_89 = tpu.vector_load %arg5[%get3A_87, %get3A_88] {strides = array<i32>} : memref<32x1024xf32, #tpu.memory_space<vmem>>, vector<16xf32>,
          %swap3A = arith.constant 0 : index
          %swap3A_90 = tpu.vector_load %arg8[%swap3A] {strides = array<i32>} : memref<544xf32, #tpu.memory_space<vmem>>, vector<16xf32>,
          tpu.vector_store %arg8[%swap3A], %get3A_89 {strides = array<i32>} : memref<544xf32, #tpu.memory_space<vmem>>, vector<16xf32>,
          %get3A_91 = arith.constant 1 : i32
          %get3A_92 = arith.index_cast %get3A_91 : i32 to index
          %get3A_93 = arith.index_cast %mul3A_86 : i32 to index
          %get3A_94 = tpu.vector_load %arg5[%get3A_92, %get3A_93] {strides = array<i32>} : memref<32x1024xf32, #tpu.memory_space<vmem>>, vector<16xf32>,
          %swap3A_95 = arith.constant 17 : index
          %swap3A_96 = tpu.vector_load %arg8[%swap3A_95] {strides = array<i32>} : memref<544xf32, #tpu.memory_space<vmem>>, vector<16xf32>,
          tpu.vector_store %arg8[%swap3A_95], %get3A_94 {strides = array<i32>} : memref<544xf32, #tpu.memory_space<vmem>>, vector<16xf32>,
          %get3A_97 = arith.constant 2 : i32
          %get3A_98 = arith.index_cast %get3A_97 : i32 to index
          %get3A_99 = arith.index_cast %mul3A_86 : i32 to index
          %get3A_100 = tpu.vector_load %arg5[%get3A_98, %get3A_99] {strides = array<i32>} : memref<32x1024xf32, #tpu.memory_space<vmem>>, vector<16xf32>,
          %swap3A_101 = arith.constant 34 : index
          %swap3A_102 = tpu.vector_load %arg8[%swap3A_101] {strides = array<i32>} : memref<544xf32, #tpu.memory_space<vmem>>, vector<16xf32>,
          tpu.vector_store %arg8[%swap3A_101], %get3A_100 {strides = array<i32>} : memref<544xf32, #tpu.memory_space<vmem>>, vector<16xf32>,
          %get3A_103 = arith.constant 3 : i32
          %get3A_104 = arith.index_cast %get3A_103 : i32 to index
          %get3A_105 = arith.index_cast %mul3A_86 : i32 to index
          %get3A_106 = tpu.vector_load %arg5[%get3A_104, %get3A_105] {strides = array<i32>} : memref<32x1024xf32, #tpu.memory_space<vmem>>, vector<16xf32>,
          %swap3A_107 = arith.constant 51 : index
          %swap3A_108 = tpu.vector_load %arg8[%swap3A_107] {strides = array<i32>} : memref<544xf32, #tpu.memory_space<vmem>>, vector<16xf32>,
          tpu.vector_store %arg8[%swap3A_107], %get3A_106 {strides = array<i32>} : memref<544xf32, #tpu.memory_space<vmem>>, vector<16xf32>,
          %get3A_109 = arith.constant 4 : i32
          %get3A_110 = arith.index_cast %get3A_109 : i32 to index
          %get3A_111 = arith.index_cast %mul3A_86 : i32 to index
          %get3A_112 = tpu.vector_load %arg5[%get3A_110, %get3A_111] {strides = array<i32>} : memref<32x1024xf32, #tpu.memory_space<vmem>>, vector<16xf32>,
          %swap3A_113 = arith.constant 68 : index
          %swap3A_114 = tpu.vector_load %arg8[%swap3A_113] {strides = array<i32>} : memref<544xf32, #tpu.memory_space<vmem>>, vector<16xf32>,
          tpu.vector_store %arg8[%swap3A_113], %get3A_112 {strides = array<i32>} : memref<544xf32, #tpu.memory_space<vmem>>, vector<16xf32>,
          %get3A_115 = arith.constant 5 : i32
          %get3A_116 = arith.index_cast %get3A_115 : i32 to index
          %get3A_117 = arith.index_cast %mul3A_86 : i32 to index
          %get3A_118 = tpu.vector_load %arg5[%get3A_116, %get3A_117] {strides = array<i32>} : memref<32x1024xf32, #tpu.memory_space<vmem>>, vector<16xf32>,
          %swap3A_119 = arith.constant 85 : index
          %swap3A_120 = tpu.vector_load %arg8[%swap3A_119] {strides = array<i32>} : memref<544xf32, #tpu.memory_space<vmem>>, vector<16xf32>,
          tpu.vector_store %arg8[%swap3A_119], %get3A_118 {strides = array<i32>} : memref<544xf32, #tpu.memory_space<vmem>>, vector<16xf32>,
          %get3A_121 = arith.constant 6 : i32
          %get3A_122 = arith.index_cast %get3A_121 : i32 to index
          %get3A_123 = arith.index_cast %mul3A_86 : i32 to index
          %get3A_124 = tpu.vector_load %arg5[%get3A_122, %get3A_123] {strides = array<i32>} : memref<32x1024xf32, #tpu.memory_space<vmem>>, vector<16xf32>,
          %swap3A_125 = arith.constant 102 : index
          %swap3A_126 = tpu.vector_load %arg8[%swap3A_125] {strides = array<i32>} : memref<544xf32, #tpu.memory_space<vmem>>, vector<16xf32>,
          tpu.vector_store %arg8[%swap3A_125], %get3A_124 {strides = array<i32>} : memref<544xf32, #tpu.memory_space<vmem>>, vector<16xf32>,
          %get3A_127 = arith.constant 7 : i32
          %get3A_128 = arith.index_cast %get3A_127 : i32 to index
          %get3A_129 = arith.index_cast %mul3A_86 : i32 to index
          %get3A_130 = tpu.vector_load %arg5[%get3A_128, %get3A_129] {strides = array<i32>} : memref<32x1024xf32, #tpu.memory_space<vmem>>, vector<16xf32>,
          %swap3A_131 = arith.constant 119 : index
          %swap3A_132 = tpu.vector_load %arg8[%swap3A_131] {strides = array<i32>} : memref<544xf32, #tpu.memory_space<vmem>>, vector<16xf32>,
          tpu.vector_store %arg8[%swap3A_131], %get3A_130 {strides = array<i32>} : memref<544xf32, #tpu.memory_space<vmem>>, vector<16xf32>,
          %get3A_133 = arith.constant 8 : i32
          %get3A_134 = arith.index_cast %get3A_133 : i32 to index
          %get3A_135 = arith.index_cast %mul3A_86 : i32 to index
          %get3A_136 = tpu.vector_load %arg5[%get3A_134, %get3A_135] {strides = array<i32>} : memref<32x1024xf32, #tpu.memory_space<vmem>>, vector<16xf32>,
          %swap3A_137 = arith.constant 136 : index
          %swap3A_138 = tpu.vector_load %arg8[%swap3A_137] {strides = array<i32>} : memref<544xf32, #tpu.memory_space<vmem>>, vector<16xf32>,
          tpu.vector_store %arg8[%swap3A_137], %get3A_136 {strides = array<i32>} : memref<544xf32, #tpu.memory_space<vmem>>, vector<16xf32>,
          %get3A_139 = arith.constant 9 : i32
          %get3A_140 = arith.index_cast %get3A_139 : i32 to index
          %get3A_141 = arith.index_cast %mul3A_86 : i32 to index
          %get3A_142 = tpu.vector_load %arg5[%get3A_140, %get3A_141] {strides = array<i32>} : memref<32x1024xf32, #tpu.memory_space<vmem>>, vector<16xf32>,
          %swap3A_143 = arith.constant 153 : index
          %swap3A_144 = tpu.vector_load %arg8[%swap3A_143] {strides = array<i32>} : memref<544xf32, #tpu.memory_space<vmem>>, vector<16xf32>,
          tpu.vector_store %arg8[%swap3A_143], %get3A_142 {strides = array<i32>} : memref<544xf32, #tpu.memory_space<vmem>>, vector<16xf32>,
          %get3A_145 = arith.constant 10 : i32
          %get3A_146 = arith.index_cast %get3A_145 : i32 to index
          %get3A_147 = arith.index_cast %mul3A_86 : i32 to index
          %get3A_148 = tpu.vector_load %arg5[%get3A_146, %get3A_147] {strides = array<i32>} : memref<32x1024xf32, #tpu.memory_space<vmem>>, vector<16xf32>,
          %swap3A_149 = arith.constant 170 : index
          %swap3A_150 = tpu.vector_load %arg8[%swap3A_149] {strides = array<i32>} : memref<544xf32, #tpu.memory_space<vmem>>, vector<16xf32>,
          tpu.vector_store %arg8[%swap3A_149], %get3A_148 {strides = array<i32>} : memref<544xf32, #tpu.memory_space<vmem>>, vector<16xf32>,
          %get3A_151 = arith.constant 11 : i32
          %get3A_152 = arith.index_cast %get3A_151 : i32 to index
          %get3A_153 = arith.index_cast %mul3A_86 : i32 to index
          %get3A_154 = tpu.vector_load %arg5[%get3A_152, %get3A_153] {strides = array<i32>} : memref<32x1024xf32, #tpu.memory_space<vmem>>, vector<16xf32>,
          %swap3A_155 = arith.constant 187 : index
          %swap3A_156 = tpu.vector_load %arg8[%swap3A_155] {strides = array<i32>} : memref<544xf32, #tpu.memory_space<vmem>>, vector<16xf32>,
          tpu.vector_store %arg8[%swap3A_155], %get3A_154 {strides = array<i32>} : memref<544xf32, #tpu.memory_space<vmem>>, vector<16xf32>,
          %get3A_157 = arith.constant 12 : i32
          %get3A_158 = arith.index_cast %get3A_157 : i32 to index
          %get3A_159 = arith.index_cast %mul3A_86 : i32 to index
          %get3A_160 = tpu.vector_load %arg5[%get3A_158, %get3A_159] {strides = array<i32>} : memref<32x1024xf32, #tpu.memory_space<vmem>>, vector<16xf32>,
          %swap3A_161 = arith.constant 204 : index
          %swap3A_162 = tpu.vector_load %arg8[%swap3A_161] {strides = array<i32>} : memref<544xf32, #tpu.memory_space<vmem>>, vector<16xf32>,
          tpu.vector_store %arg8[%swap3A_161], %get3A_160 {strides = array<i32>} : memref<544xf32, #tpu.memory_space<vmem>>, vector<16xf32>,
          %get3A_163 = arith.constant 13 : i32
          %get3A_164 = arith.index_cast %get3A_163 : i32 to index
          %get3A_165 = arith.index_cast %mul3A_86 : i32 to index
          %get3A_166 = tpu.vector_load %arg5[%get3A_164, %get3A_165] {strides = array<i32>} : memref<32x1024xf32, #tpu.memory_space<vmem>>, vector<16xf32>,
          %swap3A_167 = arith.constant 221 : index
          %swap3A_168 = tpu.vector_load %arg8[%swap3A_167] {strides = array<i32>} : memref<544xf32, #tpu.memory_space<vmem>>, vector<16xf32>,
          tpu.vector_store %arg8[%swap3A_167], %get3A_166 {strides = array<i32>} : memref<544xf32, #tpu.memory_space<vmem>>, vector<16xf32>,
          %get3A_169 = arith.constant 14 : i32
          %get3A_170 = arith.index_cast %get3A_169 : i32 to index
          %get3A_171 = arith.index_cast %mul3A_86 : i32 to index
          %get3A_172 = tpu.vector_load %arg5[%get3A_170, %get3A_171] {strides = array<i32>} : memref<32x1024xf32, #tpu.memory_space<vmem>>, vector<16xf32>,
          %swap3A_173 = arith.constant 238 : index
          %swap3A_174 = tpu.vector_load %arg8[%swap3A_173] {strides = array<i32>} : memref<544xf32, #tpu.memory_space<vmem>>, vector<16xf32>,
          tpu.vector_store %arg8[%swap3A_173], %get3A_172 {strides = array<i32>} : memref<544xf32, #tpu.memory_space<vmem>>, vector<16xf32>,
          %get3A_175 = arith.constant 15 : i32
          %get3A_176 = arith.index_cast %get3A_175 : i32 to index
          %get3A_177 = arith.index_cast %mul3A_86 : i32 to index
          %get3A_178 = tpu.vector_load %arg5[%get3A_176, %get3A_177] {strides = array<i32>} : memref<32x1024xf32, #tpu.memory_space<vmem>>, vector<16xf32>,
          %swap3A_179 = arith.constant 255 : index
          %swap3A_180 = tpu.vector_load %arg8[%swap3A_179] {strides = array<i32>} : memref<544xf32, #tpu.memory_space<vmem>>, vector<16xf32>,
          tpu.vector_store %arg8[%swap3A_179], %get3A_178 {strides = array<i32>} : memref<544xf32, #tpu.memory_space<vmem>>, vector<16xf32>,
          %get3A_181 = arith.constant 16 : i32
          %get3A_182 = arith.index_cast %get3A_181 : i32 to index
          %get3A_183 = arith.index_cast %mul3A_86 : i32 to index
          %get3A_184 = tpu.vector_load %arg5[%get3A_182, %get3A_183] {strides = array<i32>} : memref<32x1024xf32, #tpu.memory_space<vmem>>, vector<16xf32>,
          %swap3A_185 = arith.constant 272 : index
          %swap3A_186 = tpu.vector_load %arg8[%swap3A_185] {strides = array<i32>} : memref<544xf32, #tpu.memory_space<vmem>>, vector<16xf32>,
          tpu.vector_store %arg8[%swap3A_185], %get3A_184 {strides = array<i32>} : memref<544xf32, #tpu.memory_space<vmem>>, vector<16xf32>,
          %get3A_187 = arith.constant 17 : i32
          %get3A_188 = arith.index_cast %get3A_187 : i32 to index
          %get3A_189 = arith.index_cast %mul3A_86 : i32 to index
          %get3A_190 = tpu.vector_load %arg5[%get3A_188, %get3A_189] {strides = array<i32>} : memref<32x1024xf32, #tpu.memory_space<vmem>>, vector<16xf32>,
          %swap3A_191 = arith.constant 289 : index
          %swap3A_192 = tpu.vector_load %arg8[%swap3A_191] {strides = array<i32>} : memref<544xf32, #tpu.memory_space<vmem>>, vector<16xf32>,
          tpu.vector_store %arg8[%swap3A_191], %get3A_190 {strides = array<i32>} : memref<544xf32, #tpu.memory_space<vmem>>, vector<16xf32>,
          %get3A_193 = arith.constant 18 : i32
          %get3A_194 = arith.index_cast %get3A_193 : i32 to index
          %get3A_195 = arith.index_cast %mul3A_86 : i32 to index
          %get3A_196 = tpu.vector_load %arg5[%get3A_194, %get3A_195] {strides = array<i32>} : memref<32x1024xf32, #tpu.memory_space<vmem>>, vector<16xf32>,
          %swap3A_197 = arith.constant 306 : index
          %swap3A_198 = tpu.vector_load %arg8[%swap3A_197] {strides = array<i32>} : memref<544xf32, #tpu.memory_space<vmem>>, vector<16xf32>,
          tpu.vector_store %arg8[%swap3A_197], %get3A_196 {strides = array<i32>} : memref<544xf32, #tpu.memory_space<vmem>>, vector<16xf32>,
          %get3A_199 = arith.constant 19 : i32
          %get3A_200 = arith.index_cast %get3A_199 : i32 to index
          %get3A_201 = arith.index_cast %mul3A_86 : i32 to index
          %get3A_202 = tpu.vector_load %arg5[%get3A_200, %get3A_201] {strides = array<i32>} : memref<32x1024xf32, #tpu.memory_space<vmem>>, vector<16xf32>,
          %swap3A_203 = arith.constant 323 : index
          %swap3A_204 = tpu.vector_load %arg8[%swap3A_203] {strides = array<i32>} : memref<544xf32, #tpu.memory_space<vmem>>, vector<16xf32>,
          tpu.vector_store %arg8[%swap3A_203], %get3A_202 {strides = array<i32>} : memref<544xf32, #tpu.memory_space<vmem>>, vector<16xf32>,
          %get3A_205 = arith.constant 20 : i32
          %get3A_206 = arith.index_cast %get3A_205 : i32 to index
          %get3A_207 = arith.index_cast %mul3A_86 : i32 to index
          %get3A_208 = tpu.vector_load %arg5[%get3A_206, %get3A_207] {strides = array<i32>} : memref<32x1024xf32, #tpu.memory_space<vmem>>, vector<16xf32>,
          %swap3A_209 = arith.constant 340 : index
          %swap3A_210 = tpu.vector_load %arg8[%swap3A_209] {strides = array<i32>} : memref<544xf32, #tpu.memory_space<vmem>>, vector<16xf32>,
          tpu.vector_store %arg8[%swap3A_209], %get3A_208 {strides = array<i32>} : memref<544xf32, #tpu.memory_space<vmem>>, vector<16xf32>,
          %get3A_211 = arith.constant 21 : i32
          %get3A_212 = arith.index_cast %get3A_211 : i32 to index
          %get3A_213 = arith.index_cast %mul3A_86 : i32 to index
          %get3A_214 = tpu.vector_load %arg5[%get3A_212, %get3A_213] {strides = array<i32>} : memref<32x1024xf32, #tpu.memory_space<vmem>>, vector<16xf32>,
          %swap3A_215 = arith.constant 357 : index
          %swap3A_216 = tpu.vector_load %arg8[%swap3A_215] {strides = array<i32>} : memref<544xf32, #tpu.memory_space<vmem>>, vector<16xf32>,
          tpu.vector_store %arg8[%swap3A_215], %get3A_214 {strides = array<i32>} : memref<544xf32, #tpu.memory_space<vmem>>, vector<16xf32>,
          %get3A_217 = arith.constant 22 : i32
          %get3A_218 = arith.index_cast %get3A_217 : i32 to index
          %get3A_219 = arith.index_cast %mul3A_86 : i32 to index
          %get3A_220 = tpu.vector_load %arg5[%get3A_218, %get3A_219] {strides = array<i32>} : memref<32x1024xf32, #tpu.memory_space<vmem>>, vector<16xf32>,
          %swap3A_221 = arith.constant 374 : index
          %swap3A_222 = tpu.vector_load %arg8[%swap3A_221] {strides = array<i32>} : memref<544xf32, #tpu.memory_space<vmem>>, vector<16xf32>,
          tpu.vector_store %arg8[%swap3A_221], %get3A_220 {strides = array<i32>} : memref<544xf32, #tpu.memory_space<vmem>>, vector<16xf32>,
          %get3A_223 = arith.constant 23 : i32
          %get3A_224 = arith.index_cast %get3A_223 : i32 to index
          %get3A_225 = arith.index_cast %mul3A_86 : i32 to index
          %get3A_226 = tpu.vector_load %arg5[%get3A_224, %get3A_225] {strides = array<i32>} : memref<32x1024xf32, #tpu.memory_space<vmem>>, vector<16xf32>,
          %swap3A_227 = arith.constant 391 : index
          %swap3A_228 = tpu.vector_load %arg8[%swap3A_227] {strides = array<i32>} : memref<544xf32, #tpu.memory_space<vmem>>, vector<16xf32>,
          tpu.vector_store %arg8[%swap3A_227], %get3A_226 {strides = array<i32>} : memref<544xf32, #tpu.memory_space<vmem>>, vector<16xf32>,
          %get3A_229 = arith.constant 24 : i32
          %get3A_230 = arith.index_cast %get3A_229 : i32 to index
          %get3A_231 = arith.index_cast %mul3A_86 : i32 to index
          %get3A_232 = tpu.vector_load %arg5[%get3A_230, %get3A_231] {strides = array<i32>} : memref<32x1024xf32, #tpu.memory_space<vmem>>, vector<16xf32>,
          %swap3A_233 = arith.constant 408 : index
          %swap3A_234 = tpu.vector_load %arg8[%swap3A_233] {strides = array<i32>} : memref<544xf32, #tpu.memory_space<vmem>>, vector<16xf32>,
          tpu.vector_store %arg8[%swap3A_233], %get3A_232 {strides = array<i32>} : memref<544xf32, #tpu.memory_space<vmem>>, vector<16xf32>,
          %get3A_235 = arith.constant 25 : i32
          %get3A_236 = arith.index_cast %get3A_235 : i32 to index
          %get3A_237 = arith.index_cast %mul3A_86 : i32 to index
          %get3A_238 = tpu.vector_load %arg5[%get3A_236, %get3A_237] {strides = array<i32>} : memref<32x1024xf32, #tpu.memory_space<vmem>>, vector<16xf32>,
          %swap3A_239 = arith.constant 425 : index
          %swap3A_240 = tpu.vector_load %arg8[%swap3A_239] {strides = array<i32>} : memref<544xf32, #tpu.memory_space<vmem>>, vector<16xf32>,
          tpu.vector_store %arg8[%swap3A_239], %get3A_238 {strides = array<i32>} : memref<544xf32, #tpu.memory_space<vmem>>, vector<16xf32>,
          %get3A_241 = arith.constant 26 : i32
          %get3A_242 = arith.index_cast %get3A_241 : i32 to index
          %get3A_243 = arith.index_cast %mul3A_86 : i32 to index
          %get3A_244 = tpu.vector_load %arg5[%get3A_242, %get3A_243] {strides = array<i32>} : memref<32x1024xf32, #tpu.memory_space<vmem>>, vector<16xf32>,
          %swap3A_245 = arith.constant 442 : index
          %swap3A_246 = tpu.vector_load %arg8[%swap3A_245] {strides = array<i32>} : memref<544xf32, #tpu.memory_space<vmem>>, vector<16xf32>,
          tpu.vector_store %arg8[%swap3A_245], %get3A_244 {strides = array<i32>} : memref<544xf32, #tpu.memory_space<vmem>>, vector<16xf32>,
          %get3A_247 = arith.constant 27 : i32
          %get3A_248 = arith.index_cast %get3A_247 : i32 to index
          %get3A_249 = arith.index_cast %mul3A_86 : i32 to index
          %get3A_250 = tpu.vector_load %arg5[%get3A_248, %get3A_249] {strides = array<i32>} : memref<32x1024xf32, #tpu.memory_space<vmem>>, vector<16xf32>,
          %swap3A_251 = arith.constant 459 : index
          %swap3A_252 = tpu.vector_load %arg8[%swap3A_251] {strides = array<i32>} : memref<544xf32, #tpu.memory_space<vmem>>, vector<16xf32>,
          tpu.vector_store %arg8[%swap3A_251], %get3A_250 {strides = array<i32>} : memref<544xf32, #tpu.memory_space<vmem>>, vector<16xf32>,
          %get3A_253 = arith.constant 28 : i32
          %get3A_254 = arith.index_cast %get3A_253 : i32 to index
          %get3A_255 = arith.index_cast %mul3A_86 : i32 to index
          %get3A_256 = tpu.vector_load %arg5[%get3A_254, %get3A_255] {strides = array<i32>} : memref<32x1024xf32, #tpu.memory_space<vmem>>, vector<16xf32>,
          %swap3A_257 = arith.constant 476 : index
          %swap3A_258 = tpu.vector_load %arg8[%swap3A_257] {strides = array<i32>} : memref<544xf32, #tpu.memory_space<vmem>>, vector<16xf32>,
          tpu.vector_store %arg8[%swap3A_257], %get3A_256 {strides = array<i32>} : memref<544xf32, #tpu.memory_space<vmem>>, vector<16xf32>,
          %get3A_259 = arith.constant 29 : i32
          %get3A_260 = arith.index_cast %get3A_259 : i32 to index
          %get3A_261 = arith.index_cast %mul3A_86 : i32 to index
          %get3A_262 = tpu.vector_load %arg5[%get3A_260, %get3A_261] {strides = array<i32>} : memref<32x1024xf32, #tpu.memory_space<vmem>>, vector<16xf32>,
          %swap3A_263 = arith.constant 493 : index
          %swap3A_264 = tpu.vector_load %arg8[%swap3A_263] {strides = array<i32>} : memref<544xf32, #tpu.memory_space<vmem>>, vector<16xf32>,
          tpu.vector_store %arg8[%swap3A_263], %get3A_262 {strides = array<i32>} : memref<544xf32, #tpu.memory_space<vmem>>, vector<16xf32>,
          %get3A_265 = arith.constant 30 : i32
          %get3A_266 = arith.index_cast %get3A_265 : i32 to index
          %get3A_267 = arith.index_cast %mul3A_86 : i32 to index
          %get3A_268 = tpu.vector_load %arg5[%get3A_266, %get3A_267] {strides = array<i32>} : memref<32x1024xf32, #tpu.memory_space<vmem>>, vector<16xf32>,
          %swap3A_269 = arith.constant 510 : index
          %swap3A_270 = tpu.vector_load %arg8[%swap3A_269] {strides = array<i32>} : memref<544xf32, #tpu.memory_space<vmem>>, vector<16xf32>,
          tpu.vector_store %arg8[%swap3A_269], %get3A_268 {strides = array<i32>} : memref<544xf32, #tpu.memory_space<vmem>>, vector<16xf32>,
          %get3A_271 = arith.constant 31 : i32
          %get3A_272 = arith.index_cast %get3A_271 : i32 to index
          %get3A_273 = arith.index_cast %mul3A_86 : i32 to index
          %get3A_274 = tpu.vector_load %arg5[%get3A_272, %get3A_273] {strides = array<i32>} : memref<32x1024xf32, #tpu.memory_space<vmem>>, vector<16xf32>,
          %swap3A_275 = arith.constant 527 : index
          %swap3A_276 = tpu.vector_load %arg8[%swap3A_275] {strides = array<i32>} : memref<544xf32, #tpu.memory_space<vmem>>, vector<16xf32>,
          tpu.vector_store %arg8[%swap3A_275], %get3A_274 {strides = array<i32>} : memref<544xf32, #tpu.memory_space<vmem>>, vector<16xf32>,
          %add3A_277 = arith.constant 0 : i32
          %add3A_278 = vector.broadcast %add3A_277 : i32 to vector<16xi32>
          %add3A_279 = arith.addi %mul3A_3, %add3A_278 : vector<16xi32>
          %gather3A = tpu.vector_load_idx %arg8[%add3A_279] : memref<544xf32, #tpu.memory_space<vmem>>[vector<16xi32>], vector<16xf32>,
          %add3A_280 = arith.constant 0 : i32
          %add3A_281 = vector.broadcast %add3A_280 : i32 to vector<16xi32>
          %add3A_282 = arith.addi %mul3A_9, %add3A_281 : vector<16xi32>
          %gather3A_283 = tpu.vector_load_idx %arg8[%add3A_282] : memref<544xf32, #tpu.memory_space<vmem>>[vector<16xi32>], vector<16xf32>,
          %add3A_284 = arith.constant 0 : i32
          %add3A_285 = arith.addi %mul3A_86, %add3A_284 : i32
          %mul3A_286 = arith.constant 32 : i32
          %mul3A_287 = arith.muli %add3A_285, %mul3A_286 : i32
          %swap3A_288 = arith.index_cast %mul3A_287 : i32 to index
          %swap3A_289 = tpu.vector_load %arg7[%swap3A_288] {strides = array<i32>} : memref<32768xf32, #tpu.memory_space<vmem>>, vector<16xf32>,
          tpu.vector_store %arg7[%swap3A_288], %gather3A {strides = array<i32>} : memref<32768xf32, #tpu.memory_space<vmem>>, vector<16xf32>,
          %add3A_290 = arith.constant 16 : i32
          %add3A_291 = arith.addi %mul3A_287, %add3A_290 : i32
          %swap3A_292 = arith.index_cast %add3A_291 : i32 to index
          %swap3A_293 = tpu.vector_load %arg7[%swap3A_292] {strides = array<i32>} : memref<32768xf32, #tpu.memory_space<vmem>>, vector<16xf32>,
          tpu.vector_store %arg7[%swap3A_292], %gather3A_283 {strides = array<i32>} : memref<32768xf32, #tpu.memory_space<vmem>>, vector<16xf32>,
          %add3A_294 = arith.constant 1 : i32
          %add3A_295 = vector.broadcast %add3A_294 : i32 to vector<16xi32>
          %add3A_296 = arith.addi %mul3A_3, %add3A_295 : vector<16xi32>
          %gather3A_297 = tpu.vector_load_idx %arg8[%add3A_296] : memref<544xf32, #tpu.memory_space<vmem>>[vector<16xi32>], vector<16xf32>,
          %add3A_298 = arith.constant 1 : i32
          %add3A_299 = vector.broadcast %add3A_298 : i32 to vector<16xi32>
          %add3A_300 = arith.addi %mul3A_9, %add3A_299 : vector<16xi32>
          %gather3A_301 = tpu.vector_load_idx %arg8[%add3A_300] : memref<544xf32, #tpu.memory_space<vmem>>[vector<16xi32>], vector<16xf32>,
          %add3A_302 = arith.constant 1 : i32
          %add3A_303 = arith.addi %mul3A_86, %add3A_302 : i32
          %mul3A_304 = arith.constant 32 : i32
          %mul3A_305 = arith.muli %add3A_303, %mul3A_304 : i32
          %swap3A_306 = arith.index_cast %mul3A_305 : i32 to index
          %swap3A_307 = tpu.vector_load %arg7[%swap3A_306] {strides = array<i32>} : memref<32768xf32, #tpu.memory_space<vmem>>, vector<16xf32>,
          tpu.vector_store %arg7[%swap3A_306], %gather3A_297 {strides = array<i32>} : memref<32768xf32, #tpu.memory_space<vmem>>, vector<16xf32>,
          %add3A_308 = arith.constant 16 : i32
          %add3A_309 = arith.addi %mul3A_305, %add3A_308 : i32
          %swap3A_310 = arith.index_cast %add3A_309 : i32 to index
          %swap3A_311 = tpu.vector_load %arg7[%swap3A_310] {strides = array<i32>} : memref<32768xf32, #tpu.memory_space<vmem>>, vector<16xf32>,
          tpu.vector_store %arg7[%swap3A_310], %gather3A_301 {strides = array<i32>} : memref<32768xf32, #tpu.memory_space<vmem>>, vector<16xf32>,
          %add3A_312 = arith.constant 2 : i32
          %add3A_313 = vector.broadcast %add3A_312 : i32 to vector<16xi32>
          %add3A_314 = arith.addi %mul3A_3, %add3A_313 : vector<16xi32>
          %gather3A_315 = tpu.vector_load_idx %arg8[%add3A_314] : memref<544xf32, #tpu.memory_space<vmem>>[vector<16xi32>], vector<16xf32>,
          %add3A_316 = arith.constant 2 : i32
          %add3A_317 = vector.broadcast %add3A_316 : i32 to vector<16xi32>
          %add3A_318 = arith.addi %mul3A_9, %add3A_317 : vector<16xi32>
          %gather3A_319 = tpu.vector_load_idx %arg8[%add3A_318] : memref<544xf32, #tpu.memory_space<vmem>>[vector<16xi32>], vector<16xf32>,
          %add3A_320 = arith.constant 2 : i32
          %add3A_321 = arith.addi %mul3A_86, %add3A_320 : i32
          %mul3A_322 = arith.constant 32 : i32
          %mul3A_323 = arith.muli %add3A_321, %mul3A_322 : i32
          %swap3A_324 = arith.index_cast %mul3A_323 : i32 to index
          %swap3A_325 = tpu.vector_load %arg7[%swap3A_324] {strides = array<i32>} : memref<32768xf32, #tpu.memory_space<vmem>>, vector<16xf32>,
          tpu.vector_store %arg7[%swap3A_324], %gather3A_315 {strides = array<i32>} : memref<32768xf32, #tpu.memory_space<vmem>>, vector<16xf32>,
          %add3A_326 = arith.constant 16 : i32
          %add3A_327 = arith.addi %mul3A_323, %add3A_326 : i32
          %swap3A_328 = arith.index_cast %add3A_327 : i32 to index
          %swap3A_329 = tpu.vector_load %arg7[%swap3A_328] {strides = array<i32>} : memref<32768xf32, #tpu.memory_space<vmem>>, vector<16xf32>,
          tpu.vector_store %arg7[%swap3A_328], %gather3A_319 {strides = array<i32>} : memref<32768xf32, #tpu.memory_space<vmem>>, vector<16xf32>,
          %add3A_330 = arith.constant 3 : i32
          %add3A_331 = vector.broadcast %add3A_330 : i32 to vector<16xi32>
          %add3A_332 = arith.addi %mul3A_3, %add3A_331 : vector<16xi32>
          %gather3A_333 = tpu.vector_load_idx %arg8[%add3A_332] : memref<544xf32, #tpu.memory_space<vmem>>[vector<16xi32>], vector<16xf32>,
          %add3A_334 = arith.constant 3 : i32
          %add3A_335 = vector.broadcast %add3A_334 : i32 to vector<16xi32>
          %add3A_336 = arith.addi %mul3A_9, %add3A_335 : vector<16xi32>
          %gather3A_337 = tpu.vector_load_idx %arg8[%add3A_336] : memref<544xf32, #tpu.memory_space<vmem>>[vector<16xi32>], vector<16xf32>,
          %add3A_338 = arith.constant 3 : i32
          %add3A_339 = arith.addi %mul3A_86, %add3A_338 : i32
          %mul3A_340 = arith.constant 32 : i32
          %mul3A_341 = arith.muli %add3A_339, %mul3A_340 : i32
          %swap3A_342 = arith.index_cast %mul3A_341 : i32 to index
          %swap3A_343 = tpu.vector_load %arg7[%swap3A_342] {strides = array<i32>} : memref<32768xf32, #tpu.memory_space<vmem>>, vector<16xf32>,
          tpu.vector_store %arg7[%swap3A_342], %gather3A_333 {strides = array<i32>} : memref<32768xf32, #tpu.memory_space<vmem>>, vector<16xf32>,
          %add3A_344 = arith.constant 16 : i32
          %add3A_345 = arith.addi %mul3A_341, %add3A_344 : i32
          %swap3A_346 = arith.index_cast %add3A_345 : i32 to index
          %swap3A_347 = tpu.vector_load %arg7[%swap3A_346] {strides = array<i32>} : memref<32768xf32, #tpu.memory_space<vmem>>, vector<16xf32>,
          tpu.vector_store %arg7[%swap3A_346], %gather3A_337 {strides = array<i32>} : memref<32768xf32, #tpu.memory_space<vmem>>, vector<16xf32>,
          %add3A_348 = arith.constant 4 : i32
          %add3A_349 = vector.broadcast %add3A_348 : i32 to vector<16xi32>
          %add3A_350 = arith.addi %mul3A_3, %add3A_349 : vector<16xi32>
          %gather3A_351 = tpu.vector_load_idx %arg8[%add3A_350] : memref<544xf32, #tpu.memory_space<vmem>>[vector<16xi32>], vector<16xf32>,
          %add3A_352 = arith.constant 4 : i32
          %add3A_353 = vector.broadcast %add3A_352 : i32 to vector<16xi32>
          %add3A_354 = arith.addi %mul3A_9, %add3A_353 : vector<16xi32>
          %gather3A_355 = tpu.vector_load_idx %arg8[%add3A_354] : memref<544xf32, #tpu.memory_space<vmem>>[vector<16xi32>], vector<16xf32>,
          %add3A_356 = arith.constant 4 : i32
          %add3A_357 = arith.addi %mul3A_86, %add3A_356 : i32
          %mul3A_358 = arith.constant 32 : i32
          %mul3A_359 = arith.muli %add3A_357, %mul3A_358 : i32
          %swap3A_360 = arith.index_cast %mul3A_359 : i32 to index
          %swap3A_361 = tpu.vector_load %arg7[%swap3A_360] {strides = array<i32>} : memref<32768xf32, #tpu.memory_space<vmem>>, vector<16xf32>,
          tpu.vector_store %arg7[%swap3A_360], %gather3A_351 {strides = array<i32>} : memref<32768xf32, #tpu.memory_space<vmem>>, vector<16xf32>,
          %add3A_362 = arith.constant 16 : i32
          %add3A_363 = arith.addi %mul3A_359, %add3A_362 : i32
          %swap3A_364 = arith.index_cast %add3A_363 : i32 to index
          %swap3A_365 = tpu.vector_load %arg7[%swap3A_364] {strides = array<i32>} : memref<32768xf32, #tpu.memory_space<vmem>>, vector<16xf32>,
          tpu.vector_store %arg7[%swap3A_364], %gather3A_355 {strides = array<i32>} : memref<32768xf32, #tpu.memory_space<vmem>>, vector<16xf32>,
          %add3A_366 = arith.constant 5 : i32
          %add3A_367 = vector.broadcast %add3A_366 : i32 to vector<16xi32>
          %add3A_368 = arith.addi %mul3A_3, %add3A_367 : vector<16xi32>
          %gather3A_369 = tpu.vector_load_idx %arg8[%add3A_368] : memref<544xf32, #tpu.memory_space<vmem>>[vector<16xi32>], vector<16xf32>,
          %add3A_370 = arith.constant 5 : i32
          %add3A_371 = vector.broadcast %add3A_370 : i32 to vector<16xi32>
          %add3A_372 = arith.addi %mul3A_9, %add3A_371 : vector<16xi32>
          %gather3A_373 = tpu.vector_load_idx %arg8[%add3A_372] : memref<544xf32, #tpu.memory_space<vmem>>[vector<16xi32>], vector<16xf32>,
          %add3A_374 = arith.constant 5 : i32
          %add3A_375 = arith.addi %mul3A_86, %add3A_374 : i32
          %mul3A_376 = arith.constant 32 : i32
          %mul3A_377 = arith.muli %add3A_375, %mul3A_376 : i32
          %swap3A_378 = arith.index_cast %mul3A_377 : i32 to index
          %swap3A_379 = tpu.vector_load %arg7[%swap3A_378] {strides = array<i32>} : memref<32768xf32, #tpu.memory_space<vmem>>, vector<16xf32>,
          tpu.vector_store %arg7[%swap3A_378], %gather3A_369 {strides = array<i32>} : memref<32768xf32, #tpu.memory_space<vmem>>, vector<16xf32>,
          %add3A_380 = arith.constant 16 : i32
          %add3A_381 = arith.addi %mul3A_377, %add3A_380 : i32
          %swap3A_382 = arith.index_cast %add3A_381 : i32 to index
          %swap3A_383 = tpu.vector_load %arg7[%swap3A_382] {strides = array<i32>} : memref<32768xf32, #tpu.memory_space<vmem>>, vector<16xf32>,
          tpu.vector_store %arg7[%swap3A_382], %gather3A_373 {strides = array<i32>} : memref<32768xf32, #tpu.memory_space<vmem>>, vector<16xf32>,
          %add3A_384 = arith.constant 6 : i32
          %add3A_385 = vector.broadcast %add3A_384 : i32 to vector<16xi32>
          %add3A_386 = arith.addi %mul3A_3, %add3A_385 : vector<16xi32>
          %gather3A_387 = tpu.vector_load_idx %arg8[%add3A_386] : memref<544xf32, #tpu.memory_space<vmem>>[vector<16xi32>], vector<16xf32>,
          %add3A_388 = arith.constant 6 : i32
          %add3A_389 = vector.broadcast %add3A_388 : i32 to vector<16xi32>
          %add3A_390 = arith.addi %mul3A_9, %add3A_389 : vector<16xi32>
          %gather3A_391 = tpu.vector_load_idx %arg8[%add3A_390] : memref<544xf32, #tpu.memory_space<vmem>>[vector<16xi32>], vector<16xf32>,
          %add3A_392 = arith.constant 6 : i32
          %add3A_393 = arith.addi %mul3A_86, %add3A_392 : i32
          %mul3A_394 = arith.constant 32 : i32
          %mul3A_395 = arith.muli %add3A_393, %mul3A_394 : i32
          %swap3A_396 = arith.index_cast %mul3A_395 : i32 to index
          %swap3A_397 = tpu.vector_load %arg7[%swap3A_396] {strides = array<i32>} : memref<32768xf32, #tpu.memory_space<vmem>>, vector<16xf32>,
          tpu.vector_store %arg7[%swap3A_396], %gather3A_387 {strides = array<i32>} : memref<32768xf32, #tpu.memory_space<vmem>>, vector<16xf32>,
          %add3A_398 = arith.constant 16 : i32
          %add3A_399 = arith.addi %mul3A_395, %add3A_398 : i32
          %swap3A_400 = arith.index_cast %add3A_399 : i32 to index
          %swap3A_401 = tpu.vector_load %arg7[%swap3A_400] {strides = array<i32>} : memref<32768xf32, #tpu.memory_space<vmem>>, vector<16xf32>,
          tpu.vector_store %arg7[%swap3A_400], %gather3A_391 {strides = array<i32>} : memref<32768xf32, #tpu.memory_space<vmem>>, vector<16xf32>,
          %add3A_402 = arith.constant 7 : i32
          %add3A_403 = vector.broadcast %add3A_402 : i32 to vector<16xi32>
          %add3A_404 = arith.addi %mul3A_3, %add3A_403 : vector<16xi32>
          %gather3A_405 = tpu.vector_load_idx %arg8[%add3A_404] : memref<544xf32, #tpu.memory_space<vmem>>[vector<16xi32>], vector<16xf32>,
          %add3A_406 = arith.constant 7 : i32
          %add3A_407 = vector.broadcast %add3A_406 : i32 to vector<16xi32>
          %add3A_408 = arith.addi %mul3A_9, %add3A_407 : vector<16xi32>
          %gather3A_409 = tpu.vector_load_idx %arg8[%add3A_408] : memref<544xf32, #tpu.memory_space<vmem>>[vector<16xi32>], vector<16xf32>,
          %add3A_410 = arith.constant 7 : i32
          %add3A_411 = arith.addi %mul3A_86, %add3A_410 : i32
          %mul3A_412 = arith.constant 32 : i32
          %mul3A_413 = arith.muli %add3A_411, %mul3A_412 : i32
          %swap3A_414 = arith.index_cast %mul3A_413 : i32 to index
          %swap3A_415 = tpu.vector_load %arg7[%swap3A_414] {strides = array<i32>} : memref<32768xf32, #tpu.memory_space<vmem>>, vector<16xf32>,
          tpu.vector_store %arg7[%swap3A_414], %gather3A_405 {strides = array<i32>} : memref<32768xf32, #tpu.memory_space<vmem>>, vector<16xf32>,
          %add3A_416 = arith.constant 16 : i32
          %add3A_417 = arith.addi %mul3A_413, %add3A_416 : i32
          %swap3A_418 = arith.index_cast %add3A_417 : i32 to index
          %swap3A_419 = tpu.vector_load %arg7[%swap3A_418] {strides = array<i32>} : memref<32768xf32, #tpu.memory_space<vmem>>, vector<16xf32>,
          tpu.vector_store %arg7[%swap3A_418], %gather3A_409 {strides = array<i32>} : memref<32768xf32, #tpu.memory_space<vmem>>, vector<16xf32>,
          %add3A_420 = arith.constant 8 : i32
          %add3A_421 = vector.broadcast %add3A_420 : i32 to vector<16xi32>
          %add3A_422 = arith.addi %mul3A_3, %add3A_421 : vector<16xi32>
          %gather3A_423 = tpu.vector_load_idx %arg8[%add3A_422] : memref<544xf32, #tpu.memory_space<vmem>>[vector<16xi32>], vector<16xf32>,
          %add3A_424 = arith.constant 8 : i32
          %add3A_425 = vector.broadcast %add3A_424 : i32 to vector<16xi32>
          %add3A_426 = arith.addi %mul3A_9, %add3A_425 : vector<16xi32>
          %gather3A_427 = tpu.vector_load_idx %arg8[%add3A_426] : memref<544xf32, #tpu.memory_space<vmem>>[vector<16xi32>], vector<16xf32>,
          %add3A_428 = arith.constant 8 : i32
          %add3A_429 = arith.addi %mul3A_86, %add3A_428 : i32
          %mul3A_430 = arith.constant 32 : i32
          %mul3A_431 = arith.muli %add3A_429, %mul3A_430 : i32
          %swap3A_432 = arith.index_cast %mul3A_431 : i32 to index
          %swap3A_433 = tpu.vector_load %arg7[%swap3A_432] {strides = array<i32>} : memref<32768xf32, #tpu.memory_space<vmem>>, vector<16xf32>,
          tpu.vector_store %arg7[%swap3A_432], %gather3A_423 {strides = array<i32>} : memref<32768xf32, #tpu.memory_space<vmem>>, vector<16xf32>,
          %add3A_434 = arith.constant 16 : i32
          %add3A_435 = arith.addi %mul3A_431, %add3A_434 : i32
          %swap3A_436 = arith.index_cast %add3A_435 : i32 to index
          %swap3A_437 = tpu.vector_load %arg7[%swap3A_436] {strides = array<i32>} : memref<32768xf32, #tpu.memory_space<vmem>>, vector<16xf32>,
          tpu.vector_store %arg7[%swap3A_436], %gather3A_427 {strides = array<i32>} : memref<32768xf32, #tpu.memory_space<vmem>>, vector<16xf32>,
          %add3A_438 = arith.constant 9 : i32
          %add3A_439 = vector.broadcast %add3A_438 : i32 to vector<16xi32>
          %add3A_440 = arith.addi %mul3A_3, %add3A_439 : vector<16xi32>
          %gather3A_441 = tpu.vector_load_idx %arg8[%add3A_440] : memref<544xf32, #tpu.memory_space<vmem>>[vector<16xi32>], vector<16xf32>,
          %add3A_442 = arith.constant 9 : i32
          %add3A_443 = vector.broadcast %add3A_442 : i32 to vector<16xi32>
          %add3A_444 = arith.addi %mul3A_9, %add3A_443 : vector<16xi32>
          %gather3A_445 = tpu.vector_load_idx %arg8[%add3A_444] : memref<544xf32, #tpu.memory_space<vmem>>[vector<16xi32>], vector<16xf32>,
          %add3A_446 = arith.constant 9 : i32
          %add3A_447 = arith.addi %mul3A_86, %add3A_446 : i32
          %mul3A_448 = arith.constant 32 : i32
          %mul3A_449 = arith.muli %add3A_447, %mul3A_448 : i32
          %swap3A_450 = arith.index_cast %mul3A_449 : i32 to index
          %swap3A_451 = tpu.vector_load %arg7[%swap3A_450] {strides = array<i32>} : memref<32768xf32, #tpu.memory_space<vmem>>, vector<16xf32>,
          tpu.vector_store %arg7[%swap3A_450], %gather3A_441 {strides = array<i32>} : memref<32768xf32, #tpu.memory_space<vmem>>, vector<16xf32>,
          %add3A_452 = arith.constant 16 : i32
          %add3A_453 = arith.addi %mul3A_449, %add3A_452 : i32
          %swap3A_454 = arith.index_cast %add3A_453 : i32 to index
          %swap3A_455 = tpu.vector_load %arg7[%swap3A_454] {strides = array<i32>} : memref<32768xf32, #tpu.memory_space<vmem>>, vector<16xf32>,
          tpu.vector_store %arg7[%swap3A_454], %gather3A_445 {strides = array<i32>} : memref<32768xf32, #tpu.memory_space<vmem>>, vector<16xf32>,
          %add3A_456 = arith.constant 10 : i32
          %add3A_457 = vector.broadcast %add3A_456 : i32 to vector<16xi32>
          %add3A_458 = arith.addi %mul3A_3, %add3A_457 : vector<16xi32>
          %gather3A_459 = tpu.vector_load_idx %arg8[%add3A_458] : memref<544xf32, #tpu.memory_space<vmem>>[vector<16xi32>], vector<16xf32>,
          %add3A_460 = arith.constant 10 : i32
          %add3A_461 = vector.broadcast %add3A_460 : i32 to vector<16xi32>
          %add3A_462 = arith.addi %mul3A_9, %add3A_461 : vector<16xi32>
          %gather3A_463 = tpu.vector_load_idx %arg8[%add3A_462] : memref<544xf32, #tpu.memory_space<vmem>>[vector<16xi32>], vector<16xf32>,
          %add3A_464 = arith.constant 10 : i32
          %add3A_465 = arith.addi %mul3A_86, %add3A_464 : i32
          %mul3A_466 = arith.constant 32 : i32
          %mul3A_467 = arith.muli %add3A_465, %mul3A_466 : i32
          %swap3A_468 = arith.index_cast %mul3A_467 : i32 to index
          %swap3A_469 = tpu.vector_load %arg7[%swap3A_468] {strides = array<i32>} : memref<32768xf32, #tpu.memory_space<vmem>>, vector<16xf32>,
          tpu.vector_store %arg7[%swap3A_468], %gather3A_459 {strides = array<i32>} : memref<32768xf32, #tpu.memory_space<vmem>>, vector<16xf32>,
          %add3A_470 = arith.constant 16 : i32
          %add3A_471 = arith.addi %mul3A_467, %add3A_470 : i32
          %swap3A_472 = arith.index_cast %add3A_471 : i32 to index
          %swap3A_473 = tpu.vector_load %arg7[%swap3A_472] {strides = array<i32>} : memref<32768xf32, #tpu.memory_space<vmem>>, vector<16xf32>,
          tpu.vector_store %arg7[%swap3A_472], %gather3A_463 {strides = array<i32>} : memref<32768xf32, #tpu.memory_space<vmem>>, vector<16xf32>,
          %add3A_474 = arith.constant 11 : i32
          %add3A_475 = vector.broadcast %add3A_474 : i32 to vector<16xi32>
          %add3A_476 = arith.addi %mul3A_3, %add3A_475 : vector<16xi32>
          %gather3A_477 = tpu.vector_load_idx %arg8[%add3A_476] : memref<544xf32, #tpu.memory_space<vmem>>[vector<16xi32>], vector<16xf32>,
          %add3A_478 = arith.constant 11 : i32
          %add3A_479 = vector.broadcast %add3A_478 : i32 to vector<16xi32>
          %add3A_480 = arith.addi %mul3A_9, %add3A_479 : vector<16xi32>
          %gather3A_481 = tpu.vector_load_idx %arg8[%add3A_480] : memref<544xf32, #tpu.memory_space<vmem>>[vector<16xi32>], vector<16xf32>,
          %add3A_482 = arith.constant 11 : i32
          %add3A_483 = arith.addi %mul3A_86, %add3A_482 : i32
          %mul3A_484 = arith.constant 32 : i32
          %mul3A_485 = arith.muli %add3A_483, %mul3A_484 : i32
          %swap3A_486 = arith.index_cast %mul3A_485 : i32 to index
          %swap3A_487 = tpu.vector_load %arg7[%swap3A_486] {strides = array<i32>} : memref<32768xf32, #tpu.memory_space<vmem>>, vector<16xf32>,
          tpu.vector_store %arg7[%swap3A_486], %gather3A_477 {strides = array<i32>} : memref<32768xf32, #tpu.memory_space<vmem>>, vector<16xf32>,
          %add3A_488 = arith.constant 16 : i32
          %add3A_489 = arith.addi %mul3A_485, %add3A_488 : i32
          %swap3A_490 = arith.index_cast %add3A_489 : i32 to index
          %swap3A_491 = tpu.vector_load %arg7[%swap3A_490] {strides = array<i32>} : memref<32768xf32, #tpu.memory_space<vmem>>, vector<16xf32>,
          tpu.vector_store %arg7[%swap3A_490], %gather3A_481 {strides = array<i32>} : memref<32768xf32, #tpu.memory_space<vmem>>, vector<16xf32>,
          %add3A_492 = arith.constant 12 : i32
          %add3A_493 = vector.broadcast %add3A_492 : i32 to vector<16xi32>
          %add3A_494 = arith.addi %mul3A_3, %add3A_493 : vector<16xi32>
          %gather3A_495 = tpu.vector_load_idx %arg8[%add3A_494] : memref<544xf32, #tpu.memory_space<vmem>>[vector<16xi32>], vector<16xf32>,
          %add3A_496 = arith.constant 12 : i32
          %add3A_497 = vector.broadcast %add3A_496 : i32 to vector<16xi32>
          %add3A_498 = arith.addi %mul3A_9, %add3A_497 : vector<16xi32>
          %gather3A_499 = tpu.vector_load_idx %arg8[%add3A_498] : memref<544xf32, #tpu.memory_space<vmem>>[vector<16xi32>], vector<16xf32>,
          %add3A_500 = arith.constant 12 : i32
          %add3A_501 = arith.addi %mul3A_86, %add3A_500 : i32
          %mul3A_502 = arith.constant 32 : i32
          %mul3A_503 = arith.muli %add3A_501, %mul3A_502 : i32
          %swap3A_504 = arith.index_cast %mul3A_503 : i32 to index
          %swap3A_505 = tpu.vector_load %arg7[%swap3A_504] {strides = array<i32>} : memref<32768xf32, #tpu.memory_space<vmem>>, vector<16xf32>,
          tpu.vector_store %arg7[%swap3A_504], %gather3A_495 {strides = array<i32>} : memref<32768xf32, #tpu.memory_space<vmem>>, vector<16xf32>,
          %add3A_506 = arith.constant 16 : i32
          %add3A_507 = arith.addi %mul3A_503, %add3A_506 : i32
          %swap3A_508 = arith.index_cast %add3A_507 : i32 to index
          %swap3A_509 = tpu.vector_load %arg7[%swap3A_508] {strides = array<i32>} : memref<32768xf32, #tpu.memory_space<vmem>>, vector<16xf32>,
          tpu.vector_store %arg7[%swap3A_508], %gather3A_499 {strides = array<i32>} : memref<32768xf32, #tpu.memory_space<vmem>>, vector<16xf32>,
          %add3A_510 = arith.constant 13 : i32
          %add3A_511 = vector.broadcast %add3A_510 : i32 to vector<16xi32>
          %add3A_512 = arith.addi %mul3A_3, %add3A_511 : vector<16xi32>
          %gather3A_513 = tpu.vector_load_idx %arg8[%add3A_512] : memref<544xf32, #tpu.memory_space<vmem>>[vector<16xi32>], vector<16xf32>,
          %add3A_514 = arith.constant 13 : i32
          %add3A_515 = vector.broadcast %add3A_514 : i32 to vector<16xi32>
          %add3A_516 = arith.addi %mul3A_9, %add3A_515 : vector<16xi32>
          %gather3A_517 = tpu.vector_load_idx %arg8[%add3A_516] : memref<544xf32, #tpu.memory_space<vmem>>[vector<16xi32>], vector<16xf32>,
          %add3A_518 = arith.constant 13 : i32
          %add3A_519 = arith.addi %mul3A_86, %add3A_518 : i32
          %mul3A_520 = arith.constant 32 : i32
          %mul3A_521 = arith.muli %add3A_519, %mul3A_520 : i32
          %swap3A_522 = arith.index_cast %mul3A_521 : i32 to index
          %swap3A_523 = tpu.vector_load %arg7[%swap3A_522] {strides = array<i32>} : memref<32768xf32, #tpu.memory_space<vmem>>, vector<16xf32>,
          tpu.vector_store %arg7[%swap3A_522], %gather3A_513 {strides = array<i32>} : memref<32768xf32, #tpu.memory_space<vmem>>, vector<16xf32>,
          %add3A_524 = arith.constant 16 : i32
          %add3A_525 = arith.addi %mul3A_521, %add3A_524 : i32
          %swap3A_526 = arith.index_cast %add3A_525 : i32 to index
          %swap3A_527 = tpu.vector_load %arg7[%swap3A_526] {strides = array<i32>} : memref<32768xf32, #tpu.memory_space<vmem>>, vector<16xf32>,
          tpu.vector_store %arg7[%swap3A_526], %gather3A_517 {strides = array<i32>} : memref<32768xf32, #tpu.memory_space<vmem>>, vector<16xf32>,
          %add3A_528 = arith.constant 14 : i32
          %add3A_529 = vector.broadcast %add3A_528 : i32 to vector<16xi32>
          %add3A_530 = arith.addi %mul3A_3, %add3A_529 : vector<16xi32>
          %gather3A_531 = tpu.vector_load_idx %arg8[%add3A_530] : memref<544xf32, #tpu.memory_space<vmem>>[vector<16xi32>], vector<16xf32>,
          %add3A_532 = arith.constant 14 : i32
          %add3A_533 = vector.broadcast %add3A_532 : i32 to vector<16xi32>
          %add3A_534 = arith.addi %mul3A_9, %add3A_533 : vector<16xi32>
          %gather3A_535 = tpu.vector_load_idx %arg8[%add3A_534] : memref<544xf32, #tpu.memory_space<vmem>>[vector<16xi32>], vector<16xf32>,
          %add3A_536 = arith.constant 14 : i32
          %add3A_537 = arith.addi %mul3A_86, %add3A_536 : i32
          %mul3A_538 = arith.constant 32 : i32
          %mul3A_539 = arith.muli %add3A_537, %mul3A_538 : i32
          %swap3A_540 = arith.index_cast %mul3A_539 : i32 to index
          %swap3A_541 = tpu.vector_load %arg7[%swap3A_540] {strides = array<i32>} : memref<32768xf32, #tpu.memory_space<vmem>>, vector<16xf32>,
          tpu.vector_store %arg7[%swap3A_540], %gather3A_531 {strides = array<i32>} : memref<32768xf32, #tpu.memory_space<vmem>>, vector<16xf32>,
          %add3A_542 = arith.constant 16 : i32
          %add3A_543 = arith.addi %mul3A_539, %add3A_542 : i32
          %swap3A_544 = arith.index_cast %add3A_543 : i32 to index
          %swap3A_545 = tpu.vector_load %arg7[%swap3A_544] {strides = array<i32>} : memref<32768xf32, #tpu.memory_space<vmem>>, vector<16xf32>,
          tpu.vector_store %arg7[%swap3A_544], %gather3A_535 {strides = array<i32>} : memref<32768xf32, #tpu.memory_space<vmem>>, vector<16xf32>,
          %add3A_546 = arith.constant 15 : i32
          %add3A_547 = vector.broadcast %add3A_546 : i32 to vector<16xi32>
          %add3A_548 = arith.addi %mul3A_3, %add3A_547 : vector<16xi32>
          %gather3A_549 = tpu.vector_load_idx %arg8[%add3A_548] : memref<544xf32, #tpu.memory_space<vmem>>[vector<16xi32>], vector<16xf32>,
          %add3A_550 = arith.constant 15 : i32
          %add3A_551 = vector.broadcast %add3A_550 : i32 to vector<16xi32>
          %add3A_552 = arith.addi %mul3A_9, %add3A_551 : vector<16xi32>
          %gather3A_553 = tpu.vector_load_idx %arg8[%add3A_552] : memref<544xf32, #tpu.memory_space<vmem>>[vector<16xi32>], vector<16xf32>,
          %add3A_554 = arith.constant 15 : i32
          %add3A_555 = arith.addi %mul3A_86, %add3A_554 : i32
          %mul3A_556 = arith.constant 32 : i32
          %mul3A_557 = arith.muli %add3A_555, %mul3A_556 : i32
          %swap3A_558 = arith.index_cast %mul3A_557 : i32 to index
          %swap3A_559 = tpu.vector_load %arg7[%swap3A_558] {strides = array<i32>} : memref<32768xf32, #tpu.memory_space<vmem>>, vector<16xf32>,
          tpu.vector_store %arg7[%swap3A_558], %gather3A_549 {strides = array<i32>} : memref<32768xf32, #tpu.memory_space<vmem>>, vector<16xf32>,
          %add3A_560 = arith.constant 16 : i32
          %add3A_561 = arith.addi %mul3A_557, %add3A_560 : i32
          %swap3A_562 = arith.index_cast %add3A_561 : i32 to index
          %swap3A_563 = tpu.vector_load %arg7[%swap3A_562] {strides = array<i32>} : memref<32768xf32, #tpu.memory_space<vmem>>, vector<16xf32>,
          tpu.vector_store %arg7[%swap3A_562], %gather3A_553 {strides = array<i32>} : memref<32768xf32, #tpu.memory_space<vmem>>, vector<16xf32>,
          %scan3A_564 = arith.constant 0 : i32
          scf.yield %scan3A_564 : i32
        }
        %scan3A_78 = arith.constant 64 : i32
        %mul3A_79 = arith.constant 1024 : i32
        %mul3A_80 = arith.muli %add3A_40, %mul3A_79 : i32
        %mul3A_81 = arith.constant 32 : i32
        %mul3A_82 = arith.muli %mul3A_80, %mul3A_81 : i32
        "tpu.region"() ({
          %run_scoped3A = tpu.sem_alloc : memref<!tpu.dma_semaphore, #tpu.memory_space<semaphore_mem>>
          %dma_start3A = tpu.memref_slice %arg4[%mul3A_82] : memref<32000000xf32, #tpu.memory_space<hbm>> -> memref<32768xf32, #tpu.memory_space<hbm>>
          %dma_start3A_83 = tpu.memref_slice %arg4[%mul3A_82] : memref<32000000xf32, #tpu.memory_space<hbm>> -> memref<32768xf32, #tpu.memory_space<hbm>>
          tpu.enqueue_dma source(%arg7 : memref<32768xf32, #tpu.memory_space<vmem>>) target(%dma_start3A_83 : memref<32768xf32, #tpu.memory_space<hbm>>) target_semaphore(%run_scoped3A : memref<!tpu.dma_semaphore, #tpu.memory_space<semaphore_mem>>)
          %dma_wait3A_84 = tpu.memref_slice %arg4[%mul3A_82] : memref<32000000xf32, #tpu.memory_space<hbm>> -> memref<32768xf32, #tpu.memory_space<hbm>>
          %dma_wait3A_85 = tpu.memref_slice %arg4[%mul3A_82] : memref<32000000xf32, #tpu.memory_space<hbm>> -> memref<32768xf32, #tpu.memory_space<hbm>>
          tpu.wait_dma2 semaphore(%run_scoped3A : memref<!tpu.dma_semaphore, #tpu.memory_space<semaphore_mem>>) src(%arg7 : memref<32768xf32, #tpu.memory_space<vmem>>) dst(%dma_wait3A_85 : memref<32768xf32, #tpu.memory_space<hbm>>)
          tpu.yield
        }) : () -> ()
      } else {
      }
      %add3A_46 = arith.constant 2 : i32
      %add3A_47 = arith.addi %mul3A_27, %add3A_46 : i32
      %mul3A_48 = arith.constant 32 : i32
      %mul3A_49 = arith.muli %add3A_47, %mul3A_48 : i32
      %add3A_50 = arith.addi %mul3A_49, %add3A : i32
      %lt3A_51 = arith.constant 976 : i32
      %lt3A_52 = arith.cmpi slt, %add3A_50, %lt3A_51 : i32
      %convert_element_type3A_53 = arith.extui %lt3A_52 : i1 to i32
      %cond3A_54 = arith.constant 0 : i32
      %cond3A_55 = arith.cmpi ne, %convert_element_type3A_53, %cond3A_54 : i32
      scf.if %cond3A_55 {
        %mul3A_67 = arith.constant 1024 : i32
        %mul3A_68 = arith.muli %add3A_50, %mul3A_67 : i32
        %dma_start3A = arith.constant 0 : i32
        %dma_start3A_69 = tpu.memref_slice %arg2[%dma_start3A, %mul3A_68] : memref<32x1000000xf32, #tpu.memory_space<hbm>> -> memref<32x1024xf32, #tpu.memory_space<hbm>>
        %dma_start3A_70 = arith.constant 0 : i32
        %dma_start3A_71 = tpu.memref_slice %arg2[%dma_start3A_70, %mul3A_68] : memref<32x1000000xf32, #tpu.memory_space<hbm>> -> memref<32x1024xf32, #tpu.memory_space<hbm>>
        tpu.enqueue_dma source(%dma_start3A_71 : memref<32x1024xf32, #tpu.memory_space<hbm>>) target(%arg5 : memref<32x1024xf32, #tpu.memory_space<vmem>>) target_semaphore(%arg9 : memref<!tpu.dma_semaphore, #tpu.memory_space<semaphore_mem>>)
      } else {
      }
      %add3A_56 = arith.constant 1 : i32
      %add3A_57 = arith.addi %mul3A_27, %add3A_56 : i32
      %mul3A_58 = arith.constant 32 : i32
      %mul3A_59 = arith.muli %add3A_57, %mul3A_58 : i32
      %add3A_60 = arith.addi %mul3A_59, %add3A : i32
      %lt3A_61 = arith.constant 976 : i32
      %lt3A_62 = arith.cmpi slt, %add3A_60, %lt3A_61 : i32
      %convert_element_type3A_63 = arith.extui %lt3A_62 : i1 to i32
      %cond3A_64 = arith.constant 0 : i32
      %cond3A_65 = arith.cmpi ne, %convert_element_type3A_63, %cond3A_64 : i32
      scf.if %cond3A_65 {
        %mul3A_67 = arith.constant 1024 : i32
        %mul3A_68 = arith.muli %add3A_60, %mul3A_67 : i32
        %dma_wait3A = arith.constant 0 : i32
        %dma_wait3A_69 = tpu.memref_slice %arg2[%dma_wait3A, %mul3A_68] : memref<32x1000000xf32, #tpu.memory_space<hbm>> -> memref<32x1024xf32, #tpu.memory_space<hbm>>
        %dma_wait3A_70 = arith.constant 0 : i32
        %dma_wait3A_71 = tpu.memref_slice %arg2[%dma_wait3A_70, %mul3A_68] : memref<32x1000000xf32, #tpu.memory_space<hbm>> -> memref<32x1024xf32, #tpu.memory_space<hbm>>
        tpu.wait_dma2 semaphore(%arg10 : memref<!tpu.dma_semaphore, #tpu.memory_space<semaphore_mem>>) src(%dma_wait3A_71 : memref<32x1024xf32, #tpu.memory_space<hbm>>) dst(%arg6 : memref<32x1024xf32, #tpu.memory_space<vmem>>)
        %scan3A_72 = arith.constant 0 : i32
        %scan3A_73 = arith.constant 0 : i32
        %scan3A_74 = arith.constant 64 : i32
        %scan3A_75 = arith.addi %scan3A_73, %scan3A_74 : i32
        %scan3A_76 = arith.constant 1 : i32
        %scan3A_77 = scf.for %scan3A_83 = %scan3A_73 to %scan3A_75 step %scan3A_76 iter_args(%scan3A_84 = %scan3A_72) -> (i32)  : i32 {
          %mul3A_85 = arith.constant 16 : i32
          %mul3A_86 = arith.muli %scan3A_83, %mul3A_85 : i32
          %get3A = arith.constant 0 : i32
          %get3A_87 = arith.index_cast %get3A : i32 to index
          %get3A_88 = arith.index_cast %mul3A_86 : i32 to index
          %get3A_89 = tpu.vector_load %arg6[%get3A_87, %get3A_88] {strides = array<i32>} : memref<32x1024xf32, #tpu.memory_space<vmem>>, vector<16xf32>,
          %swap3A = arith.constant 0 : index
          %swap3A_90 = tpu.vector_load %arg8[%swap3A] {strides = array<i32>} : memref<544xf32, #tpu.memory_space<vmem>>, vector<16xf32>,
          tpu.vector_store %arg8[%swap3A], %get3A_89 {strides = array<i32>} : memref<544xf32, #tpu.memory_space<vmem>>, vector<16xf32>,
          %get3A_91 = arith.constant 1 : i32
          %get3A_92 = arith.index_cast %get3A_91 : i32 to index
          %get3A_93 = arith.index_cast %mul3A_86 : i32 to index
          %get3A_94 = tpu.vector_load %arg6[%get3A_92, %get3A_93] {strides = array<i32>} : memref<32x1024xf32, #tpu.memory_space<vmem>>, vector<16xf32>,
          %swap3A_95 = arith.constant 17 : index
          %swap3A_96 = tpu.vector_load %arg8[%swap3A_95] {strides = array<i32>} : memref<544xf32, #tpu.memory_space<vmem>>, vector<16xf32>,
          tpu.vector_store %arg8[%swap3A_95], %get3A_94 {strides = array<i32>} : memref<544xf32, #tpu.memory_space<vmem>>, vector<16xf32>,
          %get3A_97 = arith.constant 2 : i32
          %get3A_98 = arith.index_cast %get3A_97 : i32 to index
          %get3A_99 = arith.index_cast %mul3A_86 : i32 to index
          %get3A_100 = tpu.vector_load %arg6[%get3A_98, %get3A_99] {strides = array<i32>} : memref<32x1024xf32, #tpu.memory_space<vmem>>, vector<16xf32>,
          %swap3A_101 = arith.constant 34 : index
          %swap3A_102 = tpu.vector_load %arg8[%swap3A_101] {strides = array<i32>} : memref<544xf32, #tpu.memory_space<vmem>>, vector<16xf32>,
          tpu.vector_store %arg8[%swap3A_101], %get3A_100 {strides = array<i32>} : memref<544xf32, #tpu.memory_space<vmem>>, vector<16xf32>,
          %get3A_103 = arith.constant 3 : i32
          %get3A_104 = arith.index_cast %get3A_103 : i32 to index
          %get3A_105 = arith.index_cast %mul3A_86 : i32 to index
          %get3A_106 = tpu.vector_load %arg6[%get3A_104, %get3A_105] {strides = array<i32>} : memref<32x1024xf32, #tpu.memory_space<vmem>>, vector<16xf32>,
          %swap3A_107 = arith.constant 51 : index
          %swap3A_108 = tpu.vector_load %arg8[%swap3A_107] {strides = array<i32>} : memref<544xf32, #tpu.memory_space<vmem>>, vector<16xf32>,
          tpu.vector_store %arg8[%swap3A_107], %get3A_106 {strides = array<i32>} : memref<544xf32, #tpu.memory_space<vmem>>, vector<16xf32>,
          %get3A_109 = arith.constant 4 : i32
          %get3A_110 = arith.index_cast %get3A_109 : i32 to index
          %get3A_111 = arith.index_cast %mul3A_86 : i32 to index
          %get3A_112 = tpu.vector_load %arg6[%get3A_110, %get3A_111] {strides = array<i32>} : memref<32x1024xf32, #tpu.memory_space<vmem>>, vector<16xf32>,
          %swap3A_113 = arith.constant 68 : index
          %swap3A_114 = tpu.vector_load %arg8[%swap3A_113] {strides = array<i32>} : memref<544xf32, #tpu.memory_space<vmem>>, vector<16xf32>,
          tpu.vector_store %arg8[%swap3A_113], %get3A_112 {strides = array<i32>} : memref<544xf32, #tpu.memory_space<vmem>>, vector<16xf32>,
          %get3A_115 = arith.constant 5 : i32
          %get3A_116 = arith.index_cast %get3A_115 : i32 to index
          %get3A_117 = arith.index_cast %mul3A_86 : i32 to index
          %get3A_118 = tpu.vector_load %arg6[%get3A_116, %get3A_117] {strides = array<i32>} : memref<32x1024xf32, #tpu.memory_space<vmem>>, vector<16xf32>,
          %swap3A_119 = arith.constant 85 : index
          %swap3A_120 = tpu.vector_load %arg8[%swap3A_119] {strides = array<i32>} : memref<544xf32, #tpu.memory_space<vmem>>, vector<16xf32>,
          tpu.vector_store %arg8[%swap3A_119], %get3A_118 {strides = array<i32>} : memref<544xf32, #tpu.memory_space<vmem>>, vector<16xf32>,
          %get3A_121 = arith.constant 6 : i32
          %get3A_122 = arith.index_cast %get3A_121 : i32 to index
          %get3A_123 = arith.index_cast %mul3A_86 : i32 to index
          %get3A_124 = tpu.vector_load %arg6[%get3A_122, %get3A_123] {strides = array<i32>} : memref<32x1024xf32, #tpu.memory_space<vmem>>, vector<16xf32>,
          %swap3A_125 = arith.constant 102 : index
          %swap3A_126 = tpu.vector_load %arg8[%swap3A_125] {strides = array<i32>} : memref<544xf32, #tpu.memory_space<vmem>>, vector<16xf32>,
          tpu.vector_store %arg8[%swap3A_125], %get3A_124 {strides = array<i32>} : memref<544xf32, #tpu.memory_space<vmem>>, vector<16xf32>,
          %get3A_127 = arith.constant 7 : i32
          %get3A_128 = arith.index_cast %get3A_127 : i32 to index
          %get3A_129 = arith.index_cast %mul3A_86 : i32 to index
          %get3A_130 = tpu.vector_load %arg6[%get3A_128, %get3A_129] {strides = array<i32>} : memref<32x1024xf32, #tpu.memory_space<vmem>>, vector<16xf32>,
          %swap3A_131 = arith.constant 119 : index
          %swap3A_132 = tpu.vector_load %arg8[%swap3A_131] {strides = array<i32>} : memref<544xf32, #tpu.memory_space<vmem>>, vector<16xf32>,
          tpu.vector_store %arg8[%swap3A_131], %get3A_130 {strides = array<i32>} : memref<544xf32, #tpu.memory_space<vmem>>, vector<16xf32>,
          %get3A_133 = arith.constant 8 : i32
          %get3A_134 = arith.index_cast %get3A_133 : i32 to index
          %get3A_135 = arith.index_cast %mul3A_86 : i32 to index
          %get3A_136 = tpu.vector_load %arg6[%get3A_134, %get3A_135] {strides = array<i32>} : memref<32x1024xf32, #tpu.memory_space<vmem>>, vector<16xf32>,
          %swap3A_137 = arith.constant 136 : index
          %swap3A_138 = tpu.vector_load %arg8[%swap3A_137] {strides = array<i32>} : memref<544xf32, #tpu.memory_space<vmem>>, vector<16xf32>,
          tpu.vector_store %arg8[%swap3A_137], %get3A_136 {strides = array<i32>} : memref<544xf32, #tpu.memory_space<vmem>>, vector<16xf32>,
          %get3A_139 = arith.constant 9 : i32
          %get3A_140 = arith.index_cast %get3A_139 : i32 to index
          %get3A_141 = arith.index_cast %mul3A_86 : i32 to index
          %get3A_142 = tpu.vector_load %arg6[%get3A_140, %get3A_141] {strides = array<i32>} : memref<32x1024xf32, #tpu.memory_space<vmem>>, vector<16xf32>,
          %swap3A_143 = arith.constant 153 : index
          %swap3A_144 = tpu.vector_load %arg8[%swap3A_143] {strides = array<i32>} : memref<544xf32, #tpu.memory_space<vmem>>, vector<16xf32>,
          tpu.vector_store %arg8[%swap3A_143], %get3A_142 {strides = array<i32>} : memref<544xf32, #tpu.memory_space<vmem>>, vector<16xf32>,
          %get3A_145 = arith.constant 10 : i32
          %get3A_146 = arith.index_cast %get3A_145 : i32 to index
          %get3A_147 = arith.index_cast %mul3A_86 : i32 to index
          %get3A_148 = tpu.vector_load %arg6[%get3A_146, %get3A_147] {strides = array<i32>} : memref<32x1024xf32, #tpu.memory_space<vmem>>, vector<16xf32>,
          %swap3A_149 = arith.constant 170 : index
          %swap3A_150 = tpu.vector_load %arg8[%swap3A_149] {strides = array<i32>} : memref<544xf32, #tpu.memory_space<vmem>>, vector<16xf32>,
          tpu.vector_store %arg8[%swap3A_149], %get3A_148 {strides = array<i32>} : memref<544xf32, #tpu.memory_space<vmem>>, vector<16xf32>,
          %get3A_151 = arith.constant 11 : i32
          %get3A_152 = arith.index_cast %get3A_151 : i32 to index
          %get3A_153 = arith.index_cast %mul3A_86 : i32 to index
          %get3A_154 = tpu.vector_load %arg6[%get3A_152, %get3A_153] {strides = array<i32>} : memref<32x1024xf32, #tpu.memory_space<vmem>>, vector<16xf32>,
          %swap3A_155 = arith.constant 187 : index
          %swap3A_156 = tpu.vector_load %arg8[%swap3A_155] {strides = array<i32>} : memref<544xf32, #tpu.memory_space<vmem>>, vector<16xf32>,
          tpu.vector_store %arg8[%swap3A_155], %get3A_154 {strides = array<i32>} : memref<544xf32, #tpu.memory_space<vmem>>, vector<16xf32>,
          %get3A_157 = arith.constant 12 : i32
          %get3A_158 = arith.index_cast %get3A_157 : i32 to index
          %get3A_159 = arith.index_cast %mul3A_86 : i32 to index
          %get3A_160 = tpu.vector_load %arg6[%get3A_158, %get3A_159] {strides = array<i32>} : memref<32x1024xf32, #tpu.memory_space<vmem>>, vector<16xf32>,
          %swap3A_161 = arith.constant 204 : index
          %swap3A_162 = tpu.vector_load %arg8[%swap3A_161] {strides = array<i32>} : memref<544xf32, #tpu.memory_space<vmem>>, vector<16xf32>,
          tpu.vector_store %arg8[%swap3A_161], %get3A_160 {strides = array<i32>} : memref<544xf32, #tpu.memory_space<vmem>>, vector<16xf32>,
          %get3A_163 = arith.constant 13 : i32
          %get3A_164 = arith.index_cast %get3A_163 : i32 to index
          %get3A_165 = arith.index_cast %mul3A_86 : i32 to index
          %get3A_166 = tpu.vector_load %arg6[%get3A_164, %get3A_165] {strides = array<i32>} : memref<32x1024xf32, #tpu.memory_space<vmem>>, vector<16xf32>,
          %swap3A_167 = arith.constant 221 : index
          %swap3A_168 = tpu.vector_load %arg8[%swap3A_167] {strides = array<i32>} : memref<544xf32, #tpu.memory_space<vmem>>, vector<16xf32>,
          tpu.vector_store %arg8[%swap3A_167], %get3A_166 {strides = array<i32>} : memref<544xf32, #tpu.memory_space<vmem>>, vector<16xf32>,
          %get3A_169 = arith.constant 14 : i32
          %get3A_170 = arith.index_cast %get3A_169 : i32 to index
          %get3A_171 = arith.index_cast %mul3A_86 : i32 to index
          %get3A_172 = tpu.vector_load %arg6[%get3A_170, %get3A_171] {strides = array<i32>} : memref<32x1024xf32, #tpu.memory_space<vmem>>, vector<16xf32>,
          %swap3A_173 = arith.constant 238 : index
          %swap3A_174 = tpu.vector_load %arg8[%swap3A_173] {strides = array<i32>} : memref<544xf32, #tpu.memory_space<vmem>>, vector<16xf32>,
          tpu.vector_store %arg8[%swap3A_173], %get3A_172 {strides = array<i32>} : memref<544xf32, #tpu.memory_space<vmem>>, vector<16xf32>,
          %get3A_175 = arith.constant 15 : i32
          %get3A_176 = arith.index_cast %get3A_175 : i32 to index
          %get3A_177 = arith.index_cast %mul3A_86 : i32 to index
          %get3A_178 = tpu.vector_load %arg6[%get3A_176, %get3A_177] {strides = array<i32>} : memref<32x1024xf32, #tpu.memory_space<vmem>>, vector<16xf32>,
          %swap3A_179 = arith.constant 255 : index
          %swap3A_180 = tpu.vector_load %arg8[%swap3A_179] {strides = array<i32>} : memref<544xf32, #tpu.memory_space<vmem>>, vector<16xf32>,
          tpu.vector_store %arg8[%swap3A_179], %get3A_178 {strides = array<i32>} : memref<544xf32, #tpu.memory_space<vmem>>, vector<16xf32>,
          %get3A_181 = arith.constant 16 : i32
          %get3A_182 = arith.index_cast %get3A_181 : i32 to index
          %get3A_183 = arith.index_cast %mul3A_86 : i32 to index
          %get3A_184 = tpu.vector_load %arg6[%get3A_182, %get3A_183] {strides = array<i32>} : memref<32x1024xf32, #tpu.memory_space<vmem>>, vector<16xf32>,
          %swap3A_185 = arith.constant 272 : index
          %swap3A_186 = tpu.vector_load %arg8[%swap3A_185] {strides = array<i32>} : memref<544xf32, #tpu.memory_space<vmem>>, vector<16xf32>,
          tpu.vector_store %arg8[%swap3A_185], %get3A_184 {strides = array<i32>} : memref<544xf32, #tpu.memory_space<vmem>>, vector<16xf32>,
          %get3A_187 = arith.constant 17 : i32
          %get3A_188 = arith.index_cast %get3A_187 : i32 to index
          %get3A_189 = arith.index_cast %mul3A_86 : i32 to index
          %get3A_190 = tpu.vector_load %arg6[%get3A_188, %get3A_189] {strides = array<i32>} : memref<32x1024xf32, #tpu.memory_space<vmem>>, vector<16xf32>,
          %swap3A_191 = arith.constant 289 : index
          %swap3A_192 = tpu.vector_load %arg8[%swap3A_191] {strides = array<i32>} : memref<544xf32, #tpu.memory_space<vmem>>, vector<16xf32>,
          tpu.vector_store %arg8[%swap3A_191], %get3A_190 {strides = array<i32>} : memref<544xf32, #tpu.memory_space<vmem>>, vector<16xf32>,
          %get3A_193 = arith.constant 18 : i32
          %get3A_194 = arith.index_cast %get3A_193 : i32 to index
          %get3A_195 = arith.index_cast %mul3A_86 : i32 to index
          %get3A_196 = tpu.vector_load %arg6[%get3A_194, %get3A_195] {strides = array<i32>} : memref<32x1024xf32, #tpu.memory_space<vmem>>, vector<16xf32>,
          %swap3A_197 = arith.constant 306 : index
          %swap3A_198 = tpu.vector_load %arg8[%swap3A_197] {strides = array<i32>} : memref<544xf32, #tpu.memory_space<vmem>>, vector<16xf32>,
          tpu.vector_store %arg8[%swap3A_197], %get3A_196 {strides = array<i32>} : memref<544xf32, #tpu.memory_space<vmem>>, vector<16xf32>,
          %get3A_199 = arith.constant 19 : i32
          %get3A_200 = arith.index_cast %get3A_199 : i32 to index
          %get3A_201 = arith.index_cast %mul3A_86 : i32 to index
          %get3A_202 = tpu.vector_load %arg6[%get3A_200, %get3A_201] {strides = array<i32>} : memref<32x1024xf32, #tpu.memory_space<vmem>>, vector<16xf32>,
          %swap3A_203 = arith.constant 323 : index
          %swap3A_204 = tpu.vector_load %arg8[%swap3A_203] {strides = array<i32>} : memref<544xf32, #tpu.memory_space<vmem>>, vector<16xf32>,
          tpu.vector_store %arg8[%swap3A_203], %get3A_202 {strides = array<i32>} : memref<544xf32, #tpu.memory_space<vmem>>, vector<16xf32>,
          %get3A_205 = arith.constant 20 : i32
          %get3A_206 = arith.index_cast %get3A_205 : i32 to index
          %get3A_207 = arith.index_cast %mul3A_86 : i32 to index
          %get3A_208 = tpu.vector_load %arg6[%get3A_206, %get3A_207] {strides = array<i32>} : memref<32x1024xf32, #tpu.memory_space<vmem>>, vector<16xf32>,
          %swap3A_209 = arith.constant 340 : index
          %swap3A_210 = tpu.vector_load %arg8[%swap3A_209] {strides = array<i32>} : memref<544xf32, #tpu.memory_space<vmem>>, vector<16xf32>,
          tpu.vector_store %arg8[%swap3A_209], %get3A_208 {strides = array<i32>} : memref<544xf32, #tpu.memory_space<vmem>>, vector<16xf32>,
          %get3A_211 = arith.constant 21 : i32
          %get3A_212 = arith.index_cast %get3A_211 : i32 to index
          %get3A_213 = arith.index_cast %mul3A_86 : i32 to index
          %get3A_214 = tpu.vector_load %arg6[%get3A_212, %get3A_213] {strides = array<i32>} : memref<32x1024xf32, #tpu.memory_space<vmem>>, vector<16xf32>,
          %swap3A_215 = arith.constant 357 : index
          %swap3A_216 = tpu.vector_load %arg8[%swap3A_215] {strides = array<i32>} : memref<544xf32, #tpu.memory_space<vmem>>, vector<16xf32>,
          tpu.vector_store %arg8[%swap3A_215], %get3A_214 {strides = array<i32>} : memref<544xf32, #tpu.memory_space<vmem>>, vector<16xf32>,
          %get3A_217 = arith.constant 22 : i32
          %get3A_218 = arith.index_cast %get3A_217 : i32 to index
          %get3A_219 = arith.index_cast %mul3A_86 : i32 to index
          %get3A_220 = tpu.vector_load %arg6[%get3A_218, %get3A_219] {strides = array<i32>} : memref<32x1024xf32, #tpu.memory_space<vmem>>, vector<16xf32>,
          %swap3A_221 = arith.constant 374 : index
          %swap3A_222 = tpu.vector_load %arg8[%swap3A_221] {strides = array<i32>} : memref<544xf32, #tpu.memory_space<vmem>>, vector<16xf32>,
          tpu.vector_store %arg8[%swap3A_221], %get3A_220 {strides = array<i32>} : memref<544xf32, #tpu.memory_space<vmem>>, vector<16xf32>,
          %get3A_223 = arith.constant 23 : i32
          %get3A_224 = arith.index_cast %get3A_223 : i32 to index
          %get3A_225 = arith.index_cast %mul3A_86 : i32 to index
          %get3A_226 = tpu.vector_load %arg6[%get3A_224, %get3A_225] {strides = array<i32>} : memref<32x1024xf32, #tpu.memory_space<vmem>>, vector<16xf32>,
          %swap3A_227 = arith.constant 391 : index
          %swap3A_228 = tpu.vector_load %arg8[%swap3A_227] {strides = array<i32>} : memref<544xf32, #tpu.memory_space<vmem>>, vector<16xf32>,
          tpu.vector_store %arg8[%swap3A_227], %get3A_226 {strides = array<i32>} : memref<544xf32, #tpu.memory_space<vmem>>, vector<16xf32>,
          %get3A_229 = arith.constant 24 : i32
          %get3A_230 = arith.index_cast %get3A_229 : i32 to index
          %get3A_231 = arith.index_cast %mul3A_86 : i32 to index
          %get3A_232 = tpu.vector_load %arg6[%get3A_230, %get3A_231] {strides = array<i32>} : memref<32x1024xf32, #tpu.memory_space<vmem>>, vector<16xf32>,
          %swap3A_233 = arith.constant 408 : index
          %swap3A_234 = tpu.vector_load %arg8[%swap3A_233] {strides = array<i32>} : memref<544xf32, #tpu.memory_space<vmem>>, vector<16xf32>,
          tpu.vector_store %arg8[%swap3A_233], %get3A_232 {strides = array<i32>} : memref<544xf32, #tpu.memory_space<vmem>>, vector<16xf32>,
          %get3A_235 = arith.constant 25 : i32
          %get3A_236 = arith.index_cast %get3A_235 : i32 to index
          %get3A_237 = arith.index_cast %mul3A_86 : i32 to index
          %get3A_238 = tpu.vector_load %arg6[%get3A_236, %get3A_237] {strides = array<i32>} : memref<32x1024xf32, #tpu.memory_space<vmem>>, vector<16xf32>,
          %swap3A_239 = arith.constant 425 : index
          %swap3A_240 = tpu.vector_load %arg8[%swap3A_239] {strides = array<i32>} : memref<544xf32, #tpu.memory_space<vmem>>, vector<16xf32>,
          tpu.vector_store %arg8[%swap3A_239], %get3A_238 {strides = array<i32>} : memref<544xf32, #tpu.memory_space<vmem>>, vector<16xf32>,
          %get3A_241 = arith.constant 26 : i32
          %get3A_242 = arith.index_cast %get3A_241 : i32 to index
          %get3A_243 = arith.index_cast %mul3A_86 : i32 to index
          %get3A_244 = tpu.vector_load %arg6[%get3A_242, %get3A_243] {strides = array<i32>} : memref<32x1024xf32, #tpu.memory_space<vmem>>, vector<16xf32>,
          %swap3A_245 = arith.constant 442 : index
          %swap3A_246 = tpu.vector_load %arg8[%swap3A_245] {strides = array<i32>} : memref<544xf32, #tpu.memory_space<vmem>>, vector<16xf32>,
          tpu.vector_store %arg8[%swap3A_245], %get3A_244 {strides = array<i32>} : memref<544xf32, #tpu.memory_space<vmem>>, vector<16xf32>,
          %get3A_247 = arith.constant 27 : i32
          %get3A_248 = arith.index_cast %get3A_247 : i32 to index
          %get3A_249 = arith.index_cast %mul3A_86 : i32 to index
          %get3A_250 = tpu.vector_load %arg6[%get3A_248, %get3A_249] {strides = array<i32>} : memref<32x1024xf32, #tpu.memory_space<vmem>>, vector<16xf32>,
          %swap3A_251 = arith.constant 459 : index
          %swap3A_252 = tpu.vector_load %arg8[%swap3A_251] {strides = array<i32>} : memref<544xf32, #tpu.memory_space<vmem>>, vector<16xf32>,
          tpu.vector_store %arg8[%swap3A_251], %get3A_250 {strides = array<i32>} : memref<544xf32, #tpu.memory_space<vmem>>, vector<16xf32>,
          %get3A_253 = arith.constant 28 : i32
          %get3A_254 = arith.index_cast %get3A_253 : i32 to index
          %get3A_255 = arith.index_cast %mul3A_86 : i32 to index
          %get3A_256 = tpu.vector_load %arg6[%get3A_254, %get3A_255] {strides = array<i32>} : memref<32x1024xf32, #tpu.memory_space<vmem>>, vector<16xf32>,
          %swap3A_257 = arith.constant 476 : index
          %swap3A_258 = tpu.vector_load %arg8[%swap3A_257] {strides = array<i32>} : memref<544xf32, #tpu.memory_space<vmem>>, vector<16xf32>,
          tpu.vector_store %arg8[%swap3A_257], %get3A_256 {strides = array<i32>} : memref<544xf32, #tpu.memory_space<vmem>>, vector<16xf32>,
          %get3A_259 = arith.constant 29 : i32
          %get3A_260 = arith.index_cast %get3A_259 : i32 to index
          %get3A_261 = arith.index_cast %mul3A_86 : i32 to index
          %get3A_262 = tpu.vector_load %arg6[%get3A_260, %get3A_261] {strides = array<i32>} : memref<32x1024xf32, #tpu.memory_space<vmem>>, vector<16xf32>,
          %swap3A_263 = arith.constant 493 : index
          %swap3A_264 = tpu.vector_load %arg8[%swap3A_263] {strides = array<i32>} : memref<544xf32, #tpu.memory_space<vmem>>, vector<16xf32>,
          tpu.vector_store %arg8[%swap3A_263], %get3A_262 {strides = array<i32>} : memref<544xf32, #tpu.memory_space<vmem>>, vector<16xf32>,
          %get3A_265 = arith.constant 30 : i32
          %get3A_266 = arith.index_cast %get3A_265 : i32 to index
          %get3A_267 = arith.index_cast %mul3A_86 : i32 to index
          %get3A_268 = tpu.vector_load %arg6[%get3A_266, %get3A_267] {strides = array<i32>} : memref<32x1024xf32, #tpu.memory_space<vmem>>, vector<16xf32>,
          %swap3A_269 = arith.constant 510 : index
          %swap3A_270 = tpu.vector_load %arg8[%swap3A_269] {strides = array<i32>} : memref<544xf32, #tpu.memory_space<vmem>>, vector<16xf32>,
          tpu.vector_store %arg8[%swap3A_269], %get3A_268 {strides = array<i32>} : memref<544xf32, #tpu.memory_space<vmem>>, vector<16xf32>,
          %get3A_271 = arith.constant 31 : i32
          %get3A_272 = arith.index_cast %get3A_271 : i32 to index
          %get3A_273 = arith.index_cast %mul3A_86 : i32 to index
          %get3A_274 = tpu.vector_load %arg6[%get3A_272, %get3A_273] {strides = array<i32>} : memref<32x1024xf32, #tpu.memory_space<vmem>>, vector<16xf32>,
          %swap3A_275 = arith.constant 527 : index
          %swap3A_276 = tpu.vector_load %arg8[%swap3A_275] {strides = array<i32>} : memref<544xf32, #tpu.memory_space<vmem>>, vector<16xf32>,
          tpu.vector_store %arg8[%swap3A_275], %get3A_274 {strides = array<i32>} : memref<544xf32, #tpu.memory_space<vmem>>, vector<16xf32>,
          %add3A_277 = arith.constant 0 : i32
          %add3A_278 = vector.broadcast %add3A_277 : i32 to vector<16xi32>
          %add3A_279 = arith.addi %mul3A_3, %add3A_278 : vector<16xi32>
          %gather3A = tpu.vector_load_idx %arg8[%add3A_279] : memref<544xf32, #tpu.memory_space<vmem>>[vector<16xi32>], vector<16xf32>,
          %add3A_280 = arith.constant 0 : i32
          %add3A_281 = vector.broadcast %add3A_280 : i32 to vector<16xi32>
          %add3A_282 = arith.addi %mul3A_9, %add3A_281 : vector<16xi32>
          %gather3A_283 = tpu.vector_load_idx %arg8[%add3A_282] : memref<544xf32, #tpu.memory_space<vmem>>[vector<16xi32>], vector<16xf32>,
          %add3A_284 = arith.constant 0 : i32
          %add3A_285 = arith.addi %mul3A_86, %add3A_284 : i32
          %mul3A_286 = arith.constant 32 : i32
          %mul3A_287 = arith.muli %add3A_285, %mul3A_286 : i32
          %swap3A_288 = arith.index_cast %mul3A_287 : i32 to index
          %swap3A_289 = tpu.vector_load %arg7[%swap3A_288] {strides = array<i32>} : memref<32768xf32, #tpu.memory_space<vmem>>, vector<16xf32>,
          tpu.vector_store %arg7[%swap3A_288], %gather3A {strides = array<i32>} : memref<32768xf32, #tpu.memory_space<vmem>>, vector<16xf32>,
          %add3A_290 = arith.constant 16 : i32
          %add3A_291 = arith.addi %mul3A_287, %add3A_290 : i32
          %swap3A_292 = arith.index_cast %add3A_291 : i32 to index
          %swap3A_293 = tpu.vector_load %arg7[%swap3A_292] {strides = array<i32>} : memref<32768xf32, #tpu.memory_space<vmem>>, vector<16xf32>,
          tpu.vector_store %arg7[%swap3A_292], %gather3A_283 {strides = array<i32>} : memref<32768xf32, #tpu.memory_space<vmem>>, vector<16xf32>,
          %add3A_294 = arith.constant 1 : i32
          %add3A_295 = vector.broadcast %add3A_294 : i32 to vector<16xi32>
          %add3A_296 = arith.addi %mul3A_3, %add3A_295 : vector<16xi32>
          %gather3A_297 = tpu.vector_load_idx %arg8[%add3A_296] : memref<544xf32, #tpu.memory_space<vmem>>[vector<16xi32>], vector<16xf32>,
          %add3A_298 = arith.constant 1 : i32
          %add3A_299 = vector.broadcast %add3A_298 : i32 to vector<16xi32>
          %add3A_300 = arith.addi %mul3A_9, %add3A_299 : vector<16xi32>
          %gather3A_301 = tpu.vector_load_idx %arg8[%add3A_300] : memref<544xf32, #tpu.memory_space<vmem>>[vector<16xi32>], vector<16xf32>,
          %add3A_302 = arith.constant 1 : i32
          %add3A_303 = arith.addi %mul3A_86, %add3A_302 : i32
          %mul3A_304 = arith.constant 32 : i32
          %mul3A_305 = arith.muli %add3A_303, %mul3A_304 : i32
          %swap3A_306 = arith.index_cast %mul3A_305 : i32 to index
          %swap3A_307 = tpu.vector_load %arg7[%swap3A_306] {strides = array<i32>} : memref<32768xf32, #tpu.memory_space<vmem>>, vector<16xf32>,
          tpu.vector_store %arg7[%swap3A_306], %gather3A_297 {strides = array<i32>} : memref<32768xf32, #tpu.memory_space<vmem>>, vector<16xf32>,
          %add3A_308 = arith.constant 16 : i32
          %add3A_309 = arith.addi %mul3A_305, %add3A_308 : i32
          %swap3A_310 = arith.index_cast %add3A_309 : i32 to index
          %swap3A_311 = tpu.vector_load %arg7[%swap3A_310] {strides = array<i32>} : memref<32768xf32, #tpu.memory_space<vmem>>, vector<16xf32>,
          tpu.vector_store %arg7[%swap3A_310], %gather3A_301 {strides = array<i32>} : memref<32768xf32, #tpu.memory_space<vmem>>, vector<16xf32>,
          %add3A_312 = arith.constant 2 : i32
          %add3A_313 = vector.broadcast %add3A_312 : i32 to vector<16xi32>
          %add3A_314 = arith.addi %mul3A_3, %add3A_313 : vector<16xi32>
          %gather3A_315 = tpu.vector_load_idx %arg8[%add3A_314] : memref<544xf32, #tpu.memory_space<vmem>>[vector<16xi32>], vector<16xf32>,
          %add3A_316 = arith.constant 2 : i32
          %add3A_317 = vector.broadcast %add3A_316 : i32 to vector<16xi32>
          %add3A_318 = arith.addi %mul3A_9, %add3A_317 : vector<16xi32>
          %gather3A_319 = tpu.vector_load_idx %arg8[%add3A_318] : memref<544xf32, #tpu.memory_space<vmem>>[vector<16xi32>], vector<16xf32>,
          %add3A_320 = arith.constant 2 : i32
          %add3A_321 = arith.addi %mul3A_86, %add3A_320 : i32
          %mul3A_322 = arith.constant 32 : i32
          %mul3A_323 = arith.muli %add3A_321, %mul3A_322 : i32
          %swap3A_324 = arith.index_cast %mul3A_323 : i32 to index
          %swap3A_325 = tpu.vector_load %arg7[%swap3A_324] {strides = array<i32>} : memref<32768xf32, #tpu.memory_space<vmem>>, vector<16xf32>,
          tpu.vector_store %arg7[%swap3A_324], %gather3A_315 {strides = array<i32>} : memref<32768xf32, #tpu.memory_space<vmem>>, vector<16xf32>,
          %add3A_326 = arith.constant 16 : i32
          %add3A_327 = arith.addi %mul3A_323, %add3A_326 : i32
          %swap3A_328 = arith.index_cast %add3A_327 : i32 to index
          %swap3A_329 = tpu.vector_load %arg7[%swap3A_328] {strides = array<i32>} : memref<32768xf32, #tpu.memory_space<vmem>>, vector<16xf32>,
          tpu.vector_store %arg7[%swap3A_328], %gather3A_319 {strides = array<i32>} : memref<32768xf32, #tpu.memory_space<vmem>>, vector<16xf32>,
          %add3A_330 = arith.constant 3 : i32
          %add3A_331 = vector.broadcast %add3A_330 : i32 to vector<16xi32>
          %add3A_332 = arith.addi %mul3A_3, %add3A_331 : vector<16xi32>
          %gather3A_333 = tpu.vector_load_idx %arg8[%add3A_332] : memref<544xf32, #tpu.memory_space<vmem>>[vector<16xi32>], vector<16xf32>,
          %add3A_334 = arith.constant 3 : i32
          %add3A_335 = vector.broadcast %add3A_334 : i32 to vector<16xi32>
          %add3A_336 = arith.addi %mul3A_9, %add3A_335 : vector<16xi32>
          %gather3A_337 = tpu.vector_load_idx %arg8[%add3A_336] : memref<544xf32, #tpu.memory_space<vmem>>[vector<16xi32>], vector<16xf32>,
          %add3A_338 = arith.constant 3 : i32
          %add3A_339 = arith.addi %mul3A_86, %add3A_338 : i32
          %mul3A_340 = arith.constant 32 : i32
          %mul3A_341 = arith.muli %add3A_339, %mul3A_340 : i32
          %swap3A_342 = arith.index_cast %mul3A_341 : i32 to index
          %swap3A_343 = tpu.vector_load %arg7[%swap3A_342] {strides = array<i32>} : memref<32768xf32, #tpu.memory_space<vmem>>, vector<16xf32>,
          tpu.vector_store %arg7[%swap3A_342], %gather3A_333 {strides = array<i32>} : memref<32768xf32, #tpu.memory_space<vmem>>, vector<16xf32>,
          %add3A_344 = arith.constant 16 : i32
          %add3A_345 = arith.addi %mul3A_341, %add3A_344 : i32
          %swap3A_346 = arith.index_cast %add3A_345 : i32 to index
          %swap3A_347 = tpu.vector_load %arg7[%swap3A_346] {strides = array<i32>} : memref<32768xf32, #tpu.memory_space<vmem>>, vector<16xf32>,
          tpu.vector_store %arg7[%swap3A_346], %gather3A_337 {strides = array<i32>} : memref<32768xf32, #tpu.memory_space<vmem>>, vector<16xf32>,
          %add3A_348 = arith.constant 4 : i32
          %add3A_349 = vector.broadcast %add3A_348 : i32 to vector<16xi32>
          %add3A_350 = arith.addi %mul3A_3, %add3A_349 : vector<16xi32>
          %gather3A_351 = tpu.vector_load_idx %arg8[%add3A_350] : memref<544xf32, #tpu.memory_space<vmem>>[vector<16xi32>], vector<16xf32>,
          %add3A_352 = arith.constant 4 : i32
          %add3A_353 = vector.broadcast %add3A_352 : i32 to vector<16xi32>
          %add3A_354 = arith.addi %mul3A_9, %add3A_353 : vector<16xi32>
          %gather3A_355 = tpu.vector_load_idx %arg8[%add3A_354] : memref<544xf32, #tpu.memory_space<vmem>>[vector<16xi32>], vector<16xf32>,
          %add3A_356 = arith.constant 4 : i32
          %add3A_357 = arith.addi %mul3A_86, %add3A_356 : i32
          %mul3A_358 = arith.constant 32 : i32
          %mul3A_359 = arith.muli %add3A_357, %mul3A_358 : i32
          %swap3A_360 = arith.index_cast %mul3A_359 : i32 to index
          %swap3A_361 = tpu.vector_load %arg7[%swap3A_360] {strides = array<i32>} : memref<32768xf32, #tpu.memory_space<vmem>>, vector<16xf32>,
          tpu.vector_store %arg7[%swap3A_360], %gather3A_351 {strides = array<i32>} : memref<32768xf32, #tpu.memory_space<vmem>>, vector<16xf32>,
          %add3A_362 = arith.constant 16 : i32
          %add3A_363 = arith.addi %mul3A_359, %add3A_362 : i32
          %swap3A_364 = arith.index_cast %add3A_363 : i32 to index
          %swap3A_365 = tpu.vector_load %arg7[%swap3A_364] {strides = array<i32>} : memref<32768xf32, #tpu.memory_space<vmem>>, vector<16xf32>,
          tpu.vector_store %arg7[%swap3A_364], %gather3A_355 {strides = array<i32>} : memref<32768xf32, #tpu.memory_space<vmem>>, vector<16xf32>,
          %add3A_366 = arith.constant 5 : i32
          %add3A_367 = vector.broadcast %add3A_366 : i32 to vector<16xi32>
          %add3A_368 = arith.addi %mul3A_3, %add3A_367 : vector<16xi32>
          %gather3A_369 = tpu.vector_load_idx %arg8[%add3A_368] : memref<544xf32, #tpu.memory_space<vmem>>[vector<16xi32>], vector<16xf32>,
          %add3A_370 = arith.constant 5 : i32
          %add3A_371 = vector.broadcast %add3A_370 : i32 to vector<16xi32>
          %add3A_372 = arith.addi %mul3A_9, %add3A_371 : vector<16xi32>
          %gather3A_373 = tpu.vector_load_idx %arg8[%add3A_372] : memref<544xf32, #tpu.memory_space<vmem>>[vector<16xi32>], vector<16xf32>,
          %add3A_374 = arith.constant 5 : i32
          %add3A_375 = arith.addi %mul3A_86, %add3A_374 : i32
          %mul3A_376 = arith.constant 32 : i32
          %mul3A_377 = arith.muli %add3A_375, %mul3A_376 : i32
          %swap3A_378 = arith.index_cast %mul3A_377 : i32 to index
          %swap3A_379 = tpu.vector_load %arg7[%swap3A_378] {strides = array<i32>} : memref<32768xf32, #tpu.memory_space<vmem>>, vector<16xf32>,
          tpu.vector_store %arg7[%swap3A_378], %gather3A_369 {strides = array<i32>} : memref<32768xf32, #tpu.memory_space<vmem>>, vector<16xf32>,
          %add3A_380 = arith.constant 16 : i32
          %add3A_381 = arith.addi %mul3A_377, %add3A_380 : i32
          %swap3A_382 = arith.index_cast %add3A_381 : i32 to index
          %swap3A_383 = tpu.vector_load %arg7[%swap3A_382] {strides = array<i32>} : memref<32768xf32, #tpu.memory_space<vmem>>, vector<16xf32>,
          tpu.vector_store %arg7[%swap3A_382], %gather3A_373 {strides = array<i32>} : memref<32768xf32, #tpu.memory_space<vmem>>, vector<16xf32>,
          %add3A_384 = arith.constant 6 : i32
          %add3A_385 = vector.broadcast %add3A_384 : i32 to vector<16xi32>
          %add3A_386 = arith.addi %mul3A_3, %add3A_385 : vector<16xi32>
          %gather3A_387 = tpu.vector_load_idx %arg8[%add3A_386] : memref<544xf32, #tpu.memory_space<vmem>>[vector<16xi32>], vector<16xf32>,
          %add3A_388 = arith.constant 6 : i32
          %add3A_389 = vector.broadcast %add3A_388 : i32 to vector<16xi32>
          %add3A_390 = arith.addi %mul3A_9, %add3A_389 : vector<16xi32>
          %gather3A_391 = tpu.vector_load_idx %arg8[%add3A_390] : memref<544xf32, #tpu.memory_space<vmem>>[vector<16xi32>], vector<16xf32>,
          %add3A_392 = arith.constant 6 : i32
          %add3A_393 = arith.addi %mul3A_86, %add3A_392 : i32
          %mul3A_394 = arith.constant 32 : i32
          %mul3A_395 = arith.muli %add3A_393, %mul3A_394 : i32
          %swap3A_396 = arith.index_cast %mul3A_395 : i32 to index
          %swap3A_397 = tpu.vector_load %arg7[%swap3A_396] {strides = array<i32>} : memref<32768xf32, #tpu.memory_space<vmem>>, vector<16xf32>,
          tpu.vector_store %arg7[%swap3A_396], %gather3A_387 {strides = array<i32>} : memref<32768xf32, #tpu.memory_space<vmem>>, vector<16xf32>,
          %add3A_398 = arith.constant 16 : i32
          %add3A_399 = arith.addi %mul3A_395, %add3A_398 : i32
          %swap3A_400 = arith.index_cast %add3A_399 : i32 to index
          %swap3A_401 = tpu.vector_load %arg7[%swap3A_400] {strides = array<i32>} : memref<32768xf32, #tpu.memory_space<vmem>>, vector<16xf32>,
          tpu.vector_store %arg7[%swap3A_400], %gather3A_391 {strides = array<i32>} : memref<32768xf32, #tpu.memory_space<vmem>>, vector<16xf32>,
          %add3A_402 = arith.constant 7 : i32
          %add3A_403 = vector.broadcast %add3A_402 : i32 to vector<16xi32>
          %add3A_404 = arith.addi %mul3A_3, %add3A_403 : vector<16xi32>
          %gather3A_405 = tpu.vector_load_idx %arg8[%add3A_404] : memref<544xf32, #tpu.memory_space<vmem>>[vector<16xi32>], vector<16xf32>,
          %add3A_406 = arith.constant 7 : i32
          %add3A_407 = vector.broadcast %add3A_406 : i32 to vector<16xi32>
          %add3A_408 = arith.addi %mul3A_9, %add3A_407 : vector<16xi32>
          %gather3A_409 = tpu.vector_load_idx %arg8[%add3A_408] : memref<544xf32, #tpu.memory_space<vmem>>[vector<16xi32>], vector<16xf32>,
          %add3A_410 = arith.constant 7 : i32
          %add3A_411 = arith.addi %mul3A_86, %add3A_410 : i32
          %mul3A_412 = arith.constant 32 : i32
          %mul3A_413 = arith.muli %add3A_411, %mul3A_412 : i32
          %swap3A_414 = arith.index_cast %mul3A_413 : i32 to index
          %swap3A_415 = tpu.vector_load %arg7[%swap3A_414] {strides = array<i32>} : memref<32768xf32, #tpu.memory_space<vmem>>, vector<16xf32>,
          tpu.vector_store %arg7[%swap3A_414], %gather3A_405 {strides = array<i32>} : memref<32768xf32, #tpu.memory_space<vmem>>, vector<16xf32>,
          %add3A_416 = arith.constant 16 : i32
          %add3A_417 = arith.addi %mul3A_413, %add3A_416 : i32
          %swap3A_418 = arith.index_cast %add3A_417 : i32 to index
          %swap3A_419 = tpu.vector_load %arg7[%swap3A_418] {strides = array<i32>} : memref<32768xf32, #tpu.memory_space<vmem>>, vector<16xf32>,
          tpu.vector_store %arg7[%swap3A_418], %gather3A_409 {strides = array<i32>} : memref<32768xf32, #tpu.memory_space<vmem>>, vector<16xf32>,
          %add3A_420 = arith.constant 8 : i32
          %add3A_421 = vector.broadcast %add3A_420 : i32 to vector<16xi32>
          %add3A_422 = arith.addi %mul3A_3, %add3A_421 : vector<16xi32>
          %gather3A_423 = tpu.vector_load_idx %arg8[%add3A_422] : memref<544xf32, #tpu.memory_space<vmem>>[vector<16xi32>], vector<16xf32>,
          %add3A_424 = arith.constant 8 : i32
          %add3A_425 = vector.broadcast %add3A_424 : i32 to vector<16xi32>
          %add3A_426 = arith.addi %mul3A_9, %add3A_425 : vector<16xi32>
          %gather3A_427 = tpu.vector_load_idx %arg8[%add3A_426] : memref<544xf32, #tpu.memory_space<vmem>>[vector<16xi32>], vector<16xf32>,
          %add3A_428 = arith.constant 8 : i32
          %add3A_429 = arith.addi %mul3A_86, %add3A_428 : i32
          %mul3A_430 = arith.constant 32 : i32
          %mul3A_431 = arith.muli %add3A_429, %mul3A_430 : i32
          %swap3A_432 = arith.index_cast %mul3A_431 : i32 to index
          %swap3A_433 = tpu.vector_load %arg7[%swap3A_432] {strides = array<i32>} : memref<32768xf32, #tpu.memory_space<vmem>>, vector<16xf32>,
          tpu.vector_store %arg7[%swap3A_432], %gather3A_423 {strides = array<i32>} : memref<32768xf32, #tpu.memory_space<vmem>>, vector<16xf32>,
          %add3A_434 = arith.constant 16 : i32
          %add3A_435 = arith.addi %mul3A_431, %add3A_434 : i32
          %swap3A_436 = arith.index_cast %add3A_435 : i32 to index
          %swap3A_437 = tpu.vector_load %arg7[%swap3A_436] {strides = array<i32>} : memref<32768xf32, #tpu.memory_space<vmem>>, vector<16xf32>,
          tpu.vector_store %arg7[%swap3A_436], %gather3A_427 {strides = array<i32>} : memref<32768xf32, #tpu.memory_space<vmem>>, vector<16xf32>,
          %add3A_438 = arith.constant 9 : i32
          %add3A_439 = vector.broadcast %add3A_438 : i32 to vector<16xi32>
          %add3A_440 = arith.addi %mul3A_3, %add3A_439 : vector<16xi32>
          %gather3A_441 = tpu.vector_load_idx %arg8[%add3A_440] : memref<544xf32, #tpu.memory_space<vmem>>[vector<16xi32>], vector<16xf32>,
          %add3A_442 = arith.constant 9 : i32
          %add3A_443 = vector.broadcast %add3A_442 : i32 to vector<16xi32>
          %add3A_444 = arith.addi %mul3A_9, %add3A_443 : vector<16xi32>
          %gather3A_445 = tpu.vector_load_idx %arg8[%add3A_444] : memref<544xf32, #tpu.memory_space<vmem>>[vector<16xi32>], vector<16xf32>,
          %add3A_446 = arith.constant 9 : i32
          %add3A_447 = arith.addi %mul3A_86, %add3A_446 : i32
          %mul3A_448 = arith.constant 32 : i32
          %mul3A_449 = arith.muli %add3A_447, %mul3A_448 : i32
          %swap3A_450 = arith.index_cast %mul3A_449 : i32 to index
          %swap3A_451 = tpu.vector_load %arg7[%swap3A_450] {strides = array<i32>} : memref<32768xf32, #tpu.memory_space<vmem>>, vector<16xf32>,
          tpu.vector_store %arg7[%swap3A_450], %gather3A_441 {strides = array<i32>} : memref<32768xf32, #tpu.memory_space<vmem>>, vector<16xf32>,
          %add3A_452 = arith.constant 16 : i32
          %add3A_453 = arith.addi %mul3A_449, %add3A_452 : i32
          %swap3A_454 = arith.index_cast %add3A_453 : i32 to index
          %swap3A_455 = tpu.vector_load %arg7[%swap3A_454] {strides = array<i32>} : memref<32768xf32, #tpu.memory_space<vmem>>, vector<16xf32>,
          tpu.vector_store %arg7[%swap3A_454], %gather3A_445 {strides = array<i32>} : memref<32768xf32, #tpu.memory_space<vmem>>, vector<16xf32>,
          %add3A_456 = arith.constant 10 : i32
          %add3A_457 = vector.broadcast %add3A_456 : i32 to vector<16xi32>
          %add3A_458 = arith.addi %mul3A_3, %add3A_457 : vector<16xi32>
          %gather3A_459 = tpu.vector_load_idx %arg8[%add3A_458] : memref<544xf32, #tpu.memory_space<vmem>>[vector<16xi32>], vector<16xf32>,
          %add3A_460 = arith.constant 10 : i32
          %add3A_461 = vector.broadcast %add3A_460 : i32 to vector<16xi32>
          %add3A_462 = arith.addi %mul3A_9, %add3A_461 : vector<16xi32>
          %gather3A_463 = tpu.vector_load_idx %arg8[%add3A_462] : memref<544xf32, #tpu.memory_space<vmem>>[vector<16xi32>], vector<16xf32>,
          %add3A_464 = arith.constant 10 : i32
          %add3A_465 = arith.addi %mul3A_86, %add3A_464 : i32
          %mul3A_466 = arith.constant 32 : i32
          %mul3A_467 = arith.muli %add3A_465, %mul3A_466 : i32
          %swap3A_468 = arith.index_cast %mul3A_467 : i32 to index
          %swap3A_469 = tpu.vector_load %arg7[%swap3A_468] {strides = array<i32>} : memref<32768xf32, #tpu.memory_space<vmem>>, vector<16xf32>,
          tpu.vector_store %arg7[%swap3A_468], %gather3A_459 {strides = array<i32>} : memref<32768xf32, #tpu.memory_space<vmem>>, vector<16xf32>,
          %add3A_470 = arith.constant 16 : i32
          %add3A_471 = arith.addi %mul3A_467, %add3A_470 : i32
          %swap3A_472 = arith.index_cast %add3A_471 : i32 to index
          %swap3A_473 = tpu.vector_load %arg7[%swap3A_472] {strides = array<i32>} : memref<32768xf32, #tpu.memory_space<vmem>>, vector<16xf32>,
          tpu.vector_store %arg7[%swap3A_472], %gather3A_463 {strides = array<i32>} : memref<32768xf32, #tpu.memory_space<vmem>>, vector<16xf32>,
          %add3A_474 = arith.constant 11 : i32
          %add3A_475 = vector.broadcast %add3A_474 : i32 to vector<16xi32>
          %add3A_476 = arith.addi %mul3A_3, %add3A_475 : vector<16xi32>
          %gather3A_477 = tpu.vector_load_idx %arg8[%add3A_476] : memref<544xf32, #tpu.memory_space<vmem>>[vector<16xi32>], vector<16xf32>,
          %add3A_478 = arith.constant 11 : i32
          %add3A_479 = vector.broadcast %add3A_478 : i32 to vector<16xi32>
          %add3A_480 = arith.addi %mul3A_9, %add3A_479 : vector<16xi32>
          %gather3A_481 = tpu.vector_load_idx %arg8[%add3A_480] : memref<544xf32, #tpu.memory_space<vmem>>[vector<16xi32>], vector<16xf32>,
          %add3A_482 = arith.constant 11 : i32
          %add3A_483 = arith.addi %mul3A_86, %add3A_482 : i32
          %mul3A_484 = arith.constant 32 : i32
          %mul3A_485 = arith.muli %add3A_483, %mul3A_484 : i32
          %swap3A_486 = arith.index_cast %mul3A_485 : i32 to index
          %swap3A_487 = tpu.vector_load %arg7[%swap3A_486] {strides = array<i32>} : memref<32768xf32, #tpu.memory_space<vmem>>, vector<16xf32>,
          tpu.vector_store %arg7[%swap3A_486], %gather3A_477 {strides = array<i32>} : memref<32768xf32, #tpu.memory_space<vmem>>, vector<16xf32>,
          %add3A_488 = arith.constant 16 : i32
          %add3A_489 = arith.addi %mul3A_485, %add3A_488 : i32
          %swap3A_490 = arith.index_cast %add3A_489 : i32 to index
          %swap3A_491 = tpu.vector_load %arg7[%swap3A_490] {strides = array<i32>} : memref<32768xf32, #tpu.memory_space<vmem>>, vector<16xf32>,
          tpu.vector_store %arg7[%swap3A_490], %gather3A_481 {strides = array<i32>} : memref<32768xf32, #tpu.memory_space<vmem>>, vector<16xf32>,
          %add3A_492 = arith.constant 12 : i32
          %add3A_493 = vector.broadcast %add3A_492 : i32 to vector<16xi32>
          %add3A_494 = arith.addi %mul3A_3, %add3A_493 : vector<16xi32>
          %gather3A_495 = tpu.vector_load_idx %arg8[%add3A_494] : memref<544xf32, #tpu.memory_space<vmem>>[vector<16xi32>], vector<16xf32>,
          %add3A_496 = arith.constant 12 : i32
          %add3A_497 = vector.broadcast %add3A_496 : i32 to vector<16xi32>
          %add3A_498 = arith.addi %mul3A_9, %add3A_497 : vector<16xi32>
          %gather3A_499 = tpu.vector_load_idx %arg8[%add3A_498] : memref<544xf32, #tpu.memory_space<vmem>>[vector<16xi32>], vector<16xf32>,
          %add3A_500 = arith.constant 12 : i32
          %add3A_501 = arith.addi %mul3A_86, %add3A_500 : i32
          %mul3A_502 = arith.constant 32 : i32
          %mul3A_503 = arith.muli %add3A_501, %mul3A_502 : i32
          %swap3A_504 = arith.index_cast %mul3A_503 : i32 to index
          %swap3A_505 = tpu.vector_load %arg7[%swap3A_504] {strides = array<i32>} : memref<32768xf32, #tpu.memory_space<vmem>>, vector<16xf32>,
          tpu.vector_store %arg7[%swap3A_504], %gather3A_495 {strides = array<i32>} : memref<32768xf32, #tpu.memory_space<vmem>>, vector<16xf32>,
          %add3A_506 = arith.constant 16 : i32
          %add3A_507 = arith.addi %mul3A_503, %add3A_506 : i32
          %swap3A_508 = arith.index_cast %add3A_507 : i32 to index
          %swap3A_509 = tpu.vector_load %arg7[%swap3A_508] {strides = array<i32>} : memref<32768xf32, #tpu.memory_space<vmem>>, vector<16xf32>,
          tpu.vector_store %arg7[%swap3A_508], %gather3A_499 {strides = array<i32>} : memref<32768xf32, #tpu.memory_space<vmem>>, vector<16xf32>,
          %add3A_510 = arith.constant 13 : i32
          %add3A_511 = vector.broadcast %add3A_510 : i32 to vector<16xi32>
          %add3A_512 = arith.addi %mul3A_3, %add3A_511 : vector<16xi32>
          %gather3A_513 = tpu.vector_load_idx %arg8[%add3A_512] : memref<544xf32, #tpu.memory_space<vmem>>[vector<16xi32>], vector<16xf32>,
          %add3A_514 = arith.constant 13 : i32
          %add3A_515 = vector.broadcast %add3A_514 : i32 to vector<16xi32>
          %add3A_516 = arith.addi %mul3A_9, %add3A_515 : vector<16xi32>
          %gather3A_517 = tpu.vector_load_idx %arg8[%add3A_516] : memref<544xf32, #tpu.memory_space<vmem>>[vector<16xi32>], vector<16xf32>,
          %add3A_518 = arith.constant 13 : i32
          %add3A_519 = arith.addi %mul3A_86, %add3A_518 : i32
          %mul3A_520 = arith.constant 32 : i32
          %mul3A_521 = arith.muli %add3A_519, %mul3A_520 : i32
          %swap3A_522 = arith.index_cast %mul3A_521 : i32 to index
          %swap3A_523 = tpu.vector_load %arg7[%swap3A_522] {strides = array<i32>} : memref<32768xf32, #tpu.memory_space<vmem>>, vector<16xf32>,
          tpu.vector_store %arg7[%swap3A_522], %gather3A_513 {strides = array<i32>} : memref<32768xf32, #tpu.memory_space<vmem>>, vector<16xf32>,
          %add3A_524 = arith.constant 16 : i32
          %add3A_525 = arith.addi %mul3A_521, %add3A_524 : i32
          %swap3A_526 = arith.index_cast %add3A_525 : i32 to index
          %swap3A_527 = tpu.vector_load %arg7[%swap3A_526] {strides = array<i32>} : memref<32768xf32, #tpu.memory_space<vmem>>, vector<16xf32>,
          tpu.vector_store %arg7[%swap3A_526], %gather3A_517 {strides = array<i32>} : memref<32768xf32, #tpu.memory_space<vmem>>, vector<16xf32>,
          %add3A_528 = arith.constant 14 : i32
          %add3A_529 = vector.broadcast %add3A_528 : i32 to vector<16xi32>
          %add3A_530 = arith.addi %mul3A_3, %add3A_529 : vector<16xi32>
          %gather3A_531 = tpu.vector_load_idx %arg8[%add3A_530] : memref<544xf32, #tpu.memory_space<vmem>>[vector<16xi32>], vector<16xf32>,
          %add3A_532 = arith.constant 14 : i32
          %add3A_533 = vector.broadcast %add3A_532 : i32 to vector<16xi32>
          %add3A_534 = arith.addi %mul3A_9, %add3A_533 : vector<16xi32>
          %gather3A_535 = tpu.vector_load_idx %arg8[%add3A_534] : memref<544xf32, #tpu.memory_space<vmem>>[vector<16xi32>], vector<16xf32>,
          %add3A_536 = arith.constant 14 : i32
          %add3A_537 = arith.addi %mul3A_86, %add3A_536 : i32
          %mul3A_538 = arith.constant 32 : i32
          %mul3A_539 = arith.muli %add3A_537, %mul3A_538 : i32
          %swap3A_540 = arith.index_cast %mul3A_539 : i32 to index
          %swap3A_541 = tpu.vector_load %arg7[%swap3A_540] {strides = array<i32>} : memref<32768xf32, #tpu.memory_space<vmem>>, vector<16xf32>,
          tpu.vector_store %arg7[%swap3A_540], %gather3A_531 {strides = array<i32>} : memref<32768xf32, #tpu.memory_space<vmem>>, vector<16xf32>,
          %add3A_542 = arith.constant 16 : i32
          %add3A_543 = arith.addi %mul3A_539, %add3A_542 : i32
          %swap3A_544 = arith.index_cast %add3A_543 : i32 to index
          %swap3A_545 = tpu.vector_load %arg7[%swap3A_544] {strides = array<i32>} : memref<32768xf32, #tpu.memory_space<vmem>>, vector<16xf32>,
          tpu.vector_store %arg7[%swap3A_544], %gather3A_535 {strides = array<i32>} : memref<32768xf32, #tpu.memory_space<vmem>>, vector<16xf32>,
          %add3A_546 = arith.constant 15 : i32
          %add3A_547 = vector.broadcast %add3A_546 : i32 to vector<16xi32>
          %add3A_548 = arith.addi %mul3A_3, %add3A_547 : vector<16xi32>
          %gather3A_549 = tpu.vector_load_idx %arg8[%add3A_548] : memref<544xf32, #tpu.memory_space<vmem>>[vector<16xi32>], vector<16xf32>,
          %add3A_550 = arith.constant 15 : i32
          %add3A_551 = vector.broadcast %add3A_550 : i32 to vector<16xi32>
          %add3A_552 = arith.addi %mul3A_9, %add3A_551 : vector<16xi32>
          %gather3A_553 = tpu.vector_load_idx %arg8[%add3A_552] : memref<544xf32, #tpu.memory_space<vmem>>[vector<16xi32>], vector<16xf32>,
          %add3A_554 = arith.constant 15 : i32
          %add3A_555 = arith.addi %mul3A_86, %add3A_554 : i32
          %mul3A_556 = arith.constant 32 : i32
          %mul3A_557 = arith.muli %add3A_555, %mul3A_556 : i32
          %swap3A_558 = arith.index_cast %mul3A_557 : i32 to index
          %swap3A_559 = tpu.vector_load %arg7[%swap3A_558] {strides = array<i32>} : memref<32768xf32, #tpu.memory_space<vmem>>, vector<16xf32>,
          tpu.vector_store %arg7[%swap3A_558], %gather3A_549 {strides = array<i32>} : memref<32768xf32, #tpu.memory_space<vmem>>, vector<16xf32>,
          %add3A_560 = arith.constant 16 : i32
          %add3A_561 = arith.addi %mul3A_557, %add3A_560 : i32
          %swap3A_562 = arith.index_cast %add3A_561 : i32 to index
          %swap3A_563 = tpu.vector_load %arg7[%swap3A_562] {strides = array<i32>} : memref<32768xf32, #tpu.memory_space<vmem>>, vector<16xf32>,
          tpu.vector_store %arg7[%swap3A_562], %gather3A_553 {strides = array<i32>} : memref<32768xf32, #tpu.memory_space<vmem>>, vector<16xf32>,
          %scan3A_564 = arith.constant 0 : i32
          scf.yield %scan3A_564 : i32
        }
        %scan3A_78 = arith.constant 64 : i32
        %mul3A_79 = arith.constant 1024 : i32
        %mul3A_80 = arith.muli %add3A_60, %mul3A_79 : i32
        %mul3A_81 = arith.constant 32 : i32
        %mul3A_82 = arith.muli %mul3A_80, %mul3A_81 : i32
        "tpu.region"() ({
          %run_scoped3A = tpu.sem_alloc : memref<!tpu.dma_semaphore, #tpu.memory_space<semaphore_mem>>
          %dma_start3A = tpu.memref_slice %arg4[%mul3A_82] : memref<32000000xf32, #tpu.memory_space<hbm>> -> memref<32768xf32, #tpu.memory_space<hbm>>
          %dma_start3A_83 = tpu.memref_slice %arg4[%mul3A_82] : memref<32000000xf32, #tpu.memory_space<hbm>> -> memref<32768xf32, #tpu.memory_space<hbm>>
          tpu.enqueue_dma source(%arg7 : memref<32768xf32, #tpu.memory_space<vmem>>) target(%dma_start3A_83 : memref<32768xf32, #tpu.memory_space<hbm>>) target_semaphore(%run_scoped3A : memref<!tpu.dma_semaphore, #tpu.memory_space<semaphore_mem>>)
          %dma_wait3A_84 = tpu.memref_slice %arg4[%mul3A_82] : memref<32000000xf32, #tpu.memory_space<hbm>> -> memref<32768xf32, #tpu.memory_space<hbm>>
          %dma_wait3A_85 = tpu.memref_slice %arg4[%mul3A_82] : memref<32000000xf32, #tpu.memory_space<hbm>> -> memref<32768xf32, #tpu.memory_space<hbm>>
          tpu.wait_dma2 semaphore(%run_scoped3A : memref<!tpu.dma_semaphore, #tpu.memory_space<semaphore_mem>>) src(%arg7 : memref<32768xf32, #tpu.memory_space<vmem>>) dst(%dma_wait3A_85 : memref<32768xf32, #tpu.memory_space<hbm>>)
          tpu.yield
        }) : () -> ()
      } else {
      }
      %scan3A_66 = arith.constant 0 : i32
      scf.yield %scan3A_66 : i32
    }
    %scan3A_19 = arith.constant 16 : i32
    %eq3A = arith.constant 0 : i32
    %eq3A_20 = arith.cmpi eq, %add3A, %eq3A : i32
    %convert_element_type3A_21 = arith.extui %eq3A_20 : i1 to i32
    %cond3A_22 = arith.constant 0 : i32
    %cond3A_23 = arith.cmpi ne, %convert_element_type3A_21, %cond3A_22 : i32
    scf.if %cond3A_23 {
      "tpu.region"() ({
        %run_scoped3A = tpu.sem_alloc : memref<!tpu.dma_semaphore, #tpu.memory_space<semaphore_mem>>
        %dma_start3A = arith.constant 31981568 : i32
        %dma_start3A_24 = tpu.memref_slice %arg4[%dma_start3A] : memref<32000000xf32, #tpu.memory_space<hbm>> -> memref<18432xf32, #tpu.memory_space<hbm>>
        tpu.enqueue_dma source(%arg3 : memref<18432xf32, #tpu.memory_space<hbm>>) target(%dma_start3A_24 : memref<18432xf32, #tpu.memory_space<hbm>>) target_semaphore(%run_scoped3A : memref<!tpu.dma_semaphore, #tpu.memory_space<semaphore_mem>>)
        %dma_wait3A = arith.constant 31981568 : i32
        %dma_wait3A_25 = tpu.memref_slice %arg4[%dma_wait3A] : memref<32000000xf32, #tpu.memory_space<hbm>> -> memref<18432xf32, #tpu.memory_space<hbm>>
        tpu.wait_dma2 semaphore(%run_scoped3A : memref<!tpu.dma_semaphore, #tpu.memory_space<semaphore_mem>>) src(%arg3 : memref<18432xf32, #tpu.memory_space<hbm>>) dst(%dma_wait3A_25 : memref<18432xf32, #tpu.memory_space<hbm>>)
        tpu.yield
      }) : () -> ()
    } else {
    }
    return
  }
}

#map = affine_map<(d0, d1) -> (0)>
#map1 = affine_map<(d0, d1) -> (0, 0)>
module attributes {stable_mosaic.version = 14 : i64} {
  func.func @_gather_sc(%arg0: i32, %arg1: i32, %arg2: memref<819200xi32, #tpu.memory_space<hbm>>, %arg3: memref<1000000x32xf32, #tpu.memory_space<hbm>>, %arg4: memref<819200x32xf32, #tpu.memory_space<hbm>>, %arg5: memref<1600xi32, #tpu.memory_space<vmem>>, %arg6: memref<1600xi32, #tpu.memory_space<vmem>>, %arg7: memref<1600x32xf32, #tpu.memory_space<vmem>>, %arg8: memref<1600x32xf32, #tpu.memory_space<vmem>>, %arg9: memref<!tpu.dma_semaphore, #tpu.memory_space<semaphore_mem>>, %arg10: memref<!tpu.dma_semaphore, #tpu.memory_space<semaphore_mem>>) attributes {dimension_semantics = [#tpu.dimension_semantics<core_parallel>, #tpu.dimension_semantics<subcore_parallel>], iteration_bounds = array<i64: 2, 16>, scalar_prefetch = 0 : i64, scratch_operands = 6 : i64, tpu.core_type = #tpu.core_type<sc_vector_subcore>, window_params = [{transform_indices = #map}, {transform_indices = #map1}, {transform_indices = #map1}]} {
    %mul3A = arith.constant 2 : i32
    %mul3A_0 = arith.muli %arg1, %mul3A : i32
    %add3A = arith.addi %mul3A_0, %arg0 : i32
    %mul3A_1 = arith.constant 25600 : i32
    %mul3A_2 = arith.muli %add3A, %mul3A_1 : i32
    "tpu.region"() ({
      %run_scoped3A = tpu.sem_alloc : memref<!tpu.dma_semaphore, #tpu.memory_space<semaphore_mem>>
      %dma_start3A_159 = tpu.memref_slice %arg2[%mul3A_2] : memref<819200xi32, #tpu.memory_space<hbm>> -> memref<1600xi32, #tpu.memory_space<hbm>>
      %dma_start3A_160 = tpu.memref_slice %arg2[%mul3A_2] : memref<819200xi32, #tpu.memory_space<hbm>> -> memref<1600xi32, #tpu.memory_space<hbm>>
      tpu.enqueue_dma source(%dma_start3A_160 : memref<1600xi32, #tpu.memory_space<hbm>>) target(%arg5 : memref<1600xi32, #tpu.memory_space<vmem>>) target_semaphore(%run_scoped3A : memref<!tpu.dma_semaphore, #tpu.memory_space<semaphore_mem>>)
      %dma_wait3A_161 = tpu.memref_slice %arg2[%mul3A_2] : memref<819200xi32, #tpu.memory_space<hbm>> -> memref<1600xi32, #tpu.memory_space<hbm>>
      %dma_wait3A_162 = tpu.memref_slice %arg2[%mul3A_2] : memref<819200xi32, #tpu.memory_space<hbm>> -> memref<1600xi32, #tpu.memory_space<hbm>>
      tpu.wait_dma2 semaphore(%run_scoped3A : memref<!tpu.dma_semaphore, #tpu.memory_space<semaphore_mem>>) src(%dma_wait3A_162 : memref<1600xi32, #tpu.memory_space<hbm>>) dst(%arg5 : memref<1600xi32, #tpu.memory_space<vmem>>)
      tpu.yield
    }) : () -> ()
    %dma_start3A = arith.constant 0 : i32
    %dma_start3A_3 = arith.constant 0 : i32
    %dma_start3A_4 = tpu.memref_slice %arg3[%dma_start3A, %dma_start3A_3] : memref<1000000x32xf32, #tpu.memory_space<hbm>> -> memref<1000000x32xf32, #tpu.memory_space<hbm>>
    tpu.enqueue_indirect_dma source(%dma_start3A_4 : memref<1000000x32xf32, #tpu.memory_space<hbm>>) target(%arg7 : memref<1600x32xf32, #tpu.memory_space<vmem>>) offsets(%arg5 : memref<1600xi32, #tpu.memory_space<vmem>>) semaphore(%arg9 : memref<!tpu.dma_semaphore, #tpu.memory_space<semaphore_mem>>)
    %add3A_5 = arith.constant 1600 : i32
    %add3A_6 = arith.addi %mul3A_2, %add3A_5 : i32
    "tpu.region"() ({
      %run_scoped3A = tpu.sem_alloc : memref<!tpu.dma_semaphore, #tpu.memory_space<semaphore_mem>>
      %dma_start3A_159 = tpu.memref_slice %arg2[%add3A_6] : memref<819200xi32, #tpu.memory_space<hbm>> -> memref<1600xi32, #tpu.memory_space<hbm>>
      %dma_start3A_160 = tpu.memref_slice %arg2[%add3A_6] : memref<819200xi32, #tpu.memory_space<hbm>> -> memref<1600xi32, #tpu.memory_space<hbm>>
      tpu.enqueue_dma source(%dma_start3A_160 : memref<1600xi32, #tpu.memory_space<hbm>>) target(%arg6 : memref<1600xi32, #tpu.memory_space<vmem>>) target_semaphore(%run_scoped3A : memref<!tpu.dma_semaphore, #tpu.memory_space<semaphore_mem>>)
      %dma_wait3A_161 = tpu.memref_slice %arg2[%add3A_6] : memref<819200xi32, #tpu.memory_space<hbm>> -> memref<1600xi32, #tpu.memory_space<hbm>>
      %dma_wait3A_162 = tpu.memref_slice %arg2[%add3A_6] : memref<819200xi32, #tpu.memory_space<hbm>> -> memref<1600xi32, #tpu.memory_space<hbm>>
      tpu.wait_dma2 semaphore(%run_scoped3A : memref<!tpu.dma_semaphore, #tpu.memory_space<semaphore_mem>>) src(%dma_wait3A_162 : memref<1600xi32, #tpu.memory_space<hbm>>) dst(%arg6 : memref<1600xi32, #tpu.memory_space<vmem>>)
      tpu.yield
    }) : () -> ()
    %dma_start3A_7 = arith.constant 0 : i32
    %dma_start3A_8 = arith.constant 0 : i32
    %dma_start3A_9 = tpu.memref_slice %arg3[%dma_start3A_7, %dma_start3A_8] : memref<1000000x32xf32, #tpu.memory_space<hbm>> -> memref<1000000x32xf32, #tpu.memory_space<hbm>>
    tpu.enqueue_indirect_dma source(%dma_start3A_9 : memref<1000000x32xf32, #tpu.memory_space<hbm>>) target(%arg8 : memref<1600x32xf32, #tpu.memory_space<vmem>>) offsets(%arg6 : memref<1600xi32, #tpu.memory_space<vmem>>) semaphore(%arg10 : memref<!tpu.dma_semaphore, #tpu.memory_space<semaphore_mem>>)
    %dma_wait3A = arith.constant 0 : i32
    %dma_wait3A_10 = arith.constant 0 : i32
    %dma_wait3A_11 = tpu.memref_slice %arg3[%dma_wait3A, %dma_wait3A_10] : memref<1000000x32xf32, #tpu.memory_space<hbm>> -> memref<1000000x32xf32, #tpu.memory_space<hbm>>
    tpu.wait_indirect_dma semaphore(%arg9 : memref<!tpu.dma_semaphore, #tpu.memory_space<semaphore_mem>>) src(%dma_wait3A_11 : memref<1000000x32xf32, #tpu.memory_space<hbm>>) dst(%arg7 : memref<1600x32xf32, #tpu.memory_space<vmem>>)
    %add3A_12 = arith.constant 0 : i32
    %add3A_13 = arith.addi %mul3A_2, %add3A_12 : i32
    "tpu.region"() ({
      %run_scoped3A = tpu.sem_alloc : memref<!tpu.dma_semaphore, #tpu.memory_space<semaphore_mem>>
      %dma_start3A_159 = arith.constant 0 : i32
      %dma_start3A_160 = tpu.memref_slice %arg4[%add3A_13, %dma_start3A_159] : memref<819200x32xf32, #tpu.memory_space<hbm>> -> memref<1600x32xf32, #tpu.memory_space<hbm>>
      %dma_start3A_161 = arith.constant 0 : i32
      %dma_start3A_162 = tpu.memref_slice %arg4[%add3A_13, %dma_start3A_161] : memref<819200x32xf32, #tpu.memory_space<hbm>> -> memref<1600x32xf32, #tpu.memory_space<hbm>>
      tpu.enqueue_dma source(%arg7 : memref<1600x32xf32, #tpu.memory_space<vmem>>) target(%dma_start3A_162 : memref<1600x32xf32, #tpu.memory_space<hbm>>) target_semaphore(%run_scoped3A : memref<!tpu.dma_semaphore, #tpu.memory_space<semaphore_mem>>)
      %dma_wait3A_163 = arith.constant 0 : i32
      %dma_wait3A_164 = tpu.memref_slice %arg4[%add3A_13, %dma_wait3A_163] : memref<819200x32xf32, #tpu.memory_space<hbm>> -> memref<1600x32xf32, #tpu.memory_space<hbm>>
      %dma_wait3A_165 = arith.constant 0 : i32
      %dma_wait3A_166 = tpu.memref_slice %arg4[%add3A_13, %dma_wait3A_165] : memref<819200x32xf32, #tpu.memory_space<hbm>> -> memref<1600x32xf32, #tpu.memory_space<hbm>>
      tpu.wait_dma2 semaphore(%run_scoped3A : memref<!tpu.dma_semaphore, #tpu.memory_space<semaphore_mem>>) src(%arg7 : memref<1600x32xf32, #tpu.memory_space<vmem>>) dst(%dma_wait3A_166 : memref<1600x32xf32, #tpu.memory_space<hbm>>)
      tpu.yield
    }) : () -> ()
    %add3A_14 = arith.constant 3200 : i32
    %add3A_15 = arith.addi %mul3A_2, %add3A_14 : i32
    "tpu.region"() ({
      %run_scoped3A = tpu.sem_alloc : memref<!tpu.dma_semaphore, #tpu.memory_space<semaphore_mem>>
      %dma_start3A_159 = tpu.memref_slice %arg2[%add3A_15] : memref<819200xi32, #tpu.memory_space<hbm>> -> memref<1600xi32, #tpu.memory_space<hbm>>
      %dma_start3A_160 = tpu.memref_slice %arg2[%add3A_15] : memref<819200xi32, #tpu.memory_space<hbm>> -> memref<1600xi32, #tpu.memory_space<hbm>>
      tpu.enqueue_dma source(%dma_start3A_160 : memref<1600xi32, #tpu.memory_space<hbm>>) target(%arg5 : memref<1600xi32, #tpu.memory_space<vmem>>) target_semaphore(%run_scoped3A : memref<!tpu.dma_semaphore, #tpu.memory_space<semaphore_mem>>)
      %dma_wait3A_161 = tpu.memref_slice %arg2[%add3A_15] : memref<819200xi32, #tpu.memory_space<hbm>> -> memref<1600xi32, #tpu.memory_space<hbm>>
      %dma_wait3A_162 = tpu.memref_slice %arg2[%add3A_15] : memref<819200xi32, #tpu.memory_space<hbm>> -> memref<1600xi32, #tpu.memory_space<hbm>>
      tpu.wait_dma2 semaphore(%run_scoped3A : memref<!tpu.dma_semaphore, #tpu.memory_space<semaphore_mem>>) src(%dma_wait3A_162 : memref<1600xi32, #tpu.memory_space<hbm>>) dst(%arg5 : memref<1600xi32, #tpu.memory_space<vmem>>)
      tpu.yield
    }) : () -> ()
    %dma_start3A_16 = arith.constant 0 : i32
    %dma_start3A_17 = arith.constant 0 : i32
    %dma_start3A_18 = tpu.memref_slice %arg3[%dma_start3A_16, %dma_start3A_17] : memref<1000000x32xf32, #tpu.memory_space<hbm>> -> memref<1000000x32xf32, #tpu.memory_space<hbm>>
    tpu.enqueue_indirect_dma source(%dma_start3A_18 : memref<1000000x32xf32, #tpu.memory_space<hbm>>) target(%arg7 : memref<1600x32xf32, #tpu.memory_space<vmem>>) offsets(%arg5 : memref<1600xi32, #tpu.memory_space<vmem>>) semaphore(%arg9 : memref<!tpu.dma_semaphore, #tpu.memory_space<semaphore_mem>>)
    %dma_wait3A_19 = arith.constant 0 : i32
    %dma_wait3A_20 = arith.constant 0 : i32
    %dma_wait3A_21 = tpu.memref_slice %arg3[%dma_wait3A_19, %dma_wait3A_20] : memref<1000000x32xf32, #tpu.memory_space<hbm>> -> memref<1000000x32xf32, #tpu.memory_space<hbm>>
    tpu.wait_indirect_dma semaphore(%arg10 : memref<!tpu.dma_semaphore, #tpu.memory_space<semaphore_mem>>) src(%dma_wait3A_21 : memref<1000000x32xf32, #tpu.memory_space<hbm>>) dst(%arg8 : memref<1600x32xf32, #tpu.memory_space<vmem>>)
    %add3A_22 = arith.constant 1600 : i32
    %add3A_23 = arith.addi %mul3A_2, %add3A_22 : i32
    "tpu.region"() ({
      %run_scoped3A = tpu.sem_alloc : memref<!tpu.dma_semaphore, #tpu.memory_space<semaphore_mem>>
      %dma_start3A_159 = arith.constant 0 : i32
      %dma_start3A_160 = tpu.memref_slice %arg4[%add3A_23, %dma_start3A_159] : memref<819200x32xf32, #tpu.memory_space<hbm>> -> memref<1600x32xf32, #tpu.memory_space<hbm>>
      %dma_start3A_161 = arith.constant 0 : i32
      %dma_start3A_162 = tpu.memref_slice %arg4[%add3A_23, %dma_start3A_161] : memref<819200x32xf32, #tpu.memory_space<hbm>> -> memref<1600x32xf32, #tpu.memory_space<hbm>>
      tpu.enqueue_dma source(%arg8 : memref<1600x32xf32, #tpu.memory_space<vmem>>) target(%dma_start3A_162 : memref<1600x32xf32, #tpu.memory_space<hbm>>) target_semaphore(%run_scoped3A : memref<!tpu.dma_semaphore, #tpu.memory_space<semaphore_mem>>)
      %dma_wait3A_163 = arith.constant 0 : i32
      %dma_wait3A_164 = tpu.memref_slice %arg4[%add3A_23, %dma_wait3A_163] : memref<819200x32xf32, #tpu.memory_space<hbm>> -> memref<1600x32xf32, #tpu.memory_space<hbm>>
      %dma_wait3A_165 = arith.constant 0 : i32
      %dma_wait3A_166 = tpu.memref_slice %arg4[%add3A_23, %dma_wait3A_165] : memref<819200x32xf32, #tpu.memory_space<hbm>> -> memref<1600x32xf32, #tpu.memory_space<hbm>>
      tpu.wait_dma2 semaphore(%run_scoped3A : memref<!tpu.dma_semaphore, #tpu.memory_space<semaphore_mem>>) src(%arg8 : memref<1600x32xf32, #tpu.memory_space<vmem>>) dst(%dma_wait3A_166 : memref<1600x32xf32, #tpu.memory_space<hbm>>)
      tpu.yield
    }) : () -> ()
    %add3A_24 = arith.constant 4800 : i32
    %add3A_25 = arith.addi %mul3A_2, %add3A_24 : i32
    "tpu.region"() ({
      %run_scoped3A = tpu.sem_alloc : memref<!tpu.dma_semaphore, #tpu.memory_space<semaphore_mem>>
      %dma_start3A_159 = tpu.memref_slice %arg2[%add3A_25] : memref<819200xi32, #tpu.memory_space<hbm>> -> memref<1600xi32, #tpu.memory_space<hbm>>
      %dma_start3A_160 = tpu.memref_slice %arg2[%add3A_25] : memref<819200xi32, #tpu.memory_space<hbm>> -> memref<1600xi32, #tpu.memory_space<hbm>>
      tpu.enqueue_dma source(%dma_start3A_160 : memref<1600xi32, #tpu.memory_space<hbm>>) target(%arg6 : memref<1600xi32, #tpu.memory_space<vmem>>) target_semaphore(%run_scoped3A : memref<!tpu.dma_semaphore, #tpu.memory_space<semaphore_mem>>)
      %dma_wait3A_161 = tpu.memref_slice %arg2[%add3A_25] : memref<819200xi32, #tpu.memory_space<hbm>> -> memref<1600xi32, #tpu.memory_space<hbm>>
      %dma_wait3A_162 = tpu.memref_slice %arg2[%add3A_25] : memref<819200xi32, #tpu.memory_space<hbm>> -> memref<1600xi32, #tpu.memory_space<hbm>>
      tpu.wait_dma2 semaphore(%run_scoped3A : memref<!tpu.dma_semaphore, #tpu.memory_space<semaphore_mem>>) src(%dma_wait3A_162 : memref<1600xi32, #tpu.memory_space<hbm>>) dst(%arg6 : memref<1600xi32, #tpu.memory_space<vmem>>)
      tpu.yield
    }) : () -> ()
    %dma_start3A_26 = arith.constant 0 : i32
    %dma_start3A_27 = arith.constant 0 : i32
    %dma_start3A_28 = tpu.memref_slice %arg3[%dma_start3A_26, %dma_start3A_27] : memref<1000000x32xf32, #tpu.memory_space<hbm>> -> memref<1000000x32xf32, #tpu.memory_space<hbm>>
    tpu.enqueue_indirect_dma source(%dma_start3A_28 : memref<1000000x32xf32, #tpu.memory_space<hbm>>) target(%arg8 : memref<1600x32xf32, #tpu.memory_space<vmem>>) offsets(%arg6 : memref<1600xi32, #tpu.memory_space<vmem>>) semaphore(%arg10 : memref<!tpu.dma_semaphore, #tpu.memory_space<semaphore_mem>>)
    %dma_wait3A_29 = arith.constant 0 : i32
    %dma_wait3A_30 = arith.constant 0 : i32
    %dma_wait3A_31 = tpu.memref_slice %arg3[%dma_wait3A_29, %dma_wait3A_30] : memref<1000000x32xf32, #tpu.memory_space<hbm>> -> memref<1000000x32xf32, #tpu.memory_space<hbm>>
    tpu.wait_indirect_dma semaphore(%arg9 : memref<!tpu.dma_semaphore, #tpu.memory_space<semaphore_mem>>) src(%dma_wait3A_31 : memref<1000000x32xf32, #tpu.memory_space<hbm>>) dst(%arg7 : memref<1600x32xf32, #tpu.memory_space<vmem>>)
    %add3A_32 = arith.constant 3200 : i32
    %add3A_33 = arith.addi %mul3A_2, %add3A_32 : i32
    "tpu.region"() ({
      %run_scoped3A = tpu.sem_alloc : memref<!tpu.dma_semaphore, #tpu.memory_space<semaphore_mem>>
      %dma_start3A_159 = arith.constant 0 : i32
      %dma_start3A_160 = tpu.memref_slice %arg4[%add3A_33, %dma_start3A_159] : memref<819200x32xf32, #tpu.memory_space<hbm>> -> memref<1600x32xf32, #tpu.memory_space<hbm>>
      %dma_start3A_161 = arith.constant 0 : i32
      %dma_start3A_162 = tpu.memref_slice %arg4[%add3A_33, %dma_start3A_161] : memref<819200x32xf32, #tpu.memory_space<hbm>> -> memref<1600x32xf32, #tpu.memory_space<hbm>>
      tpu.enqueue_dma source(%arg7 : memref<1600x32xf32, #tpu.memory_space<vmem>>) target(%dma_start3A_162 : memref<1600x32xf32, #tpu.memory_space<hbm>>) target_semaphore(%run_scoped3A : memref<!tpu.dma_semaphore, #tpu.memory_space<semaphore_mem>>)
      %dma_wait3A_163 = arith.constant 0 : i32
      %dma_wait3A_164 = tpu.memref_slice %arg4[%add3A_33, %dma_wait3A_163] : memref<819200x32xf32, #tpu.memory_space<hbm>> -> memref<1600x32xf32, #tpu.memory_space<hbm>>
      %dma_wait3A_165 = arith.constant 0 : i32
      %dma_wait3A_166 = tpu.memref_slice %arg4[%add3A_33, %dma_wait3A_165] : memref<819200x32xf32, #tpu.memory_space<hbm>> -> memref<1600x32xf32, #tpu.memory_space<hbm>>
      tpu.wait_dma2 semaphore(%run_scoped3A : memref<!tpu.dma_semaphore, #tpu.memory_space<semaphore_mem>>) src(%arg7 : memref<1600x32xf32, #tpu.memory_space<vmem>>) dst(%dma_wait3A_166 : memref<1600x32xf32, #tpu.memory_space<hbm>>)
      tpu.yield
    }) : () -> ()
    %add3A_34 = arith.constant 6400 : i32
    %add3A_35 = arith.addi %mul3A_2, %add3A_34 : i32
    "tpu.region"() ({
      %run_scoped3A = tpu.sem_alloc : memref<!tpu.dma_semaphore, #tpu.memory_space<semaphore_mem>>
      %dma_start3A_159 = tpu.memref_slice %arg2[%add3A_35] : memref<819200xi32, #tpu.memory_space<hbm>> -> memref<1600xi32, #tpu.memory_space<hbm>>
      %dma_start3A_160 = tpu.memref_slice %arg2[%add3A_35] : memref<819200xi32, #tpu.memory_space<hbm>> -> memref<1600xi32, #tpu.memory_space<hbm>>
      tpu.enqueue_dma source(%dma_start3A_160 : memref<1600xi32, #tpu.memory_space<hbm>>) target(%arg5 : memref<1600xi32, #tpu.memory_space<vmem>>) target_semaphore(%run_scoped3A : memref<!tpu.dma_semaphore, #tpu.memory_space<semaphore_mem>>)
      %dma_wait3A_161 = tpu.memref_slice %arg2[%add3A_35] : memref<819200xi32, #tpu.memory_space<hbm>> -> memref<1600xi32, #tpu.memory_space<hbm>>
      %dma_wait3A_162 = tpu.memref_slice %arg2[%add3A_35] : memref<819200xi32, #tpu.memory_space<hbm>> -> memref<1600xi32, #tpu.memory_space<hbm>>
      tpu.wait_dma2 semaphore(%run_scoped3A : memref<!tpu.dma_semaphore, #tpu.memory_space<semaphore_mem>>) src(%dma_wait3A_162 : memref<1600xi32, #tpu.memory_space<hbm>>) dst(%arg5 : memref<1600xi32, #tpu.memory_space<vmem>>)
      tpu.yield
    }) : () -> ()
    %dma_start3A_36 = arith.constant 0 : i32
    %dma_start3A_37 = arith.constant 0 : i32
    %dma_start3A_38 = tpu.memref_slice %arg3[%dma_start3A_36, %dma_start3A_37] : memref<1000000x32xf32, #tpu.memory_space<hbm>> -> memref<1000000x32xf32, #tpu.memory_space<hbm>>
    tpu.enqueue_indirect_dma source(%dma_start3A_38 : memref<1000000x32xf32, #tpu.memory_space<hbm>>) target(%arg7 : memref<1600x32xf32, #tpu.memory_space<vmem>>) offsets(%arg5 : memref<1600xi32, #tpu.memory_space<vmem>>) semaphore(%arg9 : memref<!tpu.dma_semaphore, #tpu.memory_space<semaphore_mem>>)
    %dma_wait3A_39 = arith.constant 0 : i32
    %dma_wait3A_40 = arith.constant 0 : i32
    %dma_wait3A_41 = tpu.memref_slice %arg3[%dma_wait3A_39, %dma_wait3A_40] : memref<1000000x32xf32, #tpu.memory_space<hbm>> -> memref<1000000x32xf32, #tpu.memory_space<hbm>>
    tpu.wait_indirect_dma semaphore(%arg10 : memref<!tpu.dma_semaphore, #tpu.memory_space<semaphore_mem>>) src(%dma_wait3A_41 : memref<1000000x32xf32, #tpu.memory_space<hbm>>) dst(%arg8 : memref<1600x32xf32, #tpu.memory_space<vmem>>)
    %add3A_42 = arith.constant 4800 : i32
    %add3A_43 = arith.addi %mul3A_2, %add3A_42 : i32
    "tpu.region"() ({
      %run_scoped3A = tpu.sem_alloc : memref<!tpu.dma_semaphore, #tpu.memory_space<semaphore_mem>>
      %dma_start3A_159 = arith.constant 0 : i32
      %dma_start3A_160 = tpu.memref_slice %arg4[%add3A_43, %dma_start3A_159] : memref<819200x32xf32, #tpu.memory_space<hbm>> -> memref<1600x32xf32, #tpu.memory_space<hbm>>
      %dma_start3A_161 = arith.constant 0 : i32
      %dma_start3A_162 = tpu.memref_slice %arg4[%add3A_43, %dma_start3A_161] : memref<819200x32xf32, #tpu.memory_space<hbm>> -> memref<1600x32xf32, #tpu.memory_space<hbm>>
      tpu.enqueue_dma source(%arg8 : memref<1600x32xf32, #tpu.memory_space<vmem>>) target(%dma_start3A_162 : memref<1600x32xf32, #tpu.memory_space<hbm>>) target_semaphore(%run_scoped3A : memref<!tpu.dma_semaphore, #tpu.memory_space<semaphore_mem>>)
      %dma_wait3A_163 = arith.constant 0 : i32
      %dma_wait3A_164 = tpu.memref_slice %arg4[%add3A_43, %dma_wait3A_163] : memref<819200x32xf32, #tpu.memory_space<hbm>> -> memref<1600x32xf32, #tpu.memory_space<hbm>>
      %dma_wait3A_165 = arith.constant 0 : i32
      %dma_wait3A_166 = tpu.memref_slice %arg4[%add3A_43, %dma_wait3A_165] : memref<819200x32xf32, #tpu.memory_space<hbm>> -> memref<1600x32xf32, #tpu.memory_space<hbm>>
      tpu.wait_dma2 semaphore(%run_scoped3A : memref<!tpu.dma_semaphore, #tpu.memory_space<semaphore_mem>>) src(%arg8 : memref<1600x32xf32, #tpu.memory_space<vmem>>) dst(%dma_wait3A_166 : memref<1600x32xf32, #tpu.memory_space<hbm>>)
      tpu.yield
    }) : () -> ()
    %add3A_44 = arith.constant 8000 : i32
    %add3A_45 = arith.addi %mul3A_2, %add3A_44 : i32
    "tpu.region"() ({
      %run_scoped3A = tpu.sem_alloc : memref<!tpu.dma_semaphore, #tpu.memory_space<semaphore_mem>>
      %dma_start3A_159 = tpu.memref_slice %arg2[%add3A_45] : memref<819200xi32, #tpu.memory_space<hbm>> -> memref<1600xi32, #tpu.memory_space<hbm>>
      %dma_start3A_160 = tpu.memref_slice %arg2[%add3A_45] : memref<819200xi32, #tpu.memory_space<hbm>> -> memref<1600xi32, #tpu.memory_space<hbm>>
      tpu.enqueue_dma source(%dma_start3A_160 : memref<1600xi32, #tpu.memory_space<hbm>>) target(%arg6 : memref<1600xi32, #tpu.memory_space<vmem>>) target_semaphore(%run_scoped3A : memref<!tpu.dma_semaphore, #tpu.memory_space<semaphore_mem>>)
      %dma_wait3A_161 = tpu.memref_slice %arg2[%add3A_45] : memref<819200xi32, #tpu.memory_space<hbm>> -> memref<1600xi32, #tpu.memory_space<hbm>>
      %dma_wait3A_162 = tpu.memref_slice %arg2[%add3A_45] : memref<819200xi32, #tpu.memory_space<hbm>> -> memref<1600xi32, #tpu.memory_space<hbm>>
      tpu.wait_dma2 semaphore(%run_scoped3A : memref<!tpu.dma_semaphore, #tpu.memory_space<semaphore_mem>>) src(%dma_wait3A_162 : memref<1600xi32, #tpu.memory_space<hbm>>) dst(%arg6 : memref<1600xi32, #tpu.memory_space<vmem>>)
      tpu.yield
    }) : () -> ()
    %dma_start3A_46 = arith.constant 0 : i32
    %dma_start3A_47 = arith.constant 0 : i32
    %dma_start3A_48 = tpu.memref_slice %arg3[%dma_start3A_46, %dma_start3A_47] : memref<1000000x32xf32, #tpu.memory_space<hbm>> -> memref<1000000x32xf32, #tpu.memory_space<hbm>>
    tpu.enqueue_indirect_dma source(%dma_start3A_48 : memref<1000000x32xf32, #tpu.memory_space<hbm>>) target(%arg8 : memref<1600x32xf32, #tpu.memory_space<vmem>>) offsets(%arg6 : memref<1600xi32, #tpu.memory_space<vmem>>) semaphore(%arg10 : memref<!tpu.dma_semaphore, #tpu.memory_space<semaphore_mem>>)
    %dma_wait3A_49 = arith.constant 0 : i32
    %dma_wait3A_50 = arith.constant 0 : i32
    %dma_wait3A_51 = tpu.memref_slice %arg3[%dma_wait3A_49, %dma_wait3A_50] : memref<1000000x32xf32, #tpu.memory_space<hbm>> -> memref<1000000x32xf32, #tpu.memory_space<hbm>>
    tpu.wait_indirect_dma semaphore(%arg9 : memref<!tpu.dma_semaphore, #tpu.memory_space<semaphore_mem>>) src(%dma_wait3A_51 : memref<1000000x32xf32, #tpu.memory_space<hbm>>) dst(%arg7 : memref<1600x32xf32, #tpu.memory_space<vmem>>)
    %add3A_52 = arith.constant 6400 : i32
    %add3A_53 = arith.addi %mul3A_2, %add3A_52 : i32
    "tpu.region"() ({
      %run_scoped3A = tpu.sem_alloc : memref<!tpu.dma_semaphore, #tpu.memory_space<semaphore_mem>>
      %dma_start3A_159 = arith.constant 0 : i32
      %dma_start3A_160 = tpu.memref_slice %arg4[%add3A_53, %dma_start3A_159] : memref<819200x32xf32, #tpu.memory_space<hbm>> -> memref<1600x32xf32, #tpu.memory_space<hbm>>
      %dma_start3A_161 = arith.constant 0 : i32
      %dma_start3A_162 = tpu.memref_slice %arg4[%add3A_53, %dma_start3A_161] : memref<819200x32xf32, #tpu.memory_space<hbm>> -> memref<1600x32xf32, #tpu.memory_space<hbm>>
      tpu.enqueue_dma source(%arg7 : memref<1600x32xf32, #tpu.memory_space<vmem>>) target(%dma_start3A_162 : memref<1600x32xf32, #tpu.memory_space<hbm>>) target_semaphore(%run_scoped3A : memref<!tpu.dma_semaphore, #tpu.memory_space<semaphore_mem>>)
      %dma_wait3A_163 = arith.constant 0 : i32
      %dma_wait3A_164 = tpu.memref_slice %arg4[%add3A_53, %dma_wait3A_163] : memref<819200x32xf32, #tpu.memory_space<hbm>> -> memref<1600x32xf32, #tpu.memory_space<hbm>>
      %dma_wait3A_165 = arith.constant 0 : i32
      %dma_wait3A_166 = tpu.memref_slice %arg4[%add3A_53, %dma_wait3A_165] : memref<819200x32xf32, #tpu.memory_space<hbm>> -> memref<1600x32xf32, #tpu.memory_space<hbm>>
      tpu.wait_dma2 semaphore(%run_scoped3A : memref<!tpu.dma_semaphore, #tpu.memory_space<semaphore_mem>>) src(%arg7 : memref<1600x32xf32, #tpu.memory_space<vmem>>) dst(%dma_wait3A_166 : memref<1600x32xf32, #tpu.memory_space<hbm>>)
      tpu.yield
    }) : () -> ()
    %add3A_54 = arith.constant 9600 : i32
    %add3A_55 = arith.addi %mul3A_2, %add3A_54 : i32
    "tpu.region"() ({
      %run_scoped3A = tpu.sem_alloc : memref<!tpu.dma_semaphore, #tpu.memory_space<semaphore_mem>>
      %dma_start3A_159 = tpu.memref_slice %arg2[%add3A_55] : memref<819200xi32, #tpu.memory_space<hbm>> -> memref<1600xi32, #tpu.memory_space<hbm>>
      %dma_start3A_160 = tpu.memref_slice %arg2[%add3A_55] : memref<819200xi32, #tpu.memory_space<hbm>> -> memref<1600xi32, #tpu.memory_space<hbm>>
      tpu.enqueue_dma source(%dma_start3A_160 : memref<1600xi32, #tpu.memory_space<hbm>>) target(%arg5 : memref<1600xi32, #tpu.memory_space<vmem>>) target_semaphore(%run_scoped3A : memref<!tpu.dma_semaphore, #tpu.memory_space<semaphore_mem>>)
      %dma_wait3A_161 = tpu.memref_slice %arg2[%add3A_55] : memref<819200xi32, #tpu.memory_space<hbm>> -> memref<1600xi32, #tpu.memory_space<hbm>>
      %dma_wait3A_162 = tpu.memref_slice %arg2[%add3A_55] : memref<819200xi32, #tpu.memory_space<hbm>> -> memref<1600xi32, #tpu.memory_space<hbm>>
      tpu.wait_dma2 semaphore(%run_scoped3A : memref<!tpu.dma_semaphore, #tpu.memory_space<semaphore_mem>>) src(%dma_wait3A_162 : memref<1600xi32, #tpu.memory_space<hbm>>) dst(%arg5 : memref<1600xi32, #tpu.memory_space<vmem>>)
      tpu.yield
    }) : () -> ()
    %dma_start3A_56 = arith.constant 0 : i32
    %dma_start3A_57 = arith.constant 0 : i32
    %dma_start3A_58 = tpu.memref_slice %arg3[%dma_start3A_56, %dma_start3A_57] : memref<1000000x32xf32, #tpu.memory_space<hbm>> -> memref<1000000x32xf32, #tpu.memory_space<hbm>>
    tpu.enqueue_indirect_dma source(%dma_start3A_58 : memref<1000000x32xf32, #tpu.memory_space<hbm>>) target(%arg7 : memref<1600x32xf32, #tpu.memory_space<vmem>>) offsets(%arg5 : memref<1600xi32, #tpu.memory_space<vmem>>) semaphore(%arg9 : memref<!tpu.dma_semaphore, #tpu.memory_space<semaphore_mem>>)
    %dma_wait3A_59 = arith.constant 0 : i32
    %dma_wait3A_60 = arith.constant 0 : i32
    %dma_wait3A_61 = tpu.memref_slice %arg3[%dma_wait3A_59, %dma_wait3A_60] : memref<1000000x32xf32, #tpu.memory_space<hbm>> -> memref<1000000x32xf32, #tpu.memory_space<hbm>>
    tpu.wait_indirect_dma semaphore(%arg10 : memref<!tpu.dma_semaphore, #tpu.memory_space<semaphore_mem>>) src(%dma_wait3A_61 : memref<1000000x32xf32, #tpu.memory_space<hbm>>) dst(%arg8 : memref<1600x32xf32, #tpu.memory_space<vmem>>)
    %add3A_62 = arith.constant 8000 : i32
    %add3A_63 = arith.addi %mul3A_2, %add3A_62 : i32
    "tpu.region"() ({
      %run_scoped3A = tpu.sem_alloc : memref<!tpu.dma_semaphore, #tpu.memory_space<semaphore_mem>>
      %dma_start3A_159 = arith.constant 0 : i32
      %dma_start3A_160 = tpu.memref_slice %arg4[%add3A_63, %dma_start3A_159] : memref<819200x32xf32, #tpu.memory_space<hbm>> -> memref<1600x32xf32, #tpu.memory_space<hbm>>
      %dma_start3A_161 = arith.constant 0 : i32
      %dma_start3A_162 = tpu.memref_slice %arg4[%add3A_63, %dma_start3A_161] : memref<819200x32xf32, #tpu.memory_space<hbm>> -> memref<1600x32xf32, #tpu.memory_space<hbm>>
      tpu.enqueue_dma source(%arg8 : memref<1600x32xf32, #tpu.memory_space<vmem>>) target(%dma_start3A_162 : memref<1600x32xf32, #tpu.memory_space<hbm>>) target_semaphore(%run_scoped3A : memref<!tpu.dma_semaphore, #tpu.memory_space<semaphore_mem>>)
      %dma_wait3A_163 = arith.constant 0 : i32
      %dma_wait3A_164 = tpu.memref_slice %arg4[%add3A_63, %dma_wait3A_163] : memref<819200x32xf32, #tpu.memory_space<hbm>> -> memref<1600x32xf32, #tpu.memory_space<hbm>>
      %dma_wait3A_165 = arith.constant 0 : i32
      %dma_wait3A_166 = tpu.memref_slice %arg4[%add3A_63, %dma_wait3A_165] : memref<819200x32xf32, #tpu.memory_space<hbm>> -> memref<1600x32xf32, #tpu.memory_space<hbm>>
      tpu.wait_dma2 semaphore(%run_scoped3A : memref<!tpu.dma_semaphore, #tpu.memory_space<semaphore_mem>>) src(%arg8 : memref<1600x32xf32, #tpu.memory_space<vmem>>) dst(%dma_wait3A_166 : memref<1600x32xf32, #tpu.memory_space<hbm>>)
      tpu.yield
    }) : () -> ()
    %add3A_64 = arith.constant 11200 : i32
    %add3A_65 = arith.addi %mul3A_2, %add3A_64 : i32
    "tpu.region"() ({
      %run_scoped3A = tpu.sem_alloc : memref<!tpu.dma_semaphore, #tpu.memory_space<semaphore_mem>>
      %dma_start3A_159 = tpu.memref_slice %arg2[%add3A_65] : memref<819200xi32, #tpu.memory_space<hbm>> -> memref<1600xi32, #tpu.memory_space<hbm>>
      %dma_start3A_160 = tpu.memref_slice %arg2[%add3A_65] : memref<819200xi32, #tpu.memory_space<hbm>> -> memref<1600xi32, #tpu.memory_space<hbm>>
      tpu.enqueue_dma source(%dma_start3A_160 : memref<1600xi32, #tpu.memory_space<hbm>>) target(%arg6 : memref<1600xi32, #tpu.memory_space<vmem>>) target_semaphore(%run_scoped3A : memref<!tpu.dma_semaphore, #tpu.memory_space<semaphore_mem>>)
      %dma_wait3A_161 = tpu.memref_slice %arg2[%add3A_65] : memref<819200xi32, #tpu.memory_space<hbm>> -> memref<1600xi32, #tpu.memory_space<hbm>>
      %dma_wait3A_162 = tpu.memref_slice %arg2[%add3A_65] : memref<819200xi32, #tpu.memory_space<hbm>> -> memref<1600xi32, #tpu.memory_space<hbm>>
      tpu.wait_dma2 semaphore(%run_scoped3A : memref<!tpu.dma_semaphore, #tpu.memory_space<semaphore_mem>>) src(%dma_wait3A_162 : memref<1600xi32, #tpu.memory_space<hbm>>) dst(%arg6 : memref<1600xi32, #tpu.memory_space<vmem>>)
      tpu.yield
    }) : () -> ()
    %dma_start3A_66 = arith.constant 0 : i32
    %dma_start3A_67 = arith.constant 0 : i32
    %dma_start3A_68 = tpu.memref_slice %arg3[%dma_start3A_66, %dma_start3A_67] : memref<1000000x32xf32, #tpu.memory_space<hbm>> -> memref<1000000x32xf32, #tpu.memory_space<hbm>>
    tpu.enqueue_indirect_dma source(%dma_start3A_68 : memref<1000000x32xf32, #tpu.memory_space<hbm>>) target(%arg8 : memref<1600x32xf32, #tpu.memory_space<vmem>>) offsets(%arg6 : memref<1600xi32, #tpu.memory_space<vmem>>) semaphore(%arg10 : memref<!tpu.dma_semaphore, #tpu.memory_space<semaphore_mem>>)
    %dma_wait3A_69 = arith.constant 0 : i32
    %dma_wait3A_70 = arith.constant 0 : i32
    %dma_wait3A_71 = tpu.memref_slice %arg3[%dma_wait3A_69, %dma_wait3A_70] : memref<1000000x32xf32, #tpu.memory_space<hbm>> -> memref<1000000x32xf32, #tpu.memory_space<hbm>>
    tpu.wait_indirect_dma semaphore(%arg9 : memref<!tpu.dma_semaphore, #tpu.memory_space<semaphore_mem>>) src(%dma_wait3A_71 : memref<1000000x32xf32, #tpu.memory_space<hbm>>) dst(%arg7 : memref<1600x32xf32, #tpu.memory_space<vmem>>)
    %add3A_72 = arith.constant 9600 : i32
    %add3A_73 = arith.addi %mul3A_2, %add3A_72 : i32
    "tpu.region"() ({
      %run_scoped3A = tpu.sem_alloc : memref<!tpu.dma_semaphore, #tpu.memory_space<semaphore_mem>>
      %dma_start3A_159 = arith.constant 0 : i32
      %dma_start3A_160 = tpu.memref_slice %arg4[%add3A_73, %dma_start3A_159] : memref<819200x32xf32, #tpu.memory_space<hbm>> -> memref<1600x32xf32, #tpu.memory_space<hbm>>
      %dma_start3A_161 = arith.constant 0 : i32
      %dma_start3A_162 = tpu.memref_slice %arg4[%add3A_73, %dma_start3A_161] : memref<819200x32xf32, #tpu.memory_space<hbm>> -> memref<1600x32xf32, #tpu.memory_space<hbm>>
      tpu.enqueue_dma source(%arg7 : memref<1600x32xf32, #tpu.memory_space<vmem>>) target(%dma_start3A_162 : memref<1600x32xf32, #tpu.memory_space<hbm>>) target_semaphore(%run_scoped3A : memref<!tpu.dma_semaphore, #tpu.memory_space<semaphore_mem>>)
      %dma_wait3A_163 = arith.constant 0 : i32
      %dma_wait3A_164 = tpu.memref_slice %arg4[%add3A_73, %dma_wait3A_163] : memref<819200x32xf32, #tpu.memory_space<hbm>> -> memref<1600x32xf32, #tpu.memory_space<hbm>>
      %dma_wait3A_165 = arith.constant 0 : i32
      %dma_wait3A_166 = tpu.memref_slice %arg4[%add3A_73, %dma_wait3A_165] : memref<819200x32xf32, #tpu.memory_space<hbm>> -> memref<1600x32xf32, #tpu.memory_space<hbm>>
      tpu.wait_dma2 semaphore(%run_scoped3A : memref<!tpu.dma_semaphore, #tpu.memory_space<semaphore_mem>>) src(%arg7 : memref<1600x32xf32, #tpu.memory_space<vmem>>) dst(%dma_wait3A_166 : memref<1600x32xf32, #tpu.memory_space<hbm>>)
      tpu.yield
    }) : () -> ()
    %add3A_74 = arith.constant 12800 : i32
    %add3A_75 = arith.addi %mul3A_2, %add3A_74 : i32
    "tpu.region"() ({
      %run_scoped3A = tpu.sem_alloc : memref<!tpu.dma_semaphore, #tpu.memory_space<semaphore_mem>>
      %dma_start3A_159 = tpu.memref_slice %arg2[%add3A_75] : memref<819200xi32, #tpu.memory_space<hbm>> -> memref<1600xi32, #tpu.memory_space<hbm>>
      %dma_start3A_160 = tpu.memref_slice %arg2[%add3A_75] : memref<819200xi32, #tpu.memory_space<hbm>> -> memref<1600xi32, #tpu.memory_space<hbm>>
      tpu.enqueue_dma source(%dma_start3A_160 : memref<1600xi32, #tpu.memory_space<hbm>>) target(%arg5 : memref<1600xi32, #tpu.memory_space<vmem>>) target_semaphore(%run_scoped3A : memref<!tpu.dma_semaphore, #tpu.memory_space<semaphore_mem>>)
      %dma_wait3A_161 = tpu.memref_slice %arg2[%add3A_75] : memref<819200xi32, #tpu.memory_space<hbm>> -> memref<1600xi32, #tpu.memory_space<hbm>>
      %dma_wait3A_162 = tpu.memref_slice %arg2[%add3A_75] : memref<819200xi32, #tpu.memory_space<hbm>> -> memref<1600xi32, #tpu.memory_space<hbm>>
      tpu.wait_dma2 semaphore(%run_scoped3A : memref<!tpu.dma_semaphore, #tpu.memory_space<semaphore_mem>>) src(%dma_wait3A_162 : memref<1600xi32, #tpu.memory_space<hbm>>) dst(%arg5 : memref<1600xi32, #tpu.memory_space<vmem>>)
      tpu.yield
    }) : () -> ()
    %dma_start3A_76 = arith.constant 0 : i32
    %dma_start3A_77 = arith.constant 0 : i32
    %dma_start3A_78 = tpu.memref_slice %arg3[%dma_start3A_76, %dma_start3A_77] : memref<1000000x32xf32, #tpu.memory_space<hbm>> -> memref<1000000x32xf32, #tpu.memory_space<hbm>>
    tpu.enqueue_indirect_dma source(%dma_start3A_78 : memref<1000000x32xf32, #tpu.memory_space<hbm>>) target(%arg7 : memref<1600x32xf32, #tpu.memory_space<vmem>>) offsets(%arg5 : memref<1600xi32, #tpu.memory_space<vmem>>) semaphore(%arg9 : memref<!tpu.dma_semaphore, #tpu.memory_space<semaphore_mem>>)
    %dma_wait3A_79 = arith.constant 0 : i32
    %dma_wait3A_80 = arith.constant 0 : i32
    %dma_wait3A_81 = tpu.memref_slice %arg3[%dma_wait3A_79, %dma_wait3A_80] : memref<1000000x32xf32, #tpu.memory_space<hbm>> -> memref<1000000x32xf32, #tpu.memory_space<hbm>>
    tpu.wait_indirect_dma semaphore(%arg10 : memref<!tpu.dma_semaphore, #tpu.memory_space<semaphore_mem>>) src(%dma_wait3A_81 : memref<1000000x32xf32, #tpu.memory_space<hbm>>) dst(%arg8 : memref<1600x32xf32, #tpu.memory_space<vmem>>)
    %add3A_82 = arith.constant 11200 : i32
    %add3A_83 = arith.addi %mul3A_2, %add3A_82 : i32
    "tpu.region"() ({
      %run_scoped3A = tpu.sem_alloc : memref<!tpu.dma_semaphore, #tpu.memory_space<semaphore_mem>>
      %dma_start3A_159 = arith.constant 0 : i32
      %dma_start3A_160 = tpu.memref_slice %arg4[%add3A_83, %dma_start3A_159] : memref<819200x32xf32, #tpu.memory_space<hbm>> -> memref<1600x32xf32, #tpu.memory_space<hbm>>
      %dma_start3A_161 = arith.constant 0 : i32
      %dma_start3A_162 = tpu.memref_slice %arg4[%add3A_83, %dma_start3A_161] : memref<819200x32xf32, #tpu.memory_space<hbm>> -> memref<1600x32xf32, #tpu.memory_space<hbm>>
      tpu.enqueue_dma source(%arg8 : memref<1600x32xf32, #tpu.memory_space<vmem>>) target(%dma_start3A_162 : memref<1600x32xf32, #tpu.memory_space<hbm>>) target_semaphore(%run_scoped3A : memref<!tpu.dma_semaphore, #tpu.memory_space<semaphore_mem>>)
      %dma_wait3A_163 = arith.constant 0 : i32
      %dma_wait3A_164 = tpu.memref_slice %arg4[%add3A_83, %dma_wait3A_163] : memref<819200x32xf32, #tpu.memory_space<hbm>> -> memref<1600x32xf32, #tpu.memory_space<hbm>>
      %dma_wait3A_165 = arith.constant 0 : i32
      %dma_wait3A_166 = tpu.memref_slice %arg4[%add3A_83, %dma_wait3A_165] : memref<819200x32xf32, #tpu.memory_space<hbm>> -> memref<1600x32xf32, #tpu.memory_space<hbm>>
      tpu.wait_dma2 semaphore(%run_scoped3A : memref<!tpu.dma_semaphore, #tpu.memory_space<semaphore_mem>>) src(%arg8 : memref<1600x32xf32, #tpu.memory_space<vmem>>) dst(%dma_wait3A_166 : memref<1600x32xf32, #tpu.memory_space<hbm>>)
      tpu.yield
    }) : () -> ()
    %add3A_84 = arith.constant 14400 : i32
    %add3A_85 = arith.addi %mul3A_2, %add3A_84 : i32
    "tpu.region"() ({
      %run_scoped3A = tpu.sem_alloc : memref<!tpu.dma_semaphore, #tpu.memory_space<semaphore_mem>>
      %dma_start3A_159 = tpu.memref_slice %arg2[%add3A_85] : memref<819200xi32, #tpu.memory_space<hbm>> -> memref<1600xi32, #tpu.memory_space<hbm>>
      %dma_start3A_160 = tpu.memref_slice %arg2[%add3A_85] : memref<819200xi32, #tpu.memory_space<hbm>> -> memref<1600xi32, #tpu.memory_space<hbm>>
      tpu.enqueue_dma source(%dma_start3A_160 : memref<1600xi32, #tpu.memory_space<hbm>>) target(%arg6 : memref<1600xi32, #tpu.memory_space<vmem>>) target_semaphore(%run_scoped3A : memref<!tpu.dma_semaphore, #tpu.memory_space<semaphore_mem>>)
      %dma_wait3A_161 = tpu.memref_slice %arg2[%add3A_85] : memref<819200xi32, #tpu.memory_space<hbm>> -> memref<1600xi32, #tpu.memory_space<hbm>>
      %dma_wait3A_162 = tpu.memref_slice %arg2[%add3A_85] : memref<819200xi32, #tpu.memory_space<hbm>> -> memref<1600xi32, #tpu.memory_space<hbm>>
      tpu.wait_dma2 semaphore(%run_scoped3A : memref<!tpu.dma_semaphore, #tpu.memory_space<semaphore_mem>>) src(%dma_wait3A_162 : memref<1600xi32, #tpu.memory_space<hbm>>) dst(%arg6 : memref<1600xi32, #tpu.memory_space<vmem>>)
      tpu.yield
    }) : () -> ()
    %dma_start3A_86 = arith.constant 0 : i32
    %dma_start3A_87 = arith.constant 0 : i32
    %dma_start3A_88 = tpu.memref_slice %arg3[%dma_start3A_86, %dma_start3A_87] : memref<1000000x32xf32, #tpu.memory_space<hbm>> -> memref<1000000x32xf32, #tpu.memory_space<hbm>>
    tpu.enqueue_indirect_dma source(%dma_start3A_88 : memref<1000000x32xf32, #tpu.memory_space<hbm>>) target(%arg8 : memref<1600x32xf32, #tpu.memory_space<vmem>>) offsets(%arg6 : memref<1600xi32, #tpu.memory_space<vmem>>) semaphore(%arg10 : memref<!tpu.dma_semaphore, #tpu.memory_space<semaphore_mem>>)
    %dma_wait3A_89 = arith.constant 0 : i32
    %dma_wait3A_90 = arith.constant 0 : i32
    %dma_wait3A_91 = tpu.memref_slice %arg3[%dma_wait3A_89, %dma_wait3A_90] : memref<1000000x32xf32, #tpu.memory_space<hbm>> -> memref<1000000x32xf32, #tpu.memory_space<hbm>>
    tpu.wait_indirect_dma semaphore(%arg9 : memref<!tpu.dma_semaphore, #tpu.memory_space<semaphore_mem>>) src(%dma_wait3A_91 : memref<1000000x32xf32, #tpu.memory_space<hbm>>) dst(%arg7 : memref<1600x32xf32, #tpu.memory_space<vmem>>)
    %add3A_92 = arith.constant 12800 : i32
    %add3A_93 = arith.addi %mul3A_2, %add3A_92 : i32
    "tpu.region"() ({
      %run_scoped3A = tpu.sem_alloc : memref<!tpu.dma_semaphore, #tpu.memory_space<semaphore_mem>>
      %dma_start3A_159 = arith.constant 0 : i32
      %dma_start3A_160 = tpu.memref_slice %arg4[%add3A_93, %dma_start3A_159] : memref<819200x32xf32, #tpu.memory_space<hbm>> -> memref<1600x32xf32, #tpu.memory_space<hbm>>
      %dma_start3A_161 = arith.constant 0 : i32
      %dma_start3A_162 = tpu.memref_slice %arg4[%add3A_93, %dma_start3A_161] : memref<819200x32xf32, #tpu.memory_space<hbm>> -> memref<1600x32xf32, #tpu.memory_space<hbm>>
      tpu.enqueue_dma source(%arg7 : memref<1600x32xf32, #tpu.memory_space<vmem>>) target(%dma_start3A_162 : memref<1600x32xf32, #tpu.memory_space<hbm>>) target_semaphore(%run_scoped3A : memref<!tpu.dma_semaphore, #tpu.memory_space<semaphore_mem>>)
      %dma_wait3A_163 = arith.constant 0 : i32
      %dma_wait3A_164 = tpu.memref_slice %arg4[%add3A_93, %dma_wait3A_163] : memref<819200x32xf32, #tpu.memory_space<hbm>> -> memref<1600x32xf32, #tpu.memory_space<hbm>>
      %dma_wait3A_165 = arith.constant 0 : i32
      %dma_wait3A_166 = tpu.memref_slice %arg4[%add3A_93, %dma_wait3A_165] : memref<819200x32xf32, #tpu.memory_space<hbm>> -> memref<1600x32xf32, #tpu.memory_space<hbm>>
      tpu.wait_dma2 semaphore(%run_scoped3A : memref<!tpu.dma_semaphore, #tpu.memory_space<semaphore_mem>>) src(%arg7 : memref<1600x32xf32, #tpu.memory_space<vmem>>) dst(%dma_wait3A_166 : memref<1600x32xf32, #tpu.memory_space<hbm>>)
      tpu.yield
    }) : () -> ()
    %add3A_94 = arith.constant 16000 : i32
    %add3A_95 = arith.addi %mul3A_2, %add3A_94 : i32
    "tpu.region"() ({
      %run_scoped3A = tpu.sem_alloc : memref<!tpu.dma_semaphore, #tpu.memory_space<semaphore_mem>>
      %dma_start3A_159 = tpu.memref_slice %arg2[%add3A_95] : memref<819200xi32, #tpu.memory_space<hbm>> -> memref<1600xi32, #tpu.memory_space<hbm>>
      %dma_start3A_160 = tpu.memref_slice %arg2[%add3A_95] : memref<819200xi32, #tpu.memory_space<hbm>> -> memref<1600xi32, #tpu.memory_space<hbm>>
      tpu.enqueue_dma source(%dma_start3A_160 : memref<1600xi32, #tpu.memory_space<hbm>>) target(%arg5 : memref<1600xi32, #tpu.memory_space<vmem>>) target_semaphore(%run_scoped3A : memref<!tpu.dma_semaphore, #tpu.memory_space<semaphore_mem>>)
      %dma_wait3A_161 = tpu.memref_slice %arg2[%add3A_95] : memref<819200xi32, #tpu.memory_space<hbm>> -> memref<1600xi32, #tpu.memory_space<hbm>>
      %dma_wait3A_162 = tpu.memref_slice %arg2[%add3A_95] : memref<819200xi32, #tpu.memory_space<hbm>> -> memref<1600xi32, #tpu.memory_space<hbm>>
      tpu.wait_dma2 semaphore(%run_scoped3A : memref<!tpu.dma_semaphore, #tpu.memory_space<semaphore_mem>>) src(%dma_wait3A_162 : memref<1600xi32, #tpu.memory_space<hbm>>) dst(%arg5 : memref<1600xi32, #tpu.memory_space<vmem>>)
      tpu.yield
    }) : () -> ()
    %dma_start3A_96 = arith.constant 0 : i32
    %dma_start3A_97 = arith.constant 0 : i32
    %dma_start3A_98 = tpu.memref_slice %arg3[%dma_start3A_96, %dma_start3A_97] : memref<1000000x32xf32, #tpu.memory_space<hbm>> -> memref<1000000x32xf32, #tpu.memory_space<hbm>>
    tpu.enqueue_indirect_dma source(%dma_start3A_98 : memref<1000000x32xf32, #tpu.memory_space<hbm>>) target(%arg7 : memref<1600x32xf32, #tpu.memory_space<vmem>>) offsets(%arg5 : memref<1600xi32, #tpu.memory_space<vmem>>) semaphore(%arg9 : memref<!tpu.dma_semaphore, #tpu.memory_space<semaphore_mem>>)
    %dma_wait3A_99 = arith.constant 0 : i32
    %dma_wait3A_100 = arith.constant 0 : i32
    %dma_wait3A_101 = tpu.memref_slice %arg3[%dma_wait3A_99, %dma_wait3A_100] : memref<1000000x32xf32, #tpu.memory_space<hbm>> -> memref<1000000x32xf32, #tpu.memory_space<hbm>>
    tpu.wait_indirect_dma semaphore(%arg10 : memref<!tpu.dma_semaphore, #tpu.memory_space<semaphore_mem>>) src(%dma_wait3A_101 : memref<1000000x32xf32, #tpu.memory_space<hbm>>) dst(%arg8 : memref<1600x32xf32, #tpu.memory_space<vmem>>)
    %add3A_102 = arith.constant 14400 : i32
    %add3A_103 = arith.addi %mul3A_2, %add3A_102 : i32
    "tpu.region"() ({
      %run_scoped3A = tpu.sem_alloc : memref<!tpu.dma_semaphore, #tpu.memory_space<semaphore_mem>>
      %dma_start3A_159 = arith.constant 0 : i32
      %dma_start3A_160 = tpu.memref_slice %arg4[%add3A_103, %dma_start3A_159] : memref<819200x32xf32, #tpu.memory_space<hbm>> -> memref<1600x32xf32, #tpu.memory_space<hbm>>
      %dma_start3A_161 = arith.constant 0 : i32
      %dma_start3A_162 = tpu.memref_slice %arg4[%add3A_103, %dma_start3A_161] : memref<819200x32xf32, #tpu.memory_space<hbm>> -> memref<1600x32xf32, #tpu.memory_space<hbm>>
      tpu.enqueue_dma source(%arg8 : memref<1600x32xf32, #tpu.memory_space<vmem>>) target(%dma_start3A_162 : memref<1600x32xf32, #tpu.memory_space<hbm>>) target_semaphore(%run_scoped3A : memref<!tpu.dma_semaphore, #tpu.memory_space<semaphore_mem>>)
      %dma_wait3A_163 = arith.constant 0 : i32
      %dma_wait3A_164 = tpu.memref_slice %arg4[%add3A_103, %dma_wait3A_163] : memref<819200x32xf32, #tpu.memory_space<hbm>> -> memref<1600x32xf32, #tpu.memory_space<hbm>>
      %dma_wait3A_165 = arith.constant 0 : i32
      %dma_wait3A_166 = tpu.memref_slice %arg4[%add3A_103, %dma_wait3A_165] : memref<819200x32xf32, #tpu.memory_space<hbm>> -> memref<1600x32xf32, #tpu.memory_space<hbm>>
      tpu.wait_dma2 semaphore(%run_scoped3A : memref<!tpu.dma_semaphore, #tpu.memory_space<semaphore_mem>>) src(%arg8 : memref<1600x32xf32, #tpu.memory_space<vmem>>) dst(%dma_wait3A_166 : memref<1600x32xf32, #tpu.memory_space<hbm>>)
      tpu.yield
    }) : () -> ()
    %add3A_104 = arith.constant 17600 : i32
    %add3A_105 = arith.addi %mul3A_2, %add3A_104 : i32
    "tpu.region"() ({
      %run_scoped3A = tpu.sem_alloc : memref<!tpu.dma_semaphore, #tpu.memory_space<semaphore_mem>>
      %dma_start3A_159 = tpu.memref_slice %arg2[%add3A_105] : memref<819200xi32, #tpu.memory_space<hbm>> -> memref<1600xi32, #tpu.memory_space<hbm>>
      %dma_start3A_160 = tpu.memref_slice %arg2[%add3A_105] : memref<819200xi32, #tpu.memory_space<hbm>> -> memref<1600xi32, #tpu.memory_space<hbm>>
      tpu.enqueue_dma source(%dma_start3A_160 : memref<1600xi32, #tpu.memory_space<hbm>>) target(%arg6 : memref<1600xi32, #tpu.memory_space<vmem>>) target_semaphore(%run_scoped3A : memref<!tpu.dma_semaphore, #tpu.memory_space<semaphore_mem>>)
      %dma_wait3A_161 = tpu.memref_slice %arg2[%add3A_105] : memref<819200xi32, #tpu.memory_space<hbm>> -> memref<1600xi32, #tpu.memory_space<hbm>>
      %dma_wait3A_162 = tpu.memref_slice %arg2[%add3A_105] : memref<819200xi32, #tpu.memory_space<hbm>> -> memref<1600xi32, #tpu.memory_space<hbm>>
      tpu.wait_dma2 semaphore(%run_scoped3A : memref<!tpu.dma_semaphore, #tpu.memory_space<semaphore_mem>>) src(%dma_wait3A_162 : memref<1600xi32, #tpu.memory_space<hbm>>) dst(%arg6 : memref<1600xi32, #tpu.memory_space<vmem>>)
      tpu.yield
    }) : () -> ()
    %dma_start3A_106 = arith.constant 0 : i32
    %dma_start3A_107 = arith.constant 0 : i32
    %dma_start3A_108 = tpu.memref_slice %arg3[%dma_start3A_106, %dma_start3A_107] : memref<1000000x32xf32, #tpu.memory_space<hbm>> -> memref<1000000x32xf32, #tpu.memory_space<hbm>>
    tpu.enqueue_indirect_dma source(%dma_start3A_108 : memref<1000000x32xf32, #tpu.memory_space<hbm>>) target(%arg8 : memref<1600x32xf32, #tpu.memory_space<vmem>>) offsets(%arg6 : memref<1600xi32, #tpu.memory_space<vmem>>) semaphore(%arg10 : memref<!tpu.dma_semaphore, #tpu.memory_space<semaphore_mem>>)
    %dma_wait3A_109 = arith.constant 0 : i32
    %dma_wait3A_110 = arith.constant 0 : i32
    %dma_wait3A_111 = tpu.memref_slice %arg3[%dma_wait3A_109, %dma_wait3A_110] : memref<1000000x32xf32, #tpu.memory_space<hbm>> -> memref<1000000x32xf32, #tpu.memory_space<hbm>>
    tpu.wait_indirect_dma semaphore(%arg9 : memref<!tpu.dma_semaphore, #tpu.memory_space<semaphore_mem>>) src(%dma_wait3A_111 : memref<1000000x32xf32, #tpu.memory_space<hbm>>) dst(%arg7 : memref<1600x32xf32, #tpu.memory_space<vmem>>)
    %add3A_112 = arith.constant 16000 : i32
    %add3A_113 = arith.addi %mul3A_2, %add3A_112 : i32
    "tpu.region"() ({
      %run_scoped3A = tpu.sem_alloc : memref<!tpu.dma_semaphore, #tpu.memory_space<semaphore_mem>>
      %dma_start3A_159 = arith.constant 0 : i32
      %dma_start3A_160 = tpu.memref_slice %arg4[%add3A_113, %dma_start3A_159] : memref<819200x32xf32, #tpu.memory_space<hbm>> -> memref<1600x32xf32, #tpu.memory_space<hbm>>
      %dma_start3A_161 = arith.constant 0 : i32
      %dma_start3A_162 = tpu.memref_slice %arg4[%add3A_113, %dma_start3A_161] : memref<819200x32xf32, #tpu.memory_space<hbm>> -> memref<1600x32xf32, #tpu.memory_space<hbm>>
      tpu.enqueue_dma source(%arg7 : memref<1600x32xf32, #tpu.memory_space<vmem>>) target(%dma_start3A_162 : memref<1600x32xf32, #tpu.memory_space<hbm>>) target_semaphore(%run_scoped3A : memref<!tpu.dma_semaphore, #tpu.memory_space<semaphore_mem>>)
      %dma_wait3A_163 = arith.constant 0 : i32
      %dma_wait3A_164 = tpu.memref_slice %arg4[%add3A_113, %dma_wait3A_163] : memref<819200x32xf32, #tpu.memory_space<hbm>> -> memref<1600x32xf32, #tpu.memory_space<hbm>>
      %dma_wait3A_165 = arith.constant 0 : i32
      %dma_wait3A_166 = tpu.memref_slice %arg4[%add3A_113, %dma_wait3A_165] : memref<819200x32xf32, #tpu.memory_space<hbm>> -> memref<1600x32xf32, #tpu.memory_space<hbm>>
      tpu.wait_dma2 semaphore(%run_scoped3A : memref<!tpu.dma_semaphore, #tpu.memory_space<semaphore_mem>>) src(%arg7 : memref<1600x32xf32, #tpu.memory_space<vmem>>) dst(%dma_wait3A_166 : memref<1600x32xf32, #tpu.memory_space<hbm>>)
      tpu.yield
    }) : () -> ()
    %add3A_114 = arith.constant 19200 : i32
    %add3A_115 = arith.addi %mul3A_2, %add3A_114 : i32
    "tpu.region"() ({
      %run_scoped3A = tpu.sem_alloc : memref<!tpu.dma_semaphore, #tpu.memory_space<semaphore_mem>>
      %dma_start3A_159 = tpu.memref_slice %arg2[%add3A_115] : memref<819200xi32, #tpu.memory_space<hbm>> -> memref<1600xi32, #tpu.memory_space<hbm>>
      %dma_start3A_160 = tpu.memref_slice %arg2[%add3A_115] : memref<819200xi32, #tpu.memory_space<hbm>> -> memref<1600xi32, #tpu.memory_space<hbm>>
      tpu.enqueue_dma source(%dma_start3A_160 : memref<1600xi32, #tpu.memory_space<hbm>>) target(%arg5 : memref<1600xi32, #tpu.memory_space<vmem>>) target_semaphore(%run_scoped3A : memref<!tpu.dma_semaphore, #tpu.memory_space<semaphore_mem>>)
      %dma_wait3A_161 = tpu.memref_slice %arg2[%add3A_115] : memref<819200xi32, #tpu.memory_space<hbm>> -> memref<1600xi32, #tpu.memory_space<hbm>>
      %dma_wait3A_162 = tpu.memref_slice %arg2[%add3A_115] : memref<819200xi32, #tpu.memory_space<hbm>> -> memref<1600xi32, #tpu.memory_space<hbm>>
      tpu.wait_dma2 semaphore(%run_scoped3A : memref<!tpu.dma_semaphore, #tpu.memory_space<semaphore_mem>>) src(%dma_wait3A_162 : memref<1600xi32, #tpu.memory_space<hbm>>) dst(%arg5 : memref<1600xi32, #tpu.memory_space<vmem>>)
      tpu.yield
    }) : () -> ()
    %dma_start3A_116 = arith.constant 0 : i32
    %dma_start3A_117 = arith.constant 0 : i32
    %dma_start3A_118 = tpu.memref_slice %arg3[%dma_start3A_116, %dma_start3A_117] : memref<1000000x32xf32, #tpu.memory_space<hbm>> -> memref<1000000x32xf32, #tpu.memory_space<hbm>>
    tpu.enqueue_indirect_dma source(%dma_start3A_118 : memref<1000000x32xf32, #tpu.memory_space<hbm>>) target(%arg7 : memref<1600x32xf32, #tpu.memory_space<vmem>>) offsets(%arg5 : memref<1600xi32, #tpu.memory_space<vmem>>) semaphore(%arg9 : memref<!tpu.dma_semaphore, #tpu.memory_space<semaphore_mem>>)
    %dma_wait3A_119 = arith.constant 0 : i32
    %dma_wait3A_120 = arith.constant 0 : i32
    %dma_wait3A_121 = tpu.memref_slice %arg3[%dma_wait3A_119, %dma_wait3A_120] : memref<1000000x32xf32, #tpu.memory_space<hbm>> -> memref<1000000x32xf32, #tpu.memory_space<hbm>>
    tpu.wait_indirect_dma semaphore(%arg10 : memref<!tpu.dma_semaphore, #tpu.memory_space<semaphore_mem>>) src(%dma_wait3A_121 : memref<1000000x32xf32, #tpu.memory_space<hbm>>) dst(%arg8 : memref<1600x32xf32, #tpu.memory_space<vmem>>)
    %add3A_122 = arith.constant 17600 : i32
    %add3A_123 = arith.addi %mul3A_2, %add3A_122 : i32
    "tpu.region"() ({
      %run_scoped3A = tpu.sem_alloc : memref<!tpu.dma_semaphore, #tpu.memory_space<semaphore_mem>>
      %dma_start3A_159 = arith.constant 0 : i32
      %dma_start3A_160 = tpu.memref_slice %arg4[%add3A_123, %dma_start3A_159] : memref<819200x32xf32, #tpu.memory_space<hbm>> -> memref<1600x32xf32, #tpu.memory_space<hbm>>
      %dma_start3A_161 = arith.constant 0 : i32
      %dma_start3A_162 = tpu.memref_slice %arg4[%add3A_123, %dma_start3A_161] : memref<819200x32xf32, #tpu.memory_space<hbm>> -> memref<1600x32xf32, #tpu.memory_space<hbm>>
      tpu.enqueue_dma source(%arg8 : memref<1600x32xf32, #tpu.memory_space<vmem>>) target(%dma_start3A_162 : memref<1600x32xf32, #tpu.memory_space<hbm>>) target_semaphore(%run_scoped3A : memref<!tpu.dma_semaphore, #tpu.memory_space<semaphore_mem>>)
      %dma_wait3A_163 = arith.constant 0 : i32
      %dma_wait3A_164 = tpu.memref_slice %arg4[%add3A_123, %dma_wait3A_163] : memref<819200x32xf32, #tpu.memory_space<hbm>> -> memref<1600x32xf32, #tpu.memory_space<hbm>>
      %dma_wait3A_165 = arith.constant 0 : i32
      %dma_wait3A_166 = tpu.memref_slice %arg4[%add3A_123, %dma_wait3A_165] : memref<819200x32xf32, #tpu.memory_space<hbm>> -> memref<1600x32xf32, #tpu.memory_space<hbm>>
      tpu.wait_dma2 semaphore(%run_scoped3A : memref<!tpu.dma_semaphore, #tpu.memory_space<semaphore_mem>>) src(%arg8 : memref<1600x32xf32, #tpu.memory_space<vmem>>) dst(%dma_wait3A_166 : memref<1600x32xf32, #tpu.memory_space<hbm>>)
      tpu.yield
    }) : () -> ()
    %add3A_124 = arith.constant 20800 : i32
    %add3A_125 = arith.addi %mul3A_2, %add3A_124 : i32
    "tpu.region"() ({
      %run_scoped3A = tpu.sem_alloc : memref<!tpu.dma_semaphore, #tpu.memory_space<semaphore_mem>>
      %dma_start3A_159 = tpu.memref_slice %arg2[%add3A_125] : memref<819200xi32, #tpu.memory_space<hbm>> -> memref<1600xi32, #tpu.memory_space<hbm>>
      %dma_start3A_160 = tpu.memref_slice %arg2[%add3A_125] : memref<819200xi32, #tpu.memory_space<hbm>> -> memref<1600xi32, #tpu.memory_space<hbm>>
      tpu.enqueue_dma source(%dma_start3A_160 : memref<1600xi32, #tpu.memory_space<hbm>>) target(%arg6 : memref<1600xi32, #tpu.memory_space<vmem>>) target_semaphore(%run_scoped3A : memref<!tpu.dma_semaphore, #tpu.memory_space<semaphore_mem>>)
      %dma_wait3A_161 = tpu.memref_slice %arg2[%add3A_125] : memref<819200xi32, #tpu.memory_space<hbm>> -> memref<1600xi32, #tpu.memory_space<hbm>>
      %dma_wait3A_162 = tpu.memref_slice %arg2[%add3A_125] : memref<819200xi32, #tpu.memory_space<hbm>> -> memref<1600xi32, #tpu.memory_space<hbm>>
      tpu.wait_dma2 semaphore(%run_scoped3A : memref<!tpu.dma_semaphore, #tpu.memory_space<semaphore_mem>>) src(%dma_wait3A_162 : memref<1600xi32, #tpu.memory_space<hbm>>) dst(%arg6 : memref<1600xi32, #tpu.memory_space<vmem>>)
      tpu.yield
    }) : () -> ()
    %dma_start3A_126 = arith.constant 0 : i32
    %dma_start3A_127 = arith.constant 0 : i32
    %dma_start3A_128 = tpu.memref_slice %arg3[%dma_start3A_126, %dma_start3A_127] : memref<1000000x32xf32, #tpu.memory_space<hbm>> -> memref<1000000x32xf32, #tpu.memory_space<hbm>>
    tpu.enqueue_indirect_dma source(%dma_start3A_128 : memref<1000000x32xf32, #tpu.memory_space<hbm>>) target(%arg8 : memref<1600x32xf32, #tpu.memory_space<vmem>>) offsets(%arg6 : memref<1600xi32, #tpu.memory_space<vmem>>) semaphore(%arg10 : memref<!tpu.dma_semaphore, #tpu.memory_space<semaphore_mem>>)
    %dma_wait3A_129 = arith.constant 0 : i32
    %dma_wait3A_130 = arith.constant 0 : i32
    %dma_wait3A_131 = tpu.memref_slice %arg3[%dma_wait3A_129, %dma_wait3A_130] : memref<1000000x32xf32, #tpu.memory_space<hbm>> -> memref<1000000x32xf32, #tpu.memory_space<hbm>>
    tpu.wait_indirect_dma semaphore(%arg9 : memref<!tpu.dma_semaphore, #tpu.memory_space<semaphore_mem>>) src(%dma_wait3A_131 : memref<1000000x32xf32, #tpu.memory_space<hbm>>) dst(%arg7 : memref<1600x32xf32, #tpu.memory_space<vmem>>)
    %add3A_132 = arith.constant 19200 : i32
    %add3A_133 = arith.addi %mul3A_2, %add3A_132 : i32
    "tpu.region"() ({
      %run_scoped3A = tpu.sem_alloc : memref<!tpu.dma_semaphore, #tpu.memory_space<semaphore_mem>>
      %dma_start3A_159 = arith.constant 0 : i32
      %dma_start3A_160 = tpu.memref_slice %arg4[%add3A_133, %dma_start3A_159] : memref<819200x32xf32, #tpu.memory_space<hbm>> -> memref<1600x32xf32, #tpu.memory_space<hbm>>
      %dma_start3A_161 = arith.constant 0 : i32
      %dma_start3A_162 = tpu.memref_slice %arg4[%add3A_133, %dma_start3A_161] : memref<819200x32xf32, #tpu.memory_space<hbm>> -> memref<1600x32xf32, #tpu.memory_space<hbm>>
      tpu.enqueue_dma source(%arg7 : memref<1600x32xf32, #tpu.memory_space<vmem>>) target(%dma_start3A_162 : memref<1600x32xf32, #tpu.memory_space<hbm>>) target_semaphore(%run_scoped3A : memref<!tpu.dma_semaphore, #tpu.memory_space<semaphore_mem>>)
      %dma_wait3A_163 = arith.constant 0 : i32
      %dma_wait3A_164 = tpu.memref_slice %arg4[%add3A_133, %dma_wait3A_163] : memref<819200x32xf32, #tpu.memory_space<hbm>> -> memref<1600x32xf32, #tpu.memory_space<hbm>>
      %dma_wait3A_165 = arith.constant 0 : i32
      %dma_wait3A_166 = tpu.memref_slice %arg4[%add3A_133, %dma_wait3A_165] : memref<819200x32xf32, #tpu.memory_space<hbm>> -> memref<1600x32xf32, #tpu.memory_space<hbm>>
      tpu.wait_dma2 semaphore(%run_scoped3A : memref<!tpu.dma_semaphore, #tpu.memory_space<semaphore_mem>>) src(%arg7 : memref<1600x32xf32, #tpu.memory_space<vmem>>) dst(%dma_wait3A_166 : memref<1600x32xf32, #tpu.memory_space<hbm>>)
      tpu.yield
    }) : () -> ()
    %add3A_134 = arith.constant 22400 : i32
    %add3A_135 = arith.addi %mul3A_2, %add3A_134 : i32
    "tpu.region"() ({
      %run_scoped3A = tpu.sem_alloc : memref<!tpu.dma_semaphore, #tpu.memory_space<semaphore_mem>>
      %dma_start3A_159 = tpu.memref_slice %arg2[%add3A_135] : memref<819200xi32, #tpu.memory_space<hbm>> -> memref<1600xi32, #tpu.memory_space<hbm>>
      %dma_start3A_160 = tpu.memref_slice %arg2[%add3A_135] : memref<819200xi32, #tpu.memory_space<hbm>> -> memref<1600xi32, #tpu.memory_space<hbm>>
      tpu.enqueue_dma source(%dma_start3A_160 : memref<1600xi32, #tpu.memory_space<hbm>>) target(%arg5 : memref<1600xi32, #tpu.memory_space<vmem>>) target_semaphore(%run_scoped3A : memref<!tpu.dma_semaphore, #tpu.memory_space<semaphore_mem>>)
      %dma_wait3A_161 = tpu.memref_slice %arg2[%add3A_135] : memref<819200xi32, #tpu.memory_space<hbm>> -> memref<1600xi32, #tpu.memory_space<hbm>>
      %dma_wait3A_162 = tpu.memref_slice %arg2[%add3A_135] : memref<819200xi32, #tpu.memory_space<hbm>> -> memref<1600xi32, #tpu.memory_space<hbm>>
      tpu.wait_dma2 semaphore(%run_scoped3A : memref<!tpu.dma_semaphore, #tpu.memory_space<semaphore_mem>>) src(%dma_wait3A_162 : memref<1600xi32, #tpu.memory_space<hbm>>) dst(%arg5 : memref<1600xi32, #tpu.memory_space<vmem>>)
      tpu.yield
    }) : () -> ()
    %dma_start3A_136 = arith.constant 0 : i32
    %dma_start3A_137 = arith.constant 0 : i32
    %dma_start3A_138 = tpu.memref_slice %arg3[%dma_start3A_136, %dma_start3A_137] : memref<1000000x32xf32, #tpu.memory_space<hbm>> -> memref<1000000x32xf32, #tpu.memory_space<hbm>>
    tpu.enqueue_indirect_dma source(%dma_start3A_138 : memref<1000000x32xf32, #tpu.memory_space<hbm>>) target(%arg7 : memref<1600x32xf32, #tpu.memory_space<vmem>>) offsets(%arg5 : memref<1600xi32, #tpu.memory_space<vmem>>) semaphore(%arg9 : memref<!tpu.dma_semaphore, #tpu.memory_space<semaphore_mem>>)
    %dma_wait3A_139 = arith.constant 0 : i32
    %dma_wait3A_140 = arith.constant 0 : i32
    %dma_wait3A_141 = tpu.memref_slice %arg3[%dma_wait3A_139, %dma_wait3A_140] : memref<1000000x32xf32, #tpu.memory_space<hbm>> -> memref<1000000x32xf32, #tpu.memory_space<hbm>>
    tpu.wait_indirect_dma semaphore(%arg10 : memref<!tpu.dma_semaphore, #tpu.memory_space<semaphore_mem>>) src(%dma_wait3A_141 : memref<1000000x32xf32, #tpu.memory_space<hbm>>) dst(%arg8 : memref<1600x32xf32, #tpu.memory_space<vmem>>)
    %add3A_142 = arith.constant 20800 : i32
    %add3A_143 = arith.addi %mul3A_2, %add3A_142 : i32
    "tpu.region"() ({
      %run_scoped3A = tpu.sem_alloc : memref<!tpu.dma_semaphore, #tpu.memory_space<semaphore_mem>>
      %dma_start3A_159 = arith.constant 0 : i32
      %dma_start3A_160 = tpu.memref_slice %arg4[%add3A_143, %dma_start3A_159] : memref<819200x32xf32, #tpu.memory_space<hbm>> -> memref<1600x32xf32, #tpu.memory_space<hbm>>
      %dma_start3A_161 = arith.constant 0 : i32
      %dma_start3A_162 = tpu.memref_slice %arg4[%add3A_143, %dma_start3A_161] : memref<819200x32xf32, #tpu.memory_space<hbm>> -> memref<1600x32xf32, #tpu.memory_space<hbm>>
      tpu.enqueue_dma source(%arg8 : memref<1600x32xf32, #tpu.memory_space<vmem>>) target(%dma_start3A_162 : memref<1600x32xf32, #tpu.memory_space<hbm>>) target_semaphore(%run_scoped3A : memref<!tpu.dma_semaphore, #tpu.memory_space<semaphore_mem>>)
      %dma_wait3A_163 = arith.constant 0 : i32
      %dma_wait3A_164 = tpu.memref_slice %arg4[%add3A_143, %dma_wait3A_163] : memref<819200x32xf32, #tpu.memory_space<hbm>> -> memref<1600x32xf32, #tpu.memory_space<hbm>>
      %dma_wait3A_165 = arith.constant 0 : i32
      %dma_wait3A_166 = tpu.memref_slice %arg4[%add3A_143, %dma_wait3A_165] : memref<819200x32xf32, #tpu.memory_space<hbm>> -> memref<1600x32xf32, #tpu.memory_space<hbm>>
      tpu.wait_dma2 semaphore(%run_scoped3A : memref<!tpu.dma_semaphore, #tpu.memory_space<semaphore_mem>>) src(%arg8 : memref<1600x32xf32, #tpu.memory_space<vmem>>) dst(%dma_wait3A_166 : memref<1600x32xf32, #tpu.memory_space<hbm>>)
      tpu.yield
    }) : () -> ()
    %add3A_144 = arith.constant 24000 : i32
    %add3A_145 = arith.addi %mul3A_2, %add3A_144 : i32
    "tpu.region"() ({
      %run_scoped3A = tpu.sem_alloc : memref<!tpu.dma_semaphore, #tpu.memory_space<semaphore_mem>>
      %dma_start3A_159 = tpu.memref_slice %arg2[%add3A_145] : memref<819200xi32, #tpu.memory_space<hbm>> -> memref<1600xi32, #tpu.memory_space<hbm>>
      %dma_start3A_160 = tpu.memref_slice %arg2[%add3A_145] : memref<819200xi32, #tpu.memory_space<hbm>> -> memref<1600xi32, #tpu.memory_space<hbm>>
      tpu.enqueue_dma source(%dma_start3A_160 : memref<1600xi32, #tpu.memory_space<hbm>>) target(%arg6 : memref<1600xi32, #tpu.memory_space<vmem>>) target_semaphore(%run_scoped3A : memref<!tpu.dma_semaphore, #tpu.memory_space<semaphore_mem>>)
      %dma_wait3A_161 = tpu.memref_slice %arg2[%add3A_145] : memref<819200xi32, #tpu.memory_space<hbm>> -> memref<1600xi32, #tpu.memory_space<hbm>>
      %dma_wait3A_162 = tpu.memref_slice %arg2[%add3A_145] : memref<819200xi32, #tpu.memory_space<hbm>> -> memref<1600xi32, #tpu.memory_space<hbm>>
      tpu.wait_dma2 semaphore(%run_scoped3A : memref<!tpu.dma_semaphore, #tpu.memory_space<semaphore_mem>>) src(%dma_wait3A_162 : memref<1600xi32, #tpu.memory_space<hbm>>) dst(%arg6 : memref<1600xi32, #tpu.memory_space<vmem>>)
      tpu.yield
    }) : () -> ()
    %dma_start3A_146 = arith.constant 0 : i32
    %dma_start3A_147 = arith.constant 0 : i32
    %dma_start3A_148 = tpu.memref_slice %arg3[%dma_start3A_146, %dma_start3A_147] : memref<1000000x32xf32, #tpu.memory_space<hbm>> -> memref<1000000x32xf32, #tpu.memory_space<hbm>>
    tpu.enqueue_indirect_dma source(%dma_start3A_148 : memref<1000000x32xf32, #tpu.memory_space<hbm>>) target(%arg8 : memref<1600x32xf32, #tpu.memory_space<vmem>>) offsets(%arg6 : memref<1600xi32, #tpu.memory_space<vmem>>) semaphore(%arg10 : memref<!tpu.dma_semaphore, #tpu.memory_space<semaphore_mem>>)
    %dma_wait3A_149 = arith.constant 0 : i32
    %dma_wait3A_150 = arith.constant 0 : i32
    %dma_wait3A_151 = tpu.memref_slice %arg3[%dma_wait3A_149, %dma_wait3A_150] : memref<1000000x32xf32, #tpu.memory_space<hbm>> -> memref<1000000x32xf32, #tpu.memory_space<hbm>>
    tpu.wait_indirect_dma semaphore(%arg9 : memref<!tpu.dma_semaphore, #tpu.memory_space<semaphore_mem>>) src(%dma_wait3A_151 : memref<1000000x32xf32, #tpu.memory_space<hbm>>) dst(%arg7 : memref<1600x32xf32, #tpu.memory_space<vmem>>)
    %add3A_152 = arith.constant 22400 : i32
    %add3A_153 = arith.addi %mul3A_2, %add3A_152 : i32
    "tpu.region"() ({
      %run_scoped3A = tpu.sem_alloc : memref<!tpu.dma_semaphore, #tpu.memory_space<semaphore_mem>>
      %dma_start3A_159 = arith.constant 0 : i32
      %dma_start3A_160 = tpu.memref_slice %arg4[%add3A_153, %dma_start3A_159] : memref<819200x32xf32, #tpu.memory_space<hbm>> -> memref<1600x32xf32, #tpu.memory_space<hbm>>
      %dma_start3A_161 = arith.constant 0 : i32
      %dma_start3A_162 = tpu.memref_slice %arg4[%add3A_153, %dma_start3A_161] : memref<819200x32xf32, #tpu.memory_space<hbm>> -> memref<1600x32xf32, #tpu.memory_space<hbm>>
      tpu.enqueue_dma source(%arg7 : memref<1600x32xf32, #tpu.memory_space<vmem>>) target(%dma_start3A_162 : memref<1600x32xf32, #tpu.memory_space<hbm>>) target_semaphore(%run_scoped3A : memref<!tpu.dma_semaphore, #tpu.memory_space<semaphore_mem>>)
      %dma_wait3A_163 = arith.constant 0 : i32
      %dma_wait3A_164 = tpu.memref_slice %arg4[%add3A_153, %dma_wait3A_163] : memref<819200x32xf32, #tpu.memory_space<hbm>> -> memref<1600x32xf32, #tpu.memory_space<hbm>>
      %dma_wait3A_165 = arith.constant 0 : i32
      %dma_wait3A_166 = tpu.memref_slice %arg4[%add3A_153, %dma_wait3A_165] : memref<819200x32xf32, #tpu.memory_space<hbm>> -> memref<1600x32xf32, #tpu.memory_space<hbm>>
      tpu.wait_dma2 semaphore(%run_scoped3A : memref<!tpu.dma_semaphore, #tpu.memory_space<semaphore_mem>>) src(%arg7 : memref<1600x32xf32, #tpu.memory_space<vmem>>) dst(%dma_wait3A_166 : memref<1600x32xf32, #tpu.memory_space<hbm>>)
      tpu.yield
    }) : () -> ()
    %dma_wait3A_154 = arith.constant 0 : i32
    %dma_wait3A_155 = arith.constant 0 : i32
    %dma_wait3A_156 = tpu.memref_slice %arg3[%dma_wait3A_154, %dma_wait3A_155] : memref<1000000x32xf32, #tpu.memory_space<hbm>> -> memref<1000000x32xf32, #tpu.memory_space<hbm>>
    tpu.wait_indirect_dma semaphore(%arg10 : memref<!tpu.dma_semaphore, #tpu.memory_space<semaphore_mem>>) src(%dma_wait3A_156 : memref<1000000x32xf32, #tpu.memory_space<hbm>>) dst(%arg8 : memref<1600x32xf32, #tpu.memory_space<vmem>>)
    %add3A_157 = arith.constant 24000 : i32
    %add3A_158 = arith.addi %mul3A_2, %add3A_157 : i32
    "tpu.region"() ({
      %run_scoped3A = tpu.sem_alloc : memref<!tpu.dma_semaphore, #tpu.memory_space<semaphore_mem>>
      %dma_start3A_159 = arith.constant 0 : i32
      %dma_start3A_160 = tpu.memref_slice %arg4[%add3A_158, %dma_start3A_159] : memref<819200x32xf32, #tpu.memory_space<hbm>> -> memref<1600x32xf32, #tpu.memory_space<hbm>>
      %dma_start3A_161 = arith.constant 0 : i32
      %dma_start3A_162 = tpu.memref_slice %arg4[%add3A_158, %dma_start3A_161] : memref<819200x32xf32, #tpu.memory_space<hbm>> -> memref<1600x32xf32, #tpu.memory_space<hbm>>
      tpu.enqueue_dma source(%arg8 : memref<1600x32xf32, #tpu.memory_space<vmem>>) target(%dma_start3A_162 : memref<1600x32xf32, #tpu.memory_space<hbm>>) target_semaphore(%run_scoped3A : memref<!tpu.dma_semaphore, #tpu.memory_space<semaphore_mem>>)
      %dma_wait3A_163 = arith.constant 0 : i32
      %dma_wait3A_164 = tpu.memref_slice %arg4[%add3A_158, %dma_wait3A_163] : memref<819200x32xf32, #tpu.memory_space<hbm>> -> memref<1600x32xf32, #tpu.memory_space<hbm>>
      %dma_wait3A_165 = arith.constant 0 : i32
      %dma_wait3A_166 = tpu.memref_slice %arg4[%add3A_158, %dma_wait3A_165] : memref<819200x32xf32, #tpu.memory_space<hbm>> -> memref<1600x32xf32, #tpu.memory_space<hbm>>
      tpu.wait_dma2 semaphore(%run_scoped3A : memref<!tpu.dma_semaphore, #tpu.memory_space<semaphore_mem>>) src(%arg8 : memref<1600x32xf32, #tpu.memory_space<vmem>>) dst(%dma_wait3A_166 : memref<1600x32xf32, #tpu.memory_space<hbm>>)
      tpu.yield
    }) : () -> ()
    return
  }
}

module attributes {stable_mosaic.version = 14 : i64} {
  func.func @_mask_body(%arg0: memref<4096x200xi32, #tpu.memory_space<vmem>>, %arg1: memref<4096x200xi32, #tpu.memory_space<vmem>>) attributes {dimension_semantics = [], scalar_prefetch = 0 : i64, scratch_operands = 0 : i64, tpu.core_type = #tpu.core_type<tc>} {
    %get3A = arith.constant 0 : index
    %get3A_0 = arith.constant 0 : index
    %get3A_1 = vector.load %arg0[%get3A, %get3A_0] : memref<4096x200xi32, #tpu.memory_space<vmem>>, vector<4096x200xi32>
    %eq3A = arith.constant 0 : i32
    %eq3A_2 = vector.broadcast %eq3A : i32 to vector<4096x200xi32>
    %eq3A_3 = arith.cmpi eq, %get3A_1, %eq3A_2 : vector<4096x200xi32>
    %swap3A = arith.constant 0 : index
    %swap3A_4 = arith.constant 0 : index
    %swap3A_5 = vector.load %arg1[%swap3A, %swap3A_4] : memref<4096x200xi32, #tpu.memory_space<vmem>>, vector<4096x200xi32>
    %swap3A_6 = arith.extui %eq3A_3 : vector<4096x200xi1> to vector<4096x200xi32>
    %swap3A_7 = arith.constant dense<0> : vector<4096x200xi32>
    %swap3A_8 = arith.cmpi ne, %swap3A_5, %swap3A_7 : vector<4096x200xi32>
    tpu.vector_store %arg1[%swap3A, %swap3A_4], %swap3A_6 {strides = array<i32>} : memref<4096x200xi32, #tpu.memory_space<vmem>>, vector<4096x200xi32>,
    return
  }
}

</mosaic_0001>

<sc_bundles>
// kernel: kernel.5.cloned.1.call-start
scs
__scs_entry_jumppad:
0x0: {  	(pc) =	sbr.rel $0x88, $3  }
0x1: {  	(tag) =	ssettag $0x0;
	lr =	simm.s32 $0x1  }
0x2: {  	[smem:$0x3F9F] =	sst lr;
	_ =	strace $0xD0000000  }
0x3: {  	_ = 	snop  }
0x4: {  	_ = 	snop  }
0x5: {  	_ = 	snop  }
0x6: {  	_ = 	snop  }
0x7: {  	_ = 	snop  }
__scs_overlays_trampoline_lowered:
0x8: {  	[smem:$0x3FAE] =	sst s0  }
0x9: {  	[smem:$0x3FAF] =	sst s1  }
0xa: {  	[smem:$0x3FB0] =	sst s2  }
0xb: {  	[smem:$0x3FB1] =	sst s3  }
0xc: {  	[smem:$0x3FB2] =	sst s4  }
0xd: {  	[smem:$0x3FB3] =	sst s5  }
0xe: {  	[smem:$0x3FB4] =	sst s6  }
0xf: {  	[smem:$0x3FB5] =	sst s7  }
0x10: {  	[smem:$0x3FB6] =	sst s8  }
0x11: {  	[smem:$0x3FB7] =	sst s9;
	s0 =	simm.s32 @!p0 $0x0  }
0x12: {  	s1 =	sld [smem:$0x3F9D];
	s0 =	simm.s32 @p0 $0x1  }
0x13: {  	[smem:$0x3FB8] =	sst s0;
	s0 =	simm.s32 @!p1 $0x0  }
0x14: {  	s2 =	sld [smem:$0x3F9C];
	s0 =	simm.s32 @p1 $0x1  }
0x15: {  	[smem:$0x3FB9] =	sst s0;
	s0 =	simm.s32 @!p2 $0x0  }
0x16: {  	s3 =	sld [smem:$0x3FDB];
	s0 =	simm.s32 @p2 $0x1  }
0x17: {  	s4 =	simm.s32 $0x1BF5;
	[smem:$0x3FBB] =	sst s0  }
0x18: {  	s0 =	sld [smem:$0x3F9E];
	_ =	swait.ge [sflag:s4], $0x0  }
0x19: {  	s7 =	sld [smem:$0x3F9F]  }
0x1a: {  	s8 =	sadd.s32 $0xFFFFE003, lr  }
0x1b: {  	s9 =	sadd.s32 $0xFFFFFEF7, lr;
	s5 =	simm.s32 $0xFFFFFFFF;
	p2 =	slt.u32 s8, $0xFFFFF086  }
0x1c: {  	p1 =	slt.u32 s9, $0xF7A;
	s5 =	simm.s32 @!p2 $0x0  }
0x1d: {  	s5 =	simm.s32 @p1 $0x1;
	p0 =	seq.s32 s7, s2  }
0x1e: {  	s7 =	smul.u32 @!p0 $0xF7A, s2;
	p2 =	seq.s32 @!p0 s5, $0x0  }
0x1f: {  	s9 =	smul.u32 $0xF7A, s1;
	s8 =	simm.s32 @!p0 $0x1BF5;
	p2 =	por !p2, p0  }
0x20: {  	[sflag:s8] =	ssyncset.s32 @!p0 $0xFFFFF086;
	s6 =	sadd.s32 @!p0 s3, s7;
	s7 =	simm.s32 @!p0 $0x108  }
0x21: {  	s3 =	sadd.s32 s3, s9;
	s6 =	sadd.s32 @!p0 $0x88, s6;
	s7 =	simm.s32 @p2 $0x1082  }
0x22: {  	[simem:s7], [sflag:s8] =	dma.local @!p0 [hbm:s6], $0xF7A  }
0x23: {  	s9 =	sor.u32 $0xD0000000, s2;
	s6 =	simm.s32 $0x108;
	_ =	swait.ge @!p0 [sflag:s8], $0x0  }
0x24: {  	s3 =	sadd.s32 $0x88, s3;
	s6 =	simm.s32 @!p1 $0x1082;
	[sflag:s4] =	ssyncset.s32 $0xFFFFF086  }
0x25: {  	[simem:s6], [sflag:s4] =	dma.local [hbm:s3], $0xF7A  }
0x26: {  	[smem:$0x3F9F] =	sst s1;
	(tag) =	ssettag s2;
	_ =	strace s9  }
0x27: {  	s1 =	sld [smem:$0x3FAF]  }
0x28: {  	s2 =	sld [smem:$0x3FB0]  }
0x29: {  	s4 =	sld [smem:$0x3FB2]  }
0x2a: {  	p0 =	seq.s32 s5, $0x0;
	s5 =	sld [smem:$0x3FB3]  }
0x2b: {  	s6 =	sld [smem:$0x3FB4]  }
0x2c: {  	s7 =	sld [smem:$0x3FB5]  }
0x2d: {  	s3 =	simm.s32 $0x108;
	s8 =	sld [smem:$0x3FB6]  }
0x2e: {  	s3 =	simm.s32 @!p0 $0x1082;
	s9 =	sld [smem:$0x3FB7]  }
0x2f: {  	lr =	sadd.s32 s0, s3;
	s0 =	sld [smem:$0x3FAE]  }
0x30: {  	s3 =	sld [smem:$0x3FB1]  }
0x31: {  	[smem:$0x3FBA] =	sst s10  }
0x32: {  	s10 =	sld [smem:$0x3FB8];
	_ =	sdelay $0x3  }
0x33: {  	p0 =	seq.s32 s10, $0x1;
	s10 =	sld [smem:$0x3FBA];
	_ =	sdelay $0x3  }
0x34: {  	[smem:$0x3FBA] =	sst s10  }
0x35: {  	s10 =	sld [smem:$0x3FB9];
	_ =	sdelay $0x3  }
0x36: {  	p1 =	seq.s32 s10, $0x1;
	s10 =	sld [smem:$0x3FBA];
	_ =	sdelay $0x3  }
0x37: {  	[smem:$0x3FBA] =	sst s10  }
0x38: {  	s10 =	sld [smem:$0x3FBB]  }
0x39: {  	_ = 	snop;
	(pc) =	sbr.ind lr, $3  }
0x3a: {  	_ = 	snop  }
0x3b: {  	_ = 	snop  }
0x3c: {  	p2 =	seq.s32 s10, $0x1;
	s10 =	sld [smem:$0x3FBA]  }
0x3d: {  	_ =	shalt  }
0x3e: {  	_ =	shalt  }
0x3f: {  	_ =	shalt  }
0x40: {  	_ =	shalt  }
0x41: {  	_ =	shalt  }
0x42: {  	_ =	shalt  }
0x43: {  	_ =	shalt  }
0x44: {  	_ =	shalt  }
0x45: {  	_ =	shalt  }
0x46: {  	_ =	shalt  }
0x47: {  	_ =	shalt  }
0x48: {  	_ =	shalt  }
0x49: {  	_ =	shalt  }
0x4a: {  	_ =	shalt  }
0x4b: {  	_ =	shalt  }
0x4c: {  	_ =	shalt  }
0x4d: {  	_ =	shalt  }
0x4e: {  	_ =	shalt  }
0x4f: {  	_ =	shalt  }
0x50: {  	_ =	shalt  }
0x51: {  	_ =	shalt  }
0x52: {  	_ =	shalt  }
0x53: {  	_ =	shalt  }
0x54: {  	_ =	shalt  }
0x55: {  	_ =	shalt  }
0x56: {  	_ =	shalt  }
0x57: {  	_ =	shalt  }
0x58: {  	_ =	shalt  }
0x59: {  	_ =	shalt  }
0x5a: {  	_ =	shalt  }
0x5b: {  	_ =	shalt  }
0x5c: {  	_ =	shalt  }
0x5d: {  	_ =	shalt  }
0x5e: {  	_ =	shalt  }
0x5f: {  	_ =	shalt  }
0x60: {  	_ =	shalt  }
0x61: {  	_ =	shalt  }
0x62: {  	_ =	shalt  }
0x63: {  	_ =	shalt  }
0x64: {  	_ =	shalt  }
0x65: {  	_ =	shalt  }
0x66: {  	_ =	shalt  }
0x67: {  	_ =	shalt  }
0x68: {  	_ =	shalt  }
0x69: {  	_ =	shalt  }
0x6a: {  	_ =	shalt  }
0x6b: {  	_ =	shalt  }
0x6c: {  	_ =	shalt  }
0x6d: {  	_ =	shalt  }
0x6e: {  	_ =	shalt  }
0x6f: {  	_ =	shalt  }
0x70: {  	_ =	shalt  }
0x71: {  	_ =	shalt  }
0x72: {  	_ =	shalt  }
0x73: {  	_ =	shalt  }
0x74: {  	_ =	shalt  }
0x75: {  	_ =	shalt  }
0x76: {  	_ =	shalt  }
0x77: {  	_ =	shalt  }
0x78: {  	_ =	shalt  }
0x79: {  	_ =	shalt  }
0x7a: {  	_ =	shalt  }
0x7b: {  	_ =	shalt  }
0x7c: {  	_ =	shalt  }
0x7d: {  	_ =	shalt  }
0x7e: {  	_ =	shalt  }
0x7f: {  	_ =	shalt  }
0x80: {  	_ =	shalt  }
0x81: {  	_ =	shalt  }
0x82: {  	_ =	shalt  }
0x83: {  	_ =	shalt  }
0x84: {  	_ =	shalt  }
0x85: {  	_ =	shalt  }
0x86: {  	_ =	shalt  }
0x87: {  	_ =	shalt  }
.Lfunc_end0:
.L_simem_size_0:
called_computation.1_lowered:
.L_overlay_start_0:
0x88: {  	s2 =	sld [smem:$0x3FD9]  }
0x89: {  	s3 =	sld [smem:$0x3FFE];
	_ =	sdelay $0x1  }
0x8a: {  	s1 =	srdreg.scid  }
0x8b: {  	s0 =	sand.u32 $0x1, s1  }
0x8c: {  	s14 =	sshll.u32 s0, $0xA;
	s2 =	sadd.s32 s3, s2  }
0x8d: {  	s2 =	sadd.s32 s2, s14  }
0x8e: {  	[smem:$0x3FC6] =	sst s2  }
0x8f: {  	_ = 	snop  }
0x90: {  	s2 =	sld [smem:$0x3FD0];
	_ =	sdelay $0x2  }
0x91: {  	s4 =	simm.s32 $0xA;
	s5 =	simm.s32 $0x10;
	s15 =	sld [smem:$0x3FC8]  }
0x92: {  	[smem:s5], [sflag:s4] =	dma.local [hbm:s2], $0x1  }
0x93: {  	_ =	swait.eq [sflag:s4], $0x1  }
0x94: {  	[sflag:s4] =	ssyncset.done $0x0  }
0x95: {  	[sflag:s4] =	ssyncadd.s32 $0xFFFFFFFF  }
0x96: {  	s16 =	sld [smem:$0x11];
	(tm) =	ssettm $0x1  }
0x97: {  	s17 =	sld [smem:$0x3FFB];
	_ =	sdelay $0x3  }
0x98: {  	_ =	strace s17  }
0x99: {  	s4 =	sld [smem:$0x3FFC];
	_ =	sdelay $0x3  }
0x9a: {  	_ =	strace s4  }
0x9b: {  	s4 =	sld [smem:$0x3FFD];
	_ =	sdelay $0x3  }
0x9c: {  	_ =	strace s4  }
0x9d: {  	_ =	strace $0x8FFFFFFF  }
0x9e: {  	s18 =	sld [smem:$0x3FDB];
	_ =	sdelay $0x1  }
0x9f: {  	s19 =	simm.s32 $_scs_section_size  }
0xa0: {  	s6 =	simm.s32 $_size__tile_overlayer_lowered;
	s7 =	simm.s32 $_tile_overlayer_lowered  }
0xa1: {  	s22 =	simm.s32 $0x1BFF;
	s21 =	sshll.u32 s7, $0x1;
	s4 =	sadd.s32 s19, s18  }
0xa2: {  	s8 =	simm.s32 $0x0;
	s20 =	sshll.u32 s6, $0x1;
	s6 =	sadd.s32 s21, s4  }
0xa3: {  	[timem:s8], [sflag:s22] =	dma.local [hbm:s6], s20  }
0xa4: {  	_ =	swait.ge [sflag:s22], s20  }
0xa5: {  	s5 =	ssub.s32 $0x0, s20;
	[sflag:s22] =	ssyncset.done $0x0  }
0xa6: {  	[sflag:s22] =	ssyncadd.s32 s5;
	_ =	sdelay $0x1  }
0xa7: {  	s23 =	simm.s32 $0x1B8B  }
0xa8: {  	_ =	swait.ge [sflag:s23], $0x1  }
0xa9: {  	[sflag:s23] =	ssyncset.done $0x0  }
0xaa: {  	s25 =	simm.s32 $0x1B8E;
	s24 =	sld [smem:$0x3FFE];
	[sflag:s23] =	ssyncadd.s32 $0xFFFFFFFF  }
0xab: {  	s26 =	simm.s32 $execute0_lowered;
	[smem:$0x3FD2] =	sst s25  }
0xac: {  	s6 =	sshll.u32 s26, $0x1;
	_ =	strace $0x80000046;
	[dreg:$0x1] =	wrdreg $0xFFFFFFFF  }
0xad: {  	s28 =	simm.s32 $_size_execute0_lowered;
	s4 =	sadd.s32 s4, s6;
	[dreg:$0x0] =	wrdreg $0x0  }
0xae: {  	s6 =	sshll.u32 s28, $0x1;
	[dreg:$0x2] =	wrdreg s4  }
0xaf: {  	[dreg:$0x3] =	wrdreg s6  }
0xb0: {  	[dreg:$0x4] =	wrdreg $0xC0  }
0xb1: {  	_ =	task [dreg:s8], $0x5FFFF  }
0xb2: {  	[dreg:$0x1] =	wrdreg $0xFFFFFFFF  }
0xb3: {  	[dreg:$0x0] =	wrdreg $0x60  }
0xb4: {  	[dreg:$0x2] =	wrdreg s15  }
0xb5: {  	[dreg:$0x3] =	wrdreg s16  }
0xb6: {  	[dreg:$0x4] =	wrdreg s24  }
0xb7: {  	[dreg:$0x5] =	wrdreg $0x9  }
0xb8: {  	_ =	task.clear_ibuf [dreg:s8], $0x6FFFF;
	_ =	strace $0x90000046  }
0xb9: {  	s29 =	simm.s32 $0x9;
	_ =	strace $0x80000048  }
0xba: {  	_ =	swait.ge [sflag:s29], $0x1  }
0xbb: {  	[sflag:s29] =	ssyncadd.s32 $0xFFFFFFFF  }
0xbc: {  	_ =	strace $0x90000048  }
0xbd: {  	_ =	sfence  }
0xbe: {  	s30 =	sld [smem:$0x0];
	_ =	sdelay $0x2  }
0xbf: {  	s31 =	sshll.u32 s1, $0xD;
	s1 =	sshrl.u32 s1, $0x2  }
0xc0: {  	s3 =	sand.u32 $0x4000, s31;
	s1 =	sadd.s32 s1, s30  }
0xc1: {  	s0 =	sor.u32 s3, s0;
	s1 =	sshll.u32 s1, $0x11  }
0xc2: {  	s0 =	sor.u32 s1, s0  }
0xc3: {  	s0 =	sadd.s32 $0x8F2B, s0  }
0xc4: {  	[sflag:s0] =	ssyncadd.remote.s32 $0x1  }
0xc5: {  	_ =	sfence.sel $0xFFFF  }
0xc6: {  	[dreg:$0x0] =	wrdreg $0xFFFFFFFF;
	(pc) =	sbr.abs _section_cstart, $3  }
0xc7: {  	[dreg:$0x1] =	wrdreg $0xFFFFFFFF  }
0xc8: {  	_ =	task.clear_ibuf [dreg:s8], $0x2FFFF;
	_ =	strace $0x9FFFFFFF  }
0xc9: {  	(tm) =	ssettm $0x7FFFFFFF  }
tec
execute0_lowered:
.L_overlay_start_1:
0x0: {  	(tag) =	ssettag $0x1  }
0x1: {  	v0 =	vlaneseq.u32  }
0x2: {  	s1 =	rddreg [dreg:$0x0];
	v0 =	vmul.u32 $0x11, v0  }
0x3: {  	s2 =	rddreg [dreg:$0x1]  }
0x4: {  	s9 =	rddreg [dreg:$0x2];
	v1 =	vadd.s32 $0x110, v0  }
0x5: {  	s0 =	rddreg [dreg:$0x3];
	s4 =	simm.s32 $0x0;
	v2 =	vadd.s32 $0x1, v0;
	v3 =	vadd.s32 $0x111, v0;
	v4 =	vadd.s32 $0x2, v0  }
0x6: {  	s5 =	srdreg.scid;
	s3 =	stileid.u32;
	s12 =	simm.s32 $0x7A1400;
	v5 =	vadd.s32 $0x112, v0;
	v6 =	vadd.s32 $0x3, v0;
	v7 =	vadd.s32 $0x113, v0  }
0x7: {  	s13 =	simm.s32 $0x1;
	s14 =	simm.s32 $0x18000;
	s15 =	simm.s32 $0x10000;
	v8 =	vadd.s32 $0x4, v0;
	v9 =	vadd.s32 $0x114, v0;
	v10 =	vadd.s32 $0x5, v0  }
0x8: {  	s16 =	simm.s32 $0x4;
	s17 =	simm.s32 $0x2;
	s18 =	simm.s32 $0x3;
	v11 =	vadd.s32 $0x115, v0;
	v12 =	vadd.s32 $0x6, v0;
	v13 =	vadd.s32 $0x116, v0  }
0x9: {  	s19 =	simm.s32 $0x0;
	[smem:$0x7FF] =	sst s4;
	s5 =	sand.u32 $0x1, s5;
	v14 =	vadd.s32 $0x7, v0;
	v15 =	vadd.s32 $0x117, v0;
	v16 =	vadd.s32 $0x8, v0  }
.Ltmp0:
0xa: {  	s6 =	sshll.u32 s3, $0x1;
	_ =	strace $0x80000047;
	v17 =	vadd.s32 $0x118, v0;
	v18 =	vadd.s32 $0x9, v0;
	v19 =	vadd.s32 $0x119, v0;
	(pc) =	sbr.rel .LBB2_1-.Ltmp0, $4  }
0xb: {  	s7 =	ssub.s32 $0x2, s5;
	s5 =	sor.u32 s5, s6;
	s6 =	sadd.s32 $0x1400, s9;
	v20 =	vadd.s32 $0xA, v0;
	v21 =	vadd.s32 $0x11A, v0;
	v22 =	vadd.s32 $0xB, v0  }
0xc: {  	s9 =	sadd.s32 $0x3D1400, s9;
	s8 =	sshrl.u32 s7, $0x1;
	s10 =	sshll.u32 s5, $0xA;
	v23 =	vadd.s32 $0x11B, v0;
	v24 =	vadd.s32 $0xC, v0;
	v25 =	vadd.s32 $0x11C, v0  }
0xd: {  	v26 =	vadd.s32 $0xD, v0;
	v27 =	vadd.s32 $0x11D, v0;
	v28 =	vadd.s32 $0xE, v0;
	p0 =	sne.s32 s5, $0x0;
	s11 =	ssub.s32 s7, s8;
	s7 =	sadd.s32 s1, s10  }
0xe: {  	v29 =	vadd.s32 $0x11E, v0;
	v30 =	vadd.s32 $0xF, v0;
	v31 =	vadd.s32 $0x11F, v0;
	s8 =	sor.u32 $0x40, s5;
	s10 =	smax.u32 s11, $0x1;
	s11 =	simm.s32 $0x2000  }
.LBB2_11:
0xf: {  	s20 =	sshll.u32 @!p0 s3, $0x6;
	s19 =	sadd.s32 $0x1, s19  }
0x10: {  	s20 =	sor.u32 @!p0 $0x1C03, s20;
	p1 =	sne.s32 s19, s10  }
0x11: {  	[hbm:s9], [sflag:s20] =	dma.local @!p0 [hbm:s2], $0x900  }
.Ltmp1:
0x12: {  	_ = 	snop;
	(pc) =	sbr.rel @!p1 .LBB2_12-.Ltmp1, $4  }
0x13: {  	s20 =	simm.s32 @!p0 $0x3  }
0x14: {  	_ =	swait.ge @!p0 [sflag:s20], $0x900  }
0x15: {  	[sflag:s20] =	ssyncset.done @!p0 $0x0  }
0x16: {  	[sflag:s20] =	ssyncadd.s32 @!p0 $0xFFFFF700  }
.LBB2_1:
.Ltmp2:
0x17: {  	(pc) =	sbr.rel .LBB2_2-.Ltmp2, $3  }
0x18: {  	_ =	sdelay $0x1  }
0x19: {  	[tilespmem:s4], [sflag:$0x1] =	stream.strided.gather [hbm4b:s7+s11], $0x8000, s12, s11, $0x38;
	[tilespmem:$0x18280] =	vst v63  }
0x1a: {  	s20 =	simm.s32 $0x0  }
.LBB2_10:
0x1b: {  	s20 =	sadd.s32 $0x1, s20  }
0x1c: {  	p1 =	sne.s32 s20, $0x10  }
.Ltmp3:
0x1d: {  	_ = 	snop;
	(pc) =	sbr.rel @!p1 .LBB2_11-.Ltmp3, $1  }
0x1e: {  	_ =	sdelay $0x3  }
.LBB2_2:
0x1f: {  	s22 =	sshll.u32 s20, $0x6  }
0x20: {  	s23 =	sor.u32 s5, s22  }
0x21: {  	p2 =	sgt.u32 s23, $0x3CF  }
.Ltmp4:
0x22: {  	s21 =	sor.u32 $0x20, s23;
	(pc) =	sbr.rel @p2 .LBB2_6-.Ltmp4, $4  }
0x23: {  	p1 =	sgt.u32 s21, $0x3CF  }
0x24: {  	s24 =	sshll.u32 @!p1 s21, $0xA;
	s25 =	simm.s32 @!p1 $0x2000  }
0x25: {  	s26 =	simm.s32 @!p1 $0x7A1400;
	s28 =	simm.s32 @!p1 $0x8000;
	s24 =	sadd.s32 @!p1 s1, s24  }
0x26: {  	[tilespmem:s28], [sflag:$0x2] =	stream.strided.gather @!p1 [hbm4b:s24+s25], $0x8000, s26, s25, $0x38;
	[tilespmem:$0x18280] =	vst v63  }
0x27: {  	_ =	swait.ge [sflag:s13], $0x8000  }
0x28: {  	s24 =	simm.s32 $0x0;
	[sflag:s13] =	ssyncset.done $0x0  }
0x29: {  	s25 =	simm.s32 $0x10100;
	s26 =	simm.s32 $0x0;
	[sflag:s13] =	ssyncadd.s32 $0xFFFF8000  }
.LBB2_4:
0x2a: {  	s28 =	sand.u32 $0x70, s26;
	s29 =	sand.u32 $0x1C00, s24  }
0x2b: {  	s28 =	sor.u32 s28, s29  }
0x2c: {  	v32 =	vld [tilespmem:s28+$0x0];
	_ =	sdelay $0x4  }
0x2d: {  	[tilespmem:$0x18000] =	vst v32  }
0x2e: {  	v32 =	vld [tilespmem:s28+$0x80];
	_ =	sdelay $0x4  }
0x2f: {  	[tilespmem:$0x18011] =	vst v32  }
0x30: {  	v32 =	vld [tilespmem:s28+$0x100];
	_ =	sdelay $0x4  }
0x31: {  	[tilespmem:$0x18022] =	vst v32  }
0x32: {  	v32 =	vld [tilespmem:s28+$0x180];
	_ =	sdelay $0x4  }
0x33: {  	[tilespmem:$0x18033] =	vst v32  }
0x34: {  	v32 =	vld [tilespmem:s28+$0x200];
	_ =	sdelay $0x4  }
0x35: {  	[tilespmem:$0x18044] =	vst v32  }
0x36: {  	v32 =	vld [tilespmem:s28+$0x280];
	_ =	sdelay $0x4  }
0x37: {  	[tilespmem:$0x18055] =	vst v32  }
0x38: {  	v32 =	vld [tilespmem:s28+$0x300];
	_ =	sdelay $0x3  }
0x39: {  	s31 =	sor.u32 s24, s26  }
0x3a: {  	s29 =	sor.u32 $0x380, s31;
	[tilespmem:$0x18066] =	vst v32  }
0x3b: {  	v32 =	vld [tilespmem:s29+$0x0];
	_ =	sdelay $0x4  }
0x3c: {  	[tilespmem:$0x18077] =	vst v32  }
0x3d: {  	v32 =	vld [tilespmem:s28+$0x2000];
	_ =	sdelay $0x4  }
0x3e: {  	[tilespmem:$0x18088] =	vst v32  }
0x3f: {  	v32 =	vld [tilespmem:s28+$0x2080];
	_ =	sdelay $0x4  }
0x40: {  	[tilespmem:$0x18099] =	vst v32  }
0x41: {  	v32 =	vld [tilespmem:s28+$0x2100];
	_ =	sdelay $0x4  }
0x42: {  	[tilespmem:$0x180AA] =	vst v32  }
0x43: {  	v32 =	vld [tilespmem:s28+$0x2180];
	_ =	sdelay $0x4  }
0x44: {  	[tilespmem:$0x180BB] =	vst v32  }
0x45: {  	v32 =	vld [tilespmem:s28+$0x2200];
	_ =	sdelay $0x4  }
0x46: {  	[tilespmem:$0x180CC] =	vst v32  }
0x47: {  	v32 =	vld [tilespmem:s28+$0x2280];
	_ =	sdelay $0x4  }
0x48: {  	[tilespmem:$0x180DD] =	vst v32  }
0x49: {  	v32 =	vld [tilespmem:s28+$0x2300];
	_ =	sdelay $0x4  }
0x4a: {  	[tilespmem:$0x180EE] =	vst v32  }
0x4b: {  	v32 =	vld [tilespmem:s28+$0x2380];
	_ =	sdelay $0x4  }
0x4c: {  	[tilespmem:$0x180FF] =	vst v32  }
0x4d: {  	v32 =	vld [tilespmem:s28+$0x4000];
	_ =	sdelay $0x4  }
0x4e: {  	[tilespmem:$0x18110] =	vst v32  }
0x4f: {  	v32 =	vld [tilespmem:s28+$0x4080];
	_ =	sdelay $0x4  }
0x50: {  	[tilespmem:$0x18121] =	vst v32  }
0x51: {  	v32 =	vld [tilespmem:s28+$0x4100];
	_ =	sdelay $0x4  }
0x52: {  	[tilespmem:$0x18132] =	vst v32  }
0x53: {  	v32 =	vld [tilespmem:s28+$0x4180];
	_ =	sdelay $0x4  }
0x54: {  	[tilespmem:$0x18143] =	vst v32  }
0x55: {  	v32 =	vld [tilespmem:s28+$0x4200];
	_ =	sdelay $0x4  }
0x56: {  	[tilespmem:$0x18154] =	vst v32  }
0x57: {  	v32 =	vld [tilespmem:s28+$0x4280];
	_ =	sdelay $0x4  }
0x58: {  	[tilespmem:$0x18165] =	vst v32  }
0x59: {  	v32 =	vld [tilespmem:s28+$0x4300];
	_ =	sdelay $0x4  }
0x5a: {  	[tilespmem:$0x18176] =	vst v32  }
0x5b: {  	v32 =	vld [tilespmem:s28+$0x4380];
	_ =	sdelay $0x4  }
0x5c: {  	[tilespmem:$0x18187] =	vst v32  }
0x5d: {  	v32 =	vld [tilespmem:s28+$0x6000];
	_ =	sdelay $0x4  }
0x5e: {  	[tilespmem:$0x18198] =	vst v32  }
0x5f: {  	v32 =	vld [tilespmem:s28+$0x6080];
	_ =	sdelay $0x4  }
0x60: {  	[tilespmem:$0x181A9] =	vst v32  }
0x61: {  	v32 =	vld [tilespmem:s28+$0x6100];
	_ =	sdelay $0x4  }
0x62: {  	[tilespmem:$0x181BA] =	vst v32  }
0x63: {  	v32 =	vld [tilespmem:s28+$0x6180];
	_ =	sdelay $0x4  }
0x64: {  	[tilespmem:$0x181CB] =	vst v32  }
0x65: {  	v32 =	vld [tilespmem:s28+$0x6200];
	_ =	sdelay $0x4  }
0x66: {  	[tilespmem:$0x181DC] =	vst v32  }
0x67: {  	v32 =	vld [tilespmem:s28+$0x6280];
	_ =	sdelay $0x4  }
0x68: {  	[tilespmem:$0x181ED] =	vst v32  }
0x69: {  	v32 =	vld [tilespmem:s28+$0x6300];
	_ =	sdelay $0x4  }
0x6a: {  	[tilespmem:$0x181FE] =	vst v32  }
0x6b: {  	v32 =	vld [tilespmem:s28+$0x6380];
	_ =	sdelay $0x4  }
0x6c: {  	[tilespmem:$0x1820F] =	vst v32  }
0x6d: {  	v32 =	vld.idx.msk [tilespmem:v0+s14+$0x0], $0xffff  }
0x6e: {  	v33 =	vld.idx.msk [tilespmem:v1+s14+$0x0], $0xffff;
	_ =	sdelay $0x3  }
0x6f: {  	[tilespmem:s25+$0xFFFFFF00] =	vst v32  }
0x70: {  	[tilespmem:s25+$0xFFFFFF10] =	vst v33  }
0x71: {  	v32 =	vld.idx.msk [tilespmem:v2+s14+$0x0], $0xffff  }
0x72: {  	v33 =	vld.idx.msk [tilespmem:v3+s14+$0x0], $0xffff;
	_ =	sdelay $0x3  }
0x73: {  	[tilespmem:s25+$0xFFFFFF20] =	vst v32  }
0x74: {  	[tilespmem:s25+$0xFFFFFF30] =	vst v33  }
0x75: {  	v32 =	vld.idx.msk [tilespmem:v4+s14+$0x0], $0xffff  }
0x76: {  	v33 =	vld.idx.msk [tilespmem:v5+s14+$0x0], $0xffff;
	_ =	sdelay $0x3  }
0x77: {  	[tilespmem:s25+$0xFFFFFF40] =	vst v32  }
0x78: {  	[tilespmem:s25+$0xFFFFFF50] =	vst v33  }
0x79: {  	v32 =	vld.idx.msk [tilespmem:v6+s14+$0x0], $0xffff  }
0x7a: {  	v33 =	vld.idx.msk [tilespmem:v7+s14+$0x0], $0xffff;
	_ =	sdelay $0x3  }
0x7b: {  	[tilespmem:s25+$0xFFFFFF60] =	vst v32  }
0x7c: {  	[tilespmem:s25+$0xFFFFFF70] =	vst v33  }
0x7d: {  	v32 =	vld.idx.msk [tilespmem:v8+s14+$0x0], $0xffff  }
0x7e: {  	v33 =	vld.idx.msk [tilespmem:v9+s14+$0x0], $0xffff;
	_ =	sdelay $0x3  }
0x7f: {  	[tilespmem:s25+$0xFFFFFF80] =	vst v32  }
0x80: {  	[tilespmem:s25+$0xFFFFFF90] =	vst v33  }
0x81: {  	v32 =	vld.idx.msk [tilespmem:v10+s14+$0x0], $0xffff  }
0x82: {  	v33 =	vld.idx.msk [tilespmem:v11+s14+$0x0], $0xffff;
	_ =	sdelay $0x3  }
0x83: {  	[tilespmem:s25+$0xFFFFFFA0] =	vst v32  }
0x84: {  	[tilespmem:s25+$0xFFFFFFB0] =	vst v33  }
0x85: {  	v32 =	vld.idx.msk [tilespmem:v12+s14+$0x0], $0xffff  }
0x86: {  	v33 =	vld.idx.msk [tilespmem:v13+s14+$0x0], $0xffff;
	_ =	sdelay $0x3  }
0x87: {  	[tilespmem:s25+$0xFFFFFFC0] =	vst v32  }
0x88: {  	[tilespmem:s25+$0xFFFFFFD0] =	vst v33  }
0x89: {  	v32 =	vld.idx.msk [tilespmem:v14+s14+$0x0], $0xffff  }
0x8a: {  	v33 =	vld.idx.msk [tilespmem:v15+s14+$0x0], $0xffff;
	_ =	sdelay $0x3  }
0x8b: {  	[tilespmem:s25+$0xFFFFFFE0] =	vst v32  }
0x8c: {  	[tilespmem:s25+$0xFFFFFFF0] =	vst v33  }
0x8d: {  	v32 =	vld.idx.msk [tilespmem:v16+s14+$0x0], $0xffff  }
0x8e: {  	v33 =	vld.idx.msk [tilespmem:v17+s14+$0x0], $0xffff;
	_ =	sdelay $0x3  }
0x8f: {  	[tilespmem:s25+$0x0] =	vst v32  }
0x90: {  	[tilespmem:s25+$0x10] =	vst v33  }
0x91: {  	v32 =	vld.idx.msk [tilespmem:v18+s14+$0x0], $0xffff  }
0x92: {  	v33 =	vld.idx.msk [tilespmem:v19+s14+$0x0], $0xffff;
	_ =	sdelay $0x3  }
0x93: {  	[tilespmem:s25+$0x20] =	vst v32  }
0x94: {  	[tilespmem:s25+$0x30] =	vst v33  }
0x95: {  	v32 =	vld.idx.msk [tilespmem:v20+s14+$0x0], $0xffff  }
0x96: {  	v33 =	vld.idx.msk [tilespmem:v21+s14+$0x0], $0xffff;
	_ =	sdelay $0x3  }
0x97: {  	[tilespmem:s25+$0x40] =	vst v32  }
0x98: {  	[tilespmem:s25+$0x50] =	vst v33  }
0x99: {  	v32 =	vld.idx.msk [tilespmem:v22+s14+$0x0], $0xffff  }
0x9a: {  	v33 =	vld.idx.msk [tilespmem:v23+s14+$0x0], $0xffff;
	_ =	sdelay $0x3  }
0x9b: {  	[tilespmem:s25+$0x60] =	vst v32  }
0x9c: {  	[tilespmem:s25+$0x70] =	vst v33  }
0x9d: {  	v32 =	vld.idx.msk [tilespmem:v24+s14+$0x0], $0xffff  }
0x9e: {  	v33 =	vld.idx.msk [tilespmem:v25+s14+$0x0], $0xffff;
	_ =	sdelay $0x3  }
0x9f: {  	[tilespmem:s25+$0x80] =	vst v32  }
0xa0: {  	[tilespmem:s25+$0x90] =	vst v33  }
0xa1: {  	v32 =	vld.idx.msk [tilespmem:v26+s14+$0x0], $0xffff  }
0xa2: {  	v33 =	vld.idx.msk [tilespmem:v27+s14+$0x0], $0xffff;
	_ =	sdelay $0x3  }
0xa3: {  	[tilespmem:s25+$0xA0] =	vst v32  }
0xa4: {  	[tilespmem:s25+$0xB0] =	vst v33  }
0xa5: {  	v32 =	vld.idx.msk [tilespmem:v28+s14+$0x0], $0xffff  }
0xa6: {  	v33 =	vld.idx.msk [tilespmem:v29+s14+$0x0], $0xffff;
	_ =	sdelay $0x3  }
0xa7: {  	[tilespmem:s25+$0xC0] =	vst v32  }
0xa8: {  	[tilespmem:s25+$0xD0] =	vst v33  }
0xa9: {  	v32 =	vld.idx.msk [tilespmem:v30+s14+$0x0], $0xffff  }
0xaa: {  	p2 =	sne.s32 s26, $0x3F0;
	v33 =	vld.idx.msk [tilespmem:v31+s14+$0x0], $0xffff  }
.Ltmp5:
0xab: {  	_ = 	snop;
	(pc) =	sbr.rel @p2 .LBB2_4-.Ltmp5, $3  }
0xac: {  	_ =	sdelay $0x1  }
0xad: {  	[tilespmem:s25+$0xE0] =	vst v32  }
0xae: {  	s24 =	sadd.s32 $0x80, s24;
	s26 =	sadd.s32 $0x10, s26;
	[tilespmem:s25+$0xF0] =	vst v33;
	s25 =	sadd.s32 $0x200, s25  }
0xaf: {  	s23 =	sshll.u32 s23, $0xC  }
0xb0: {  	s23 =	sadd.s32 s6, s23  }
0xb1: {  	[hbm4b:s23+s4] =	stream.linear.scatter [tilespmem:s15], [sflag:$0x4], $0x8000, $0x38;
	[tilespmem:$0x18280] =	vst v63  }
0xb2: {  	_ =	swait.ge [sflag:s16], $0x8000  }
0xb3: {  	[sflag:s16] =	ssyncset.done $0x0  }
0xb4: {  	[sflag:s16] =	ssyncadd.s32 $0xFFFF8000  }
.LBB2_6:
.Ltmp6:
0xb5: {  	s22 =	sadd.s32 s8, s22;
	(pc) =	sbr.rel @p1 .LBB2_10-.Ltmp6, $4  }
0xb6: {  	p2 =	sgt.u32 s22, $0x3CF  }
0xb7: {  	s22 =	sshll.u32 @!p2 s22, $0xA;
	s23 =	simm.s32 @!p2 $0x2000  }
0xb8: {  	s24 =	simm.s32 @!p2 $0x7A1400;
	s25 =	simm.s32 @!p2 $0x0;
	s22 =	sadd.s32 @!p2 s1, s22  }
0xb9: {  	[tilespmem:s25], [sflag:$0x1] =	stream.strided.gather @!p2 [hbm4b:s22+s23], $0x8000, s24, s23, $0x38;
	[tilespmem:$0x18280] =	vst v63  }
0xba: {  	_ =	swait.ge [sflag:s17], $0x8000  }
0xbb: {  	s22 =	simm.s32 $0x0;
	[sflag:s17] =	ssyncset.done $0x0  }
0xbc: {  	s23 =	simm.s32 $0x10100;
	s24 =	simm.s32 $0x0;
	[sflag:s17] =	ssyncadd.s32 $0xFFFF8000  }
.LBB2_8:
0xbd: {  	s25 =	sand.u32 $0x70, s24;
	s26 =	sand.u32 $0x1C00, s22  }
0xbe: {  	s25 =	sor.u32 s25, s26  }
0xbf: {  	v32 =	vld [tilespmem:s25+$0x8000];
	_ =	sdelay $0x4  }
0xc0: {  	[tilespmem:$0x18000] =	vst v32  }
0xc1: {  	v32 =	vld [tilespmem:s25+$0x8080];
	_ =	sdelay $0x4  }
0xc2: {  	[tilespmem:$0x18011] =	vst v32  }
0xc3: {  	v32 =	vld [tilespmem:s25+$0x8100];
	_ =	sdelay $0x4  }
0xc4: {  	[tilespmem:$0x18022] =	vst v32  }
0xc5: {  	v32 =	vld [tilespmem:s25+$0x8180];
	_ =	sdelay $0x4  }
0xc6: {  	[tilespmem:$0x18033] =	vst v32  }
0xc7: {  	v32 =	vld [tilespmem:s25+$0x8200];
	_ =	sdelay $0x4  }
0xc8: {  	[tilespmem:$0x18044] =	vst v32  }
0xc9: {  	v32 =	vld [tilespmem:s25+$0x8280];
	_ =	sdelay $0x4  }
0xca: {  	[tilespmem:$0x18055] =	vst v32  }
0xcb: {  	v32 =	vld [tilespmem:s25+$0x8300];
	_ =	sdelay $0x3  }
0xcc: {  	s31 =	sor.u32 s22, s24  }
0xcd: {  	s26 =	sor.u32 $0x380, s31;
	[tilespmem:$0x18066] =	vst v32  }
0xce: {  	v32 =	vld [tilespmem:s26+$0x8000];
	_ =	sdelay $0x4  }
0xcf: {  	[tilespmem:$0x18077] =	vst v32  }
0xd0: {  	v32 =	vld [tilespmem:s25+$0xA000];
	_ =	sdelay $0x4  }
0xd1: {  	[tilespmem:$0x18088] =	vst v32  }
0xd2: {  	v32 =	vld [tilespmem:s25+$0xA080];
	_ =	sdelay $0x4  }
0xd3: {  	[tilespmem:$0x18099] =	vst v32  }
0xd4: {  	v32 =	vld [tilespmem:s25+$0xA100];
	_ =	sdelay $0x4  }
0xd5: {  	[tilespmem:$0x180AA] =	vst v32  }
0xd6: {  	v32 =	vld [tilespmem:s25+$0xA180];
	_ =	sdelay $0x4  }
0xd7: {  	[tilespmem:$0x180BB] =	vst v32  }
0xd8: {  	v32 =	vld [tilespmem:s25+$0xA200];
	_ =	sdelay $0x4  }
0xd9: {  	[tilespmem:$0x180CC] =	vst v32  }
0xda: {  	v32 =	vld [tilespmem:s25+$0xA280];
	_ =	sdelay $0x4  }
0xdb: {  	[tilespmem:$0x180DD] =	vst v32  }
0xdc: {  	v32 =	vld [tilespmem:s25+$0xA300];
	_ =	sdelay $0x4  }
0xdd: {  	[tilespmem:$0x180EE] =	vst v32  }
0xde: {  	v32 =	vld [tilespmem:s25+$0xA380];
	_ =	sdelay $0x4  }
0xdf: {  	[tilespmem:$0x180FF] =	vst v32  }
0xe0: {  	v32 =	vld [tilespmem:s25+$0xC000];
	_ =	sdelay $0x4  }
0xe1: {  	[tilespmem:$0x18110] =	vst v32  }
0xe2: {  	v32 =	vld [tilespmem:s25+$0xC080];
	_ =	sdelay $0x4  }
0xe3: {  	[tilespmem:$0x18121] =	vst v32  }
0xe4: {  	v32 =	vld [tilespmem:s25+$0xC100];
	_ =	sdelay $0x4  }
0xe5: {  	[tilespmem:$0x18132] =	vst v32  }
0xe6: {  	v32 =	vld [tilespmem:s25+$0xC180];
	_ =	sdelay $0x4  }
0xe7: {  	[tilespmem:$0x18143] =	vst v32  }
0xe8: {  	v32 =	vld [tilespmem:s25+$0xC200];
	_ =	sdelay $0x4  }
0xe9: {  	[tilespmem:$0x18154] =	vst v32  }
0xea: {  	v32 =	vld [tilespmem:s25+$0xC280];
	_ =	sdelay $0x4  }
0xeb: {  	[tilespmem:$0x18165] =	vst v32  }
0xec: {  	v32 =	vld [tilespmem:s25+$0xC300];
	_ =	sdelay $0x4  }
0xed: {  	[tilespmem:$0x18176] =	vst v32  }
0xee: {  	v32 =	vld [tilespmem:s25+$0xC380];
	_ =	sdelay $0x4  }
0xef: {  	[tilespmem:$0x18187] =	vst v32  }
0xf0: {  	v32 =	vld [tilespmem:s25+$0xE000];
	_ =	sdelay $0x4  }
0xf1: {  	[tilespmem:$0x18198] =	vst v32  }
0xf2: {  	v32 =	vld [tilespmem:s25+$0xE080];
	_ =	sdelay $0x4  }
0xf3: {  	[tilespmem:$0x181A9] =	vst v32  }
0xf4: {  	v32 =	vld [tilespmem:s25+$0xE100];
	_ =	sdelay $0x4  }
0xf5: {  	[tilespmem:$0x181BA] =	vst v32  }
0xf6: {  	v32 =	vld [tilespmem:s25+$0xE180];
	_ =	sdelay $0x4  }
0xf7: {  	[tilespmem:$0x181CB] =	vst v32  }
0xf8: {  	v32 =	vld [tilespmem:s25+$0xE200];
	_ =	sdelay $0x4  }
0xf9: {  	[tilespmem:$0x181DC] =	vst v32  }
0xfa: {  	v32 =	vld [tilespmem:s25+$0xE280];
	_ =	sdelay $0x4  }
0xfb: {  	[tilespmem:$0x181ED] =	vst v32  }
0xfc: {  	v32 =	vld [tilespmem:s25+$0xE300];
	_ =	sdelay $0x4  }
0xfd: {  	[tilespmem:$0x181FE] =	vst v32  }
0xfe: {  	v32 =	vld [tilespmem:s25+$0xE380];
	_ =	sdelay $0x4  }
0xff: {  	[tilespmem:$0x1820F] =	vst v32  }
0x100: {  	v32 =	vld.idx.msk [tilespmem:v0+s14+$0x0], $0xffff  }
0x101: {  	v33 =	vld.idx.msk [tilespmem:v1+s14+$0x0], $0xffff;
	_ =	sdelay $0x3  }
0x102: {  	[tilespmem:s23+$0xFFFFFF00] =	vst v32  }
0x103: {  	[tilespmem:s23+$0xFFFFFF10] =	vst v33  }
0x104: {  	v32 =	vld.idx.msk [tilespmem:v2+s14+$0x0], $0xffff  }
0x105: {  	v33 =	vld.idx.msk [tilespmem:v3+s14+$0x0], $0xffff;
	_ =	sdelay $0x3  }
0x106: {  	[tilespmem:s23+$0xFFFFFF20] =	vst v32  }
0x107: {  	[tilespmem:s23+$0xFFFFFF30] =	vst v33  }
0x108: {  	v32 =	vld.idx.msk [tilespmem:v4+s14+$0x0], $0xffff  }
0x109: {  	v33 =	vld.idx.msk [tilespmem:v5+s14+$0x0], $0xffff;
	_ =	sdelay $0x3  }
0x10a: {  	[tilespmem:s23+$0xFFFFFF40] =	vst v32  }
0x10b: {  	[tilespmem:s23+$0xFFFFFF50] =	vst v33  }
0x10c: {  	v32 =	vld.idx.msk [tilespmem:v6+s14+$0x0], $0xffff  }
0x10d: {  	v33 =	vld.idx.msk [tilespmem:v7+s14+$0x0], $0xffff;
	_ =	sdelay $0x3  }
0x10e: {  	[tilespmem:s23+$0xFFFFFF60] =	vst v32  }
0x10f: {  	[tilespmem:s23+$0xFFFFFF70] =	vst v33  }
0x110: {  	v32 =	vld.idx.msk [tilespmem:v8+s14+$0x0], $0xffff  }
0x111: {  	v33 =	vld.idx.msk [tilespmem:v9+s14+$0x0], $0xffff;
	_ =	sdelay $0x3  }
0x112: {  	[tilespmem:s23+$0xFFFFFF80] =	vst v32  }
0x113: {  	[tilespmem:s23+$0xFFFFFF90] =	vst v33  }
0x114: {  	v32 =	vld.idx.msk [tilespmem:v10+s14+$0x0], $0xffff  }
0x115: {  	v33 =	vld.idx.msk [tilespmem:v11+s14+$0x0], $0xffff;
	_ =	sdelay $0x3  }
0x116: {  	[tilespmem:s23+$0xFFFFFFA0] =	vst v32  }
0x117: {  	[tilespmem:s23+$0xFFFFFFB0] =	vst v33  }
0x118: {  	v32 =	vld.idx.msk [tilespmem:v12+s14+$0x0], $0xffff  }
0x119: {  	v33 =	vld.idx.msk [tilespmem:v13+s14+$0x0], $0xffff;
	_ =	sdelay $0x3  }
0x11a: {  	[tilespmem:s23+$0xFFFFFFC0] =	vst v32  }
0x11b: {  	[tilespmem:s23+$0xFFFFFFD0] =	vst v33  }
0x11c: {  	v32 =	vld.idx.msk [tilespmem:v14+s14+$0x0], $0xffff  }
0x11d: {  	v33 =	vld.idx.msk [tilespmem:v15+s14+$0x0], $0xffff;
	_ =	sdelay $0x3  }
0x11e: {  	[tilespmem:s23+$0xFFFFFFE0] =	vst v32  }
0x11f: {  	[tilespmem:s23+$0xFFFFFFF0] =	vst v33  }
0x120: {  	v32 =	vld.idx.msk [tilespmem:v16+s14+$0x0], $0xffff  }
0x121: {  	v33 =	vld.idx.msk [tilespmem:v17+s14+$0x0], $0xffff;
	_ =	sdelay $0x3  }
0x122: {  	[tilespmem:s23+$0x0] =	vst v32  }
0x123: {  	[tilespmem:s23+$0x10] =	vst v33  }
0x124: {  	v32 =	vld.idx.msk [tilespmem:v18+s14+$0x0], $0xffff  }
0x125: {  	v33 =	vld.idx.msk [tilespmem:v19+s14+$0x0], $0xffff;
	_ =	sdelay $0x3  }
0x126: {  	[tilespmem:s23+$0x20] =	vst v32  }
0x127: {  	[tilespmem:s23+$0x30] =	vst v33  }
0x128: {  	v32 =	vld.idx.msk [tilespmem:v20+s14+$0x0], $0xffff  }
0x129: {  	v33 =	vld.idx.msk [tilespmem:v21+s14+$0x0], $0xffff;
	_ =	sdelay $0x3  }
0x12a: {  	[tilespmem:s23+$0x40] =	vst v32  }
0x12b: {  	[tilespmem:s23+$0x50] =	vst v33  }
0x12c: {  	v32 =	vld.idx.msk [tilespmem:v22+s14+$0x0], $0xffff  }
0x12d: {  	v33 =	vld.idx.msk [tilespmem:v23+s14+$0x0], $0xffff;
	_ =	sdelay $0x3  }
0x12e: {  	[tilespmem:s23+$0x60] =	vst v32  }
0x12f: {  	[tilespmem:s23+$0x70] =	vst v33  }
0x130: {  	v32 =	vld.idx.msk [tilespmem:v24+s14+$0x0], $0xffff  }
0x131: {  	v33 =	vld.idx.msk [tilespmem:v25+s14+$0x0], $0xffff;
	_ =	sdelay $0x3  }
0x132: {  	[tilespmem:s23+$0x80] =	vst v32  }
0x133: {  	[tilespmem:s23+$0x90] =	vst v33  }
0x134: {  	v32 =	vld.idx.msk [tilespmem:v26+s14+$0x0], $0xffff  }
0x135: {  	v33 =	vld.idx.msk [tilespmem:v27+s14+$0x0], $0xffff;
	_ =	sdelay $0x3  }
0x136: {  	[tilespmem:s23+$0xA0] =	vst v32  }
0x137: {  	[tilespmem:s23+$0xB0] =	vst v33  }
0x138: {  	v32 =	vld.idx.msk [tilespmem:v28+s14+$0x0], $0xffff  }
0x139: {  	v33 =	vld.idx.msk [tilespmem:v29+s14+$0x0], $0xffff;
	_ =	sdelay $0x3  }
0x13a: {  	[tilespmem:s23+$0xC0] =	vst v32  }
0x13b: {  	[tilespmem:s23+$0xD0] =	vst v33  }
0x13c: {  	v32 =	vld.idx.msk [tilespmem:v30+s14+$0x0], $0xffff  }
0x13d: {  	p1 =	sne.s32 s24, $0x3F0;
	v33 =	vld.idx.msk [tilespmem:v31+s14+$0x0], $0xffff  }
.Ltmp7:
0x13e: {  	_ = 	snop;
	(pc) =	sbr.rel @p1 .LBB2_8-.Ltmp7, $3  }
0x13f: {  	_ =	sdelay $0x1  }
0x140: {  	[tilespmem:s23+$0xE0] =	vst v32  }
0x141: {  	s22 =	sadd.s32 $0x80, s22;
	s24 =	sadd.s32 $0x10, s24;
	[tilespmem:s23+$0xF0] =	vst v33;
	s23 =	sadd.s32 $0x200, s23  }
0x142: {  	s21 =	sshll.u32 s21, $0xC  }
.Ltmp8:
0x143: {  	s21 =	sadd.s32 s6, s21;
	(pc) =	sbr.rel .LBB2_10-.Ltmp8, $4  }
0x144: {  	[hbm4b:s21+s4] =	stream.linear.scatter [tilespmem:s15], [sflag:$0x3], $0x8000, $0x38;
	[tilespmem:$0x18280] =	vst v63  }
0x145: {  	_ =	swait.ge [sflag:s18], $0x8000  }
0x146: {  	[sflag:s18] =	ssyncset.done $0x0  }
0x147: {  	[sflag:s18] =	ssyncadd.s32 $0xFFFF8000  }
.LBB2_12:
0x148: {  	_ =	sfence.sel $0x180000  }
0x149: {  	[bflag:$0x0] =	sbarrier.arrive $0xFFFF  }
0x14a: {  	p0 =	sne.s32 s3, $0x0;
	_ =	strace $0x90000047  }
0x14b: {  	s0 =	sadd.s32 @!p0 $0x100000, s0;
	[bflag:$0x2] =	sbarrier.arrive $0xFFFF  }
0x14c: {  	[sflag:s0] =	ssyncadd.tile.s32 @!p0 $0x1;
	_ =	shalt  }
.Lfunc_end2:
_tile_overlayer_lowered:
.L_overlay_start_2:
0x14d: {  	(tag) =	ssettag $0x2  }
0x14e: {  	s0 =	rddreg [dreg:$0x0];
	s2 =	stileid.u32  }
0x14f: {  	s1 =	rddreg [dreg:$0x1];
	p0 =	sne.s32 s2, $0x0  }
0x150: {  	s3 =	rddreg [dreg:$0x2];
	[bflag:$0x3] =	sbarrier.arrive $0xFFFF;
	s2 =	simm.s32 @!p0 $0x1C03  }
0x151: {  	[timem:s3], [sflag:s2] =	dma.local @!p0 [hbm:s0], s1  }
0x152: {  	s0 =	simm.s32 @!p0 $0x3  }
0x153: {  	_ =	swait.ge @!p0 [sflag:s0], s1  }
0x154: {  	s1 =	ssub.s32 @!p0 $0x0, s1;
	[sflag:s0] =	ssyncset.done @!p0 $0x0  }
0x155: {  	[sflag:s0] =	ssyncadd.s32 @!p0 s1  }
0x156: {  	[bflag:$0x3] =	sbarrier.arrive $0xFFFF  }
0x157: {  	_ =	shalt  }

// kernel: kernel.8.cloned.1.call-start
scs
__scs_entry_jumppad:
0x0: {  	(pc) =	sbr.rel $0x88, $3  }
0x1: {  	(tag) =	ssettag $0x0;
	lr =	simm.s32 $0x1  }
0x2: {  	[smem:$0x3F9F] =	sst lr;
	_ =	strace $0xD0000000  }
0x3: {  	_ = 	snop  }
0x4: {  	_ = 	snop  }
0x5: {  	_ = 	snop  }
0x6: {  	_ = 	snop  }
0x7: {  	_ = 	snop  }
__scs_overlays_trampoline_lowered:
0x8: {  	[smem:$0x3FAE] =	sst s0  }
0x9: {  	[smem:$0x3FAF] =	sst s1  }
0xa: {  	[smem:$0x3FB0] =	sst s2  }
0xb: {  	[smem:$0x3FB1] =	sst s3  }
0xc: {  	[smem:$0x3FB2] =	sst s4  }
0xd: {  	[smem:$0x3FB3] =	sst s5  }
0xe: {  	[smem:$0x3FB4] =	sst s6  }
0xf: {  	[smem:$0x3FB5] =	sst s7  }
0x10: {  	[smem:$0x3FB6] =	sst s8  }
0x11: {  	[smem:$0x3FB7] =	sst s9;
	s0 =	simm.s32 @!p0 $0x0  }
0x12: {  	s1 =	sld [smem:$0x3F9D];
	s0 =	simm.s32 @p0 $0x1  }
0x13: {  	[smem:$0x3FB8] =	sst s0;
	s0 =	simm.s32 @!p1 $0x0  }
0x14: {  	s2 =	sld [smem:$0x3F9C];
	s0 =	simm.s32 @p1 $0x1  }
0x15: {  	[smem:$0x3FB9] =	sst s0;
	s0 =	simm.s32 @!p2 $0x0  }
0x16: {  	s3 =	sld [smem:$0x3FDB];
	s0 =	simm.s32 @p2 $0x1  }
0x17: {  	s4 =	simm.s32 $0x1BF5;
	[smem:$0x3FBB] =	sst s0  }
0x18: {  	s0 =	sld [smem:$0x3F9E];
	_ =	swait.ge [sflag:s4], $0x0  }
0x19: {  	s7 =	sld [smem:$0x3F9F]  }
0x1a: {  	s8 =	sadd.s32 $0xFFFFE003, lr  }
0x1b: {  	s9 =	sadd.s32 $0xFFFFFEF7, lr;
	s5 =	simm.s32 $0xFFFFFFFF;
	p2 =	slt.u32 s8, $0xFFFFF086  }
0x1c: {  	p1 =	slt.u32 s9, $0xF7A;
	s5 =	simm.s32 @!p2 $0x0  }
0x1d: {  	s5 =	simm.s32 @p1 $0x1;
	p0 =	seq.s32 s7, s2  }
0x1e: {  	s7 =	smul.u32 @!p0 $0xF7A, s2;
	p2 =	seq.s32 @!p0 s5, $0x0  }
0x1f: {  	s9 =	smul.u32 $0xF7A, s1;
	s8 =	simm.s32 @!p0 $0x1BF5;
	p2 =	por !p2, p0  }
0x20: {  	[sflag:s8] =	ssyncset.s32 @!p0 $0xFFFFF086;
	s6 =	sadd.s32 @!p0 s3, s7;
	s7 =	simm.s32 @!p0 $0x108  }
0x21: {  	s3 =	sadd.s32 s3, s9;
	s6 =	sadd.s32 @!p0 $0x88, s6;
	s7 =	simm.s32 @p2 $0x1082  }
0x22: {  	[simem:s7], [sflag:s8] =	dma.local @!p0 [hbm:s6], $0xF7A  }
0x23: {  	s9 =	sor.u32 $0xD0000000, s2;
	s6 =	simm.s32 $0x108;
	_ =	swait.ge @!p0 [sflag:s8], $0x0  }
0x24: {  	s3 =	sadd.s32 $0x88, s3;
	s6 =	simm.s32 @!p1 $0x1082;
	[sflag:s4] =	ssyncset.s32 $0xFFFFF086  }
0x25: {  	[simem:s6], [sflag:s4] =	dma.local [hbm:s3], $0xF7A  }
0x26: {  	[smem:$0x3F9F] =	sst s1;
	(tag) =	ssettag s2;
	_ =	strace s9  }
0x27: {  	s1 =	sld [smem:$0x3FAF]  }
0x28: {  	s2 =	sld [smem:$0x3FB0]  }
0x29: {  	s4 =	sld [smem:$0x3FB2]  }
0x2a: {  	p0 =	seq.s32 s5, $0x0;
	s5 =	sld [smem:$0x3FB3]  }
0x2b: {  	s6 =	sld [smem:$0x3FB4]  }
0x2c: {  	s7 =	sld [smem:$0x3FB5]  }
0x2d: {  	s3 =	simm.s32 $0x108;
	s8 =	sld [smem:$0x3FB6]  }
0x2e: {  	s3 =	simm.s32 @!p0 $0x1082;
	s9 =	sld [smem:$0x3FB7]  }
0x2f: {  	lr =	sadd.s32 s0, s3;
	s0 =	sld [smem:$0x3FAE]  }
0x30: {  	s3 =	sld [smem:$0x3FB1]  }
0x31: {  	[smem:$0x3FBA] =	sst s10  }
0x32: {  	s10 =	sld [smem:$0x3FB8];
	_ =	sdelay $0x3  }
0x33: {  	p0 =	seq.s32 s10, $0x1;
	s10 =	sld [smem:$0x3FBA];
	_ =	sdelay $0x3  }
0x34: {  	[smem:$0x3FBA] =	sst s10  }
0x35: {  	s10 =	sld [smem:$0x3FB9];
	_ =	sdelay $0x3  }
0x36: {  	p1 =	seq.s32 s10, $0x1;
	s10 =	sld [smem:$0x3FBA];
	_ =	sdelay $0x3  }
0x37: {  	[smem:$0x3FBA] =	sst s10  }
0x38: {  	s10 =	sld [smem:$0x3FBB]  }
0x39: {  	_ = 	snop;
	(pc) =	sbr.ind lr, $3  }
0x3a: {  	_ = 	snop  }
0x3b: {  	_ = 	snop  }
0x3c: {  	p2 =	seq.s32 s10, $0x1;
	s10 =	sld [smem:$0x3FBA]  }
0x3d: {  	_ =	shalt  }
0x3e: {  	_ =	shalt  }
0x3f: {  	_ =	shalt  }
0x40: {  	_ =	shalt  }
0x41: {  	_ =	shalt  }
0x42: {  	_ =	shalt  }
0x43: {  	_ =	shalt  }
0x44: {  	_ =	shalt  }
0x45: {  	_ =	shalt  }
0x46: {  	_ =	shalt  }
0x47: {  	_ =	shalt  }
0x48: {  	_ =	shalt  }
0x49: {  	_ =	shalt  }
0x4a: {  	_ =	shalt  }
0x4b: {  	_ =	shalt  }
0x4c: {  	_ =	shalt  }
0x4d: {  	_ =	shalt  }
0x4e: {  	_ =	shalt  }
0x4f: {  	_ =	shalt  }
0x50: {  	_ =	shalt  }
0x51: {  	_ =	shalt  }
0x52: {  	_ =	shalt  }
0x53: {  	_ =	shalt  }
0x54: {  	_ =	shalt  }
0x55: {  	_ =	shalt  }
0x56: {  	_ =	shalt  }
0x57: {  	_ =	shalt  }
0x58: {  	_ =	shalt  }
0x59: {  	_ =	shalt  }
0x5a: {  	_ =	shalt  }
0x5b: {  	_ =	shalt  }
0x5c: {  	_ =	shalt  }
0x5d: {  	_ =	shalt  }
0x5e: {  	_ =	shalt  }
0x5f: {  	_ =	shalt  }
0x60: {  	_ =	shalt  }
0x61: {  	_ =	shalt  }
0x62: {  	_ =	shalt  }
0x63: {  	_ =	shalt  }
0x64: {  	_ =	shalt  }
0x65: {  	_ =	shalt  }
0x66: {  	_ =	shalt  }
0x67: {  	_ =	shalt  }
0x68: {  	_ =	shalt  }
0x69: {  	_ =	shalt  }
0x6a: {  	_ =	shalt  }
0x6b: {  	_ =	shalt  }
0x6c: {  	_ =	shalt  }
0x6d: {  	_ =	shalt  }
0x6e: {  	_ =	shalt  }
0x6f: {  	_ =	shalt  }
0x70: {  	_ =	shalt  }
0x71: {  	_ =	shalt  }
0x72: {  	_ =	shalt  }
0x73: {  	_ =	shalt  }
0x74: {  	_ =	shalt  }
0x75: {  	_ =	shalt  }
0x76: {  	_ =	shalt  }
0x77: {  	_ =	shalt  }
0x78: {  	_ =	shalt  }
0x79: {  	_ =	shalt  }
0x7a: {  	_ =	shalt  }
0x7b: {  	_ =	shalt  }
0x7c: {  	_ =	shalt  }
0x7d: {  	_ =	shalt  }
0x7e: {  	_ =	shalt  }
0x7f: {  	_ =	shalt  }
0x80: {  	_ =	shalt  }
0x81: {  	_ =	shalt  }
0x82: {  	_ =	shalt  }
0x83: {  	_ =	shalt  }
0x84: {  	_ =	shalt  }
0x85: {  	_ =	shalt  }
0x86: {  	_ =	shalt  }
0x87: {  	_ =	shalt  }
.Lfunc_end0:
.L_simem_size_0:
called_computation.2_lowered:
.L_overlay_start_0:
0x88: {  	s2 =	sld [smem:$0x3FD9]  }
0x89: {  	s3 =	sld [smem:$0x3FFE];
	_ =	sdelay $0x1  }
0x8a: {  	s1 =	srdreg.scid  }
0x8b: {  	s0 =	sand.u32 $0x1, s1  }
0x8c: {  	s14 =	sshll.u32 s0, $0xA;
	s2 =	sadd.s32 s3, s2  }
0x8d: {  	s2 =	sadd.s32 s2, s14  }
0x8e: {  	[smem:$0x3FC6] =	sst s2  }
0x8f: {  	_ = 	snop  }
0x90: {  	s2 =	sld [smem:$0x3FD0];
	_ =	sdelay $0x2  }
0x91: {  	s15 =	simm.s32 $0xA;
	s4 =	simm.s32 $0x10  }
0x92: {  	[smem:s4], [sflag:s15] =	dma.local [hbm:s2], $0x1  }
0x93: {  	_ =	swait.eq [sflag:s15], $0x1  }
0x94: {  	[sflag:s15] =	ssyncset.done $0x0  }
0x95: {  	s16 =	sld [smem:$0x10];
	[sflag:s15] =	ssyncadd.s32 $0xFFFFFFFF  }
0x96: {  	s17 =	sld [smem:$0x12];
	(tm) =	ssettm $0x1  }
0x97: {  	s18 =	sld [smem:$0x3FFB];
	_ =	sdelay $0x3  }
0x98: {  	_ =	strace s18  }
0x99: {  	s4 =	sld [smem:$0x3FFC];
	_ =	sdelay $0x3  }
0x9a: {  	_ =	strace s4  }
0x9b: {  	s4 =	sld [smem:$0x3FFD];
	_ =	sdelay $0x3  }
0x9c: {  	_ =	strace s4  }
0x9d: {  	_ =	strace $0x8FFFFFFF  }
0x9e: {  	s19 =	sld [smem:$0x3FDB];
	_ =	sdelay $0x1  }
0x9f: {  	s5 =	simm.s32 $_scs_section_size  }
0xa0: {  	s6 =	simm.s32 $_size__tile_overlayer_lowered;
	s7 =	simm.s32 $_tile_overlayer_lowered  }
0xa1: {  	s22 =	simm.s32 $0x1BFF;
	s21 =	sshll.u32 s7, $0x1;
	s4 =	sadd.s32 s5, s19  }
0xa2: {  	s8 =	simm.s32 $0x0;
	s20 =	sshll.u32 s6, $0x1;
	s6 =	sadd.s32 s21, s4  }
0xa3: {  	[timem:s8], [sflag:s22] =	dma.local [hbm:s6], s20  }
0xa4: {  	_ =	swait.ge [sflag:s22], s20  }
0xa5: {  	s5 =	ssub.s32 $0x0, s20;
	[sflag:s22] =	ssyncset.done $0x0  }
0xa6: {  	[sflag:s22] =	ssyncadd.s32 s5;
	_ =	sdelay $0x1  }
0xa7: {  	s23 =	simm.s32 $0x1B8B  }
0xa8: {  	_ =	swait.ge [sflag:s23], $0x1  }
0xa9: {  	[sflag:s23] =	ssyncset.done $0x0  }
0xaa: {  	s25 =	simm.s32 $0x1B8E;
	s24 =	sld [smem:$0x3FFE];
	[sflag:s23] =	ssyncadd.s32 $0xFFFFFFFF  }
0xab: {  	s26 =	simm.s32 $execute0_lowered;
	[smem:$0x3FD2] =	sst s25  }
0xac: {  	s6 =	sshll.u32 s26, $0x1;
	_ =	strace $0x80000049;
	[dreg:$0x1] =	wrdreg $0xFFFFFFFF  }
0xad: {  	s28 =	simm.s32 $_size_execute0_lowered;
	s4 =	sadd.s32 s4, s6;
	[dreg:$0x0] =	wrdreg $0x0  }
0xae: {  	s6 =	sshll.u32 s28, $0x1;
	[dreg:$0x2] =	wrdreg s4  }
0xaf: {  	[dreg:$0x3] =	wrdreg s6  }
0xb0: {  	[dreg:$0x4] =	wrdreg $0xC0  }
0xb1: {  	_ =	task [dreg:s8], $0x5FFFF  }
0xb2: {  	[dreg:$0x1] =	wrdreg $0xFFFFFFFF  }
0xb3: {  	[dreg:$0x0] =	wrdreg $0x60  }
0xb4: {  	[dreg:$0x2] =	wrdreg s17  }
0xb5: {  	[dreg:$0x3] =	wrdreg s24  }
0xb6: {  	[dreg:$0x4] =	wrdreg s16  }
0xb7: {  	[dreg:$0x5] =	wrdreg $0x9  }
0xb8: {  	_ =	task.clear_ibuf [dreg:s8], $0x6FFFF;
	_ =	strace $0x90000049  }
0xb9: {  	s29 =	simm.s32 $0x9;
	_ =	strace $0x8000004B  }
0xba: {  	_ =	swait.ge [sflag:s29], $0x1  }
0xbb: {  	[sflag:s29] =	ssyncadd.s32 $0xFFFFFFFF  }
0xbc: {  	_ =	strace $0x9000004B  }
0xbd: {  	_ =	sfence  }
0xbe: {  	s30 =	sld [smem:$0x0];
	_ =	sdelay $0x2  }
0xbf: {  	s31 =	sshll.u32 s1, $0xD;
	s1 =	sshrl.u32 s1, $0x2  }
0xc0: {  	s3 =	sand.u32 $0x4000, s31;
	s1 =	sadd.s32 s1, s30  }
0xc1: {  	s0 =	sor.u32 s3, s0;
	s1 =	sshll.u32 s1, $0x11  }
0xc2: {  	s0 =	sor.u32 s1, s0  }
0xc3: {  	s0 =	sadd.s32 $0x8F2B, s0  }
0xc4: {  	[sflag:s0] =	ssyncadd.remote.s32 $0x1  }
0xc5: {  	_ =	sfence.sel $0xFFFF  }
0xc6: {  	[dreg:$0x0] =	wrdreg $0xFFFFFFFF;
	(pc) =	sbr.abs _section_cstart, $3  }
0xc7: {  	[dreg:$0x1] =	wrdreg $0xFFFFFFFF  }
0xc8: {  	_ =	task.clear_ibuf [dreg:s8], $0x2FFFF;
	_ =	strace $0x9FFFFFFF  }
0xc9: {  	(tm) =	ssettm $0x7FFFFFFF  }
tec
execute0_lowered:
.L_overlay_start_1:
0x0: {  	(tag) =	ssettag $0x1  }
0x1: {  	s29 =	rddreg [dreg:$0x0]  }
0x2: {  	s1 =	srdreg.scid;
	s0 =	stileid.u32  }
0x3: {  	s4 =	rddreg [dreg:$0x1];
	s1 =	sand.u32 $0x1, s1;
	s2 =	sshll.u32 s0, $0x1  }
0x4: {  	[dreg:$0xf] =	wrdreg s1;
	s3 =	sor.u32 s1, s2;
	s2 =	simm.s32 $0x0  }
0x5: {  	s30 =	smul.u32 $0x6400, s3;
	[smem:$0x7FF] =	sst s2  }
0x6: {  	s31 =	rddreg [dreg:$0x2];
	s3 =	smul.u32 $0x19000, s3;
	_ =	strace $0x8000004A  }
0x7: {  	s5 =	sshrl.u32 s30, $0x3;
	s6 =	sadd.s32 $0x640, s30;
	s23 =	sadd.s32 $0xC80, s30  }
0x8: {  	s3 =	sadd.s32 s31, s3;
	s1 =	sadd.s32 $0x12C0, s30;
	s10 =	sadd.s32 $0x1900, s30  }
0x9: {  	s5 =	sadd.s32 s29, s5;
	s7 =	sshrl.u32 s6, $0x3;
	[dreg:$0x6] =	wrdreg s3  }
0xa: {  	s24 =	sshrl.u32 s23, $0x3;
	[dreg:$0x4] =	wrdreg s5;
	s22 =	sadd.s32 s29, s7  }
0xb: {  	s26 =	sshll.u32 s6, $0x2;
	s25 =	sadd.s32 s29, s24;
	[dreg:$0x5] =	wrdreg s22  }
0xc: {  	s8 =	sshrl.u32 s1, $0x3;
	s0 =	sadd.s32 s31, s26;
	[dreg:$0x7] =	wrdreg s25  }
0xd: {  	s9 =	sshll.u32 s23, $0x2;
	s3 =	sadd.s32 s29, s8;
	[dreg:$0x8] =	wrdreg s0  }
0xe: {  	s12 =	sshrl.u32 s10, $0x3;
	s11 =	sadd.s32 s31, s9;
	[dreg:$0x9] =	wrdreg s3  }
0xf: {  	s13 =	sadd.s32 s29, s12;
	[dreg:$0xa] =	wrdreg s11  }
0x10: {  	s16 =	sshll.u32 s10, $0x2;
	s5 =	sshll.u32 s1, $0x2;
	[dreg:$0xb] =	wrdreg s13  }
0x11: {  	s18 =	sadd.s32 s31, s16;
	s11 =	sadd.s32 $0x1F40, s30;
	s17 =	rddreg [dreg:$0x4]  }
0x12: {  	s14 =	sadd.s32 s31, s5;
	[dreg:$0xe] =	wrdreg s18;
	s15 =	sshrl.u32 s11, $0x3  }
0x13: {  	[tilespmem:s2], [sflag:$0x3] =	stream.linear.gather [hbm4b:s17+s2], $0x640, $0x38;
	[tilespmem:$0x19C80] =	vst v63  }
0x14: {  	[dreg:$0xc] =	wrdreg s14;
	s3 =	sadd.s32 s29, s15  }
0x15: {  	[dreg:$0xd] =	wrdreg s3;
	s3 =	simm.s32 $0x3  }
0x16: {  	_ =	swait.ge [sflag:s3], $0x640  }
0x17: {  	s4 =	sadd.s32 $0x1400, s4;
	[sflag:s3] =	ssyncset.done $0x0  }
0x18: {  	s6 =	simm.s32 $0xC80;
	s5 =	simm.s32 $0x640;
	[sflag:s3] =	ssyncadd.s32 $0xFFFFF9C0  }
0x19: {  	[tilespmem:s6], [sflag:$0x1] =	stream.indirect.gather [hbm4b:s4+s5], $0x20, s2, s5, $0xb8;
	[tilespmem:$0x19C80] =	vst v63  }
0x1a: {  	s19 =	rddreg [dreg:$0x5]  }
0x1b: {  	[tilespmem:s5], [sflag:$0x3] =	stream.linear.gather [hbm4b:s19+s2], $0x640, $0x38;
	[tilespmem:$0x19C80] =	vst v63  }
0x1c: {  	_ =	swait.ge [sflag:s3], $0x640  }
0x1d: {  	[sflag:s3] =	ssyncset.done $0x0  }
0x1e: {  	s7 =	simm.s32 $0xD480;
	s8 =	simm.s32 $0x1;
	[sflag:s3] =	ssyncadd.s32 $0xFFFFF9C0  }
0x1f: {  	[tilespmem:s7], [sflag:$0x2] =	stream.indirect.gather [hbm4b:s4+s5], $0x20, s5, s5, $0xb8;
	[tilespmem:$0x19C80] =	vst v63  }
0x20: {  	_ =	swait.ge [sflag:s8], $0xC800  }
0x21: {  	[sflag:s8] =	ssyncset.done $0x0  }
0x22: {  	s9 =	rddreg [dreg:$0x6];
	[sflag:s8] =	ssyncadd.s32 $0xFFFF3800  }
0x23: {  	[hbm4b:s9+s2] =	stream.linear.scatter [tilespmem:s6], [sflag:$0x3], $0xC800, $0x38;
	[tilespmem:$0x19C80] =	vst v63  }
0x24: {  	_ =	swait.ge [sflag:s3], $0xC800  }
0x25: {  	[sflag:s3] =	ssyncset.done $0x0  }
0x26: {  	s20 =	rddreg [dreg:$0x7];
	[sflag:s3] =	ssyncadd.s32 $0xFFFF3800  }
0x27: {  	[tilespmem:s2], [sflag:$0x3] =	stream.linear.gather [hbm4b:s20+s2], $0x640, $0x38;
	[tilespmem:$0x19C80] =	vst v63  }
0x28: {  	_ =	swait.ge [sflag:s3], $0x640  }
0x29: {  	[sflag:s3] =	ssyncset.done $0x0  }
0x2a: {  	s9 =	simm.s32 $0x2;
	[sflag:s3] =	ssyncadd.s32 $0xFFFFF9C0  }
0x2b: {  	[tilespmem:s6], [sflag:$0x1] =	stream.indirect.gather [hbm4b:s4+s5], $0x20, s2, s5, $0xb8;
	[tilespmem:$0x19C80] =	vst v63  }
0x2c: {  	_ =	swait.ge [sflag:s9], $0xC800  }
0x2d: {  	[sflag:s9] =	ssyncset.done $0x0  }
0x2e: {  	s10 =	rddreg [dreg:$0x8];
	[sflag:s9] =	ssyncadd.s32 $0xFFFF3800  }
0x2f: {  	[hbm4b:s10+s2] =	stream.linear.scatter [tilespmem:s7], [sflag:$0x3], $0xC800, $0x38;
	[tilespmem:$0x19C80] =	vst v63  }
0x30: {  	_ =	swait.ge [sflag:s3], $0xC800  }
0x31: {  	[sflag:s3] =	ssyncset.done $0x0  }
0x32: {  	s21 =	rddreg [dreg:$0x9];
	[sflag:s3] =	ssyncadd.s32 $0xFFFF3800  }
0x33: {  	[tilespmem:s5], [sflag:$0x3] =	stream.linear.gather [hbm4b:s21+s2], $0x640, $0x38;
	[tilespmem:$0x19C80] =	vst v63  }
0x34: {  	_ =	swait.ge [sflag:s3], $0x640  }
0x35: {  	[sflag:s3] =	ssyncset.done $0x0  }
0x36: {  	[sflag:s3] =	ssyncadd.s32 $0xFFFFF9C0  }
0x37: {  	[tilespmem:s7], [sflag:$0x2] =	stream.indirect.gather [hbm4b:s4+s5], $0x20, s5, s5, $0xb8;
	[tilespmem:$0x19C80] =	vst v63  }
0x38: {  	_ =	swait.ge [sflag:s8], $0xC800  }
0x39: {  	[sflag:s8] =	ssyncset.done $0x0  }
0x3a: {  	s22 =	rddreg [dreg:$0xa];
	[sflag:s8] =	ssyncadd.s32 $0xFFFF3800  }
0x3b: {  	[hbm4b:s22+s2] =	stream.linear.scatter [tilespmem:s6], [sflag:$0x3], $0xC800, $0x38;
	[tilespmem:$0x19C80] =	vst v63  }
0x3c: {  	_ =	swait.ge [sflag:s3], $0xC800  }
0x3d: {  	[sflag:s3] =	ssyncset.done $0x0  }
0x3e: {  	s23 =	rddreg [dreg:$0xb];
	[sflag:s3] =	ssyncadd.s32 $0xFFFF3800  }
0x3f: {  	[tilespmem:s2], [sflag:$0x3] =	stream.linear.gather [hbm4b:s23+s2], $0x640, $0x38;
	[tilespmem:$0x19C80] =	vst v63  }
0x40: {  	_ =	swait.ge [sflag:s3], $0x640  }
0x41: {  	[sflag:s3] =	ssyncset.done $0x0  }
0x42: {  	[sflag:s3] =	ssyncadd.s32 $0xFFFFF9C0  }
0x43: {  	[tilespmem:s6], [sflag:$0x1] =	stream.indirect.gather [hbm4b:s4+s5], $0x20, s2, s5, $0xb8;
	[tilespmem:$0x19C80] =	vst v63  }
0x44: {  	_ =	swait.ge [sflag:s9], $0xC800  }
0x45: {  	[sflag:s9] =	ssyncset.done $0x0  }
0x46: {  	s24 =	rddreg [dreg:$0xc];
	[sflag:s9] =	ssyncadd.s32 $0xFFFF3800  }
0x47: {  	[hbm4b:s24+s2] =	stream.linear.scatter [tilespmem:s7], [sflag:$0x3], $0xC800, $0x38;
	[tilespmem:$0x19C80] =	vst v63  }
0x48: {  	_ =	swait.ge [sflag:s3], $0xC800  }
0x49: {  	[sflag:s3] =	ssyncset.done $0x0  }
0x4a: {  	s25 =	rddreg [dreg:$0xd];
	[sflag:s3] =	ssyncadd.s32 $0xFFFF3800  }
0x4b: {  	[tilespmem:s5], [sflag:$0x3] =	stream.linear.gather [hbm4b:s25+s2], $0x640, $0x38;
	[tilespmem:$0x19C80] =	vst v63  }
0x4c: {  	_ =	swait.ge [sflag:s3], $0x640  }
0x4d: {  	[sflag:s3] =	ssyncset.done $0x0  }
0x4e: {  	[sflag:s3] =	ssyncadd.s32 $0xFFFFF9C0  }
0x4f: {  	[tilespmem:s7], [sflag:$0x2] =	stream.indirect.gather [hbm4b:s4+s5], $0x20, s5, s5, $0xb8;
	[tilespmem:$0x19C80] =	vst v63  }
0x50: {  	_ =	swait.ge [sflag:s8], $0xC800  }
0x51: {  	[sflag:s8] =	ssyncset.done $0x0  }
0x52: {  	s26 =	rddreg [dreg:$0xe];
	[sflag:s8] =	ssyncadd.s32 $0xFFFF3800  }
0x53: {  	[hbm4b:s26+s2] =	stream.linear.scatter [tilespmem:s6], [sflag:$0x3], $0xC800, $0x38;
	[tilespmem:$0x19C80] =	vst v63  }
0x54: {  	s13 =	sadd.s32 $0x2580, s30;
	_ =	swait.ge [sflag:s3], $0xC800  }
0x55: {  	s0 =	sshrl.u32 s13, $0x3;
	[sflag:s3] =	ssyncset.done $0x0  }
0x56: {  	s10 =	sadd.s32 s29, s0;
	[sflag:s3] =	ssyncadd.s32 $0xFFFF3800  }
0x57: {  	[tilespmem:s2], [sflag:$0x3] =	stream.linear.gather [hbm4b:s10+s2], $0x640, $0x38;
	[tilespmem:$0x19C80] =	vst v63  }
0x58: {  	_ =	swait.ge [sflag:s3], $0x640  }
0x59: {  	[sflag:s3] =	ssyncset.done $0x0  }
0x5a: {  	[sflag:s3] =	ssyncadd.s32 $0xFFFFF9C0  }
0x5b: {  	[tilespmem:s6], [sflag:$0x1] =	stream.indirect.gather [hbm4b:s4+s5], $0x20, s2, s5, $0xb8;
	[tilespmem:$0x19C80] =	vst v63  }
0x5c: {  	_ =	swait.ge [sflag:s9], $0xC800  }
0x5d: {  	s11 =	sshll.u32 s11, $0x2;
	[sflag:s9] =	ssyncset.done $0x0  }
0x5e: {  	s11 =	sadd.s32 s31, s11;
	[sflag:s9] =	ssyncadd.s32 $0xFFFF3800  }
0x5f: {  	[hbm4b:s11+s2] =	stream.linear.scatter [tilespmem:s7], [sflag:$0x3], $0xC800, $0x38;
	[tilespmem:$0x19C80] =	vst v63  }
0x60: {  	s15 =	sadd.s32 $0x2BC0, s30;
	_ =	swait.ge [sflag:s3], $0xC800  }
0x61: {  	s12 =	sshrl.u32 s15, $0x3;
	[sflag:s3] =	ssyncset.done $0x0  }
0x62: {  	s12 =	sadd.s32 s29, s12;
	[sflag:s3] =	ssyncadd.s32 $0xFFFF3800  }
0x63: {  	[tilespmem:s5], [sflag:$0x3] =	stream.linear.gather [hbm4b:s12+s2], $0x640, $0x38;
	[tilespmem:$0x19C80] =	vst v63  }
0x64: {  	_ =	swait.ge [sflag:s3], $0x640  }
0x65: {  	[sflag:s3] =	ssyncset.done $0x0  }
0x66: {  	[sflag:s3] =	ssyncadd.s32 $0xFFFFF9C0  }
0x67: {  	[tilespmem:s7], [sflag:$0x2] =	stream.indirect.gather [hbm4b:s4+s5], $0x20, s5, s5, $0xb8;
	[tilespmem:$0x19C80] =	vst v63  }
0x68: {  	_ =	swait.ge [sflag:s8], $0xC800  }
0x69: {  	s13 =	sshll.u32 s13, $0x2;
	[sflag:s8] =	ssyncset.done $0x0  }
0x6a: {  	s13 =	sadd.s32 s31, s13;
	[sflag:s8] =	ssyncadd.s32 $0xFFFF3800  }
0x6b: {  	[hbm4b:s13+s2] =	stream.linear.scatter [tilespmem:s6], [sflag:$0x3], $0xC800, $0x38;
	[tilespmem:$0x19C80] =	vst v63  }
0x6c: {  	s17 =	sadd.s32 $0x3200, s30;
	_ =	swait.ge [sflag:s3], $0xC800  }
0x6d: {  	s14 =	sshrl.u32 s17, $0x3;
	[sflag:s3] =	ssyncset.done $0x0  }
0x6e: {  	s14 =	sadd.s32 s29, s14;
	[sflag:s3] =	ssyncadd.s32 $0xFFFF3800  }
0x6f: {  	[tilespmem:s2], [sflag:$0x3] =	stream.linear.gather [hbm4b:s14+s2], $0x640, $0x38;
	[tilespmem:$0x19C80] =	vst v63  }
0x70: {  	_ =	swait.ge [sflag:s3], $0x640  }
0x71: {  	[sflag:s3] =	ssyncset.done $0x0  }
0x72: {  	[sflag:s3] =	ssyncadd.s32 $0xFFFFF9C0  }
0x73: {  	[tilespmem:s6], [sflag:$0x1] =	stream.indirect.gather [hbm4b:s4+s5], $0x20, s2, s5, $0xb8;
	[tilespmem:$0x19C80] =	vst v63  }
0x74: {  	_ =	swait.ge [sflag:s9], $0xC800  }
0x75: {  	s15 =	sshll.u32 s15, $0x2;
	[sflag:s9] =	ssyncset.done $0x0  }
0x76: {  	s15 =	sadd.s32 s31, s15;
	[sflag:s9] =	ssyncadd.s32 $0xFFFF3800  }
0x77: {  	[hbm4b:s15+s2] =	stream.linear.scatter [tilespmem:s7], [sflag:$0x3], $0xC800, $0x38;
	[tilespmem:$0x19C80] =	vst v63  }
0x78: {  	s19 =	sadd.s32 $0x3840, s30;
	_ =	swait.ge [sflag:s3], $0xC800  }
0x79: {  	s16 =	sshrl.u32 s19, $0x3;
	[sflag:s3] =	ssyncset.done $0x0  }
0x7a: {  	s16 =	sadd.s32 s29, s16;
	[sflag:s3] =	ssyncadd.s32 $0xFFFF3800  }
0x7b: {  	[tilespmem:s5], [sflag:$0x3] =	stream.linear.gather [hbm4b:s16+s2], $0x640, $0x38;
	[tilespmem:$0x19C80] =	vst v63  }
0x7c: {  	_ =	swait.ge [sflag:s3], $0x640  }
0x7d: {  	[sflag:s3] =	ssyncset.done $0x0  }
0x7e: {  	[sflag:s3] =	ssyncadd.s32 $0xFFFFF9C0  }
0x7f: {  	[tilespmem:s7], [sflag:$0x2] =	stream.indirect.gather [hbm4b:s4+s5], $0x20, s5, s5, $0xb8;
	[tilespmem:$0x19C80] =	vst v63  }
0x80: {  	_ =	swait.ge [sflag:s8], $0xC800  }
0x81: {  	s17 =	sshll.u32 s17, $0x2;
	[sflag:s8] =	ssyncset.done $0x0  }
0x82: {  	s17 =	sadd.s32 s31, s17;
	[sflag:s8] =	ssyncadd.s32 $0xFFFF3800  }
0x83: {  	[hbm4b:s17+s2] =	stream.linear.scatter [tilespmem:s6], [sflag:$0x3], $0xC800, $0x38;
	[tilespmem:$0x19C80] =	vst v63  }
0x84: {  	s21 =	sadd.s32 $0x3E80, s30;
	_ =	swait.ge [sflag:s3], $0xC800  }
0x85: {  	s18 =	sshrl.u32 s21, $0x3;
	[sflag:s3] =	ssyncset.done $0x0  }
0x86: {  	s18 =	sadd.s32 s29, s18;
	[sflag:s3] =	ssyncadd.s32 $0xFFFF3800  }
0x87: {  	[tilespmem:s2], [sflag:$0x3] =	stream.linear.gather [hbm4b:s18+s2], $0x640, $0x38;
	[tilespmem:$0x19C80] =	vst v63  }
0x88: {  	_ =	swait.ge [sflag:s3], $0x640  }
0x89: {  	[sflag:s3] =	ssyncset.done $0x0  }
0x8a: {  	[sflag:s3] =	ssyncadd.s32 $0xFFFFF9C0  }
0x8b: {  	[tilespmem:s6], [sflag:$0x1] =	stream.indirect.gather [hbm4b:s4+s5], $0x20, s2, s5, $0xb8;
	[tilespmem:$0x19C80] =	vst v63  }
0x8c: {  	_ =	swait.ge [sflag:s9], $0xC800  }
0x8d: {  	s19 =	sshll.u32 s19, $0x2;
	[sflag:s9] =	ssyncset.done $0x0  }
0x8e: {  	s19 =	sadd.s32 s31, s19;
	[sflag:s9] =	ssyncadd.s32 $0xFFFF3800  }
0x8f: {  	[hbm4b:s19+s2] =	stream.linear.scatter [tilespmem:s7], [sflag:$0x3], $0xC800, $0x38;
	[tilespmem:$0x19C80] =	vst v63  }
0x90: {  	s23 =	sadd.s32 $0x44C0, s30;
	_ =	swait.ge [sflag:s3], $0xC800  }
0x91: {  	s20 =	sshrl.u32 s23, $0x3;
	[sflag:s3] =	ssyncset.done $0x0  }
0x92: {  	s20 =	sadd.s32 s29, s20;
	[sflag:s3] =	ssyncadd.s32 $0xFFFF3800  }
0x93: {  	[tilespmem:s5], [sflag:$0x3] =	stream.linear.gather [hbm4b:s20+s2], $0x640, $0x38;
	[tilespmem:$0x19C80] =	vst v63  }
0x94: {  	_ =	swait.ge [sflag:s3], $0x640  }
0x95: {  	[sflag:s3] =	ssyncset.done $0x0  }
0x96: {  	[sflag:s3] =	ssyncadd.s32 $0xFFFFF9C0  }
0x97: {  	[tilespmem:s7], [sflag:$0x2] =	stream.indirect.gather [hbm4b:s4+s5], $0x20, s5, s5, $0xb8;
	[tilespmem:$0x19C80] =	vst v63  }
0x98: {  	_ =	swait.ge [sflag:s8], $0xC800  }
0x99: {  	s21 =	sshll.u32 s21, $0x2;
	[sflag:s8] =	ssyncset.done $0x0  }
0x9a: {  	s21 =	sadd.s32 s31, s21;
	[sflag:s8] =	ssyncadd.s32 $0xFFFF3800  }
0x9b: {  	[hbm4b:s21+s2] =	stream.linear.scatter [tilespmem:s6], [sflag:$0x3], $0xC800, $0x38;
	[tilespmem:$0x19C80] =	vst v63  }
0x9c: {  	s25 =	sadd.s32 $0x4B00, s30;
	_ =	swait.ge [sflag:s3], $0xC800  }
0x9d: {  	s22 =	sshrl.u32 s25, $0x3;
	[sflag:s3] =	ssyncset.done $0x0  }
0x9e: {  	s22 =	sadd.s32 s29, s22;
	[sflag:s3] =	ssyncadd.s32 $0xFFFF3800  }
0x9f: {  	[tilespmem:s2], [sflag:$0x3] =	stream.linear.gather [hbm4b:s22+s2], $0x640, $0x38;
	[tilespmem:$0x19C80] =	vst v63  }
0xa0: {  	_ =	swait.ge [sflag:s3], $0x640  }
0xa1: {  	[sflag:s3] =	ssyncset.done $0x0  }
0xa2: {  	[sflag:s3] =	ssyncadd.s32 $0xFFFFF9C0  }
0xa3: {  	[tilespmem:s6], [sflag:$0x1] =	stream.indirect.gather [hbm4b:s4+s5], $0x20, s2, s5, $0xb8;
	[tilespmem:$0x19C80] =	vst v63  }
0xa4: {  	_ =	swait.ge [sflag:s9], $0xC800  }
0xa5: {  	s23 =	sshll.u32 s23, $0x2;
	[sflag:s9] =	ssyncset.done $0x0  }
0xa6: {  	s23 =	sadd.s32 s31, s23;
	[sflag:s9] =	ssyncadd.s32 $0xFFFF3800  }
0xa7: {  	[hbm4b:s23+s2] =	stream.linear.scatter [tilespmem:s7], [sflag:$0x3], $0xC800, $0x38;
	[tilespmem:$0x19C80] =	vst v63  }
0xa8: {  	s28 =	sadd.s32 $0x5140, s30;
	_ =	swait.ge [sflag:s3], $0xC800  }
0xa9: {  	s24 =	sshrl.u32 s28, $0x3;
	[sflag:s3] =	ssyncset.done $0x0  }
0xaa: {  	s24 =	sadd.s32 s29, s24;
	[sflag:s3] =	ssyncadd.s32 $0xFFFF3800  }
0xab: {  	[tilespmem:s5], [sflag:$0x3] =	stream.linear.gather [hbm4b:s24+s2], $0x640, $0x38;
	[tilespmem:$0x19C80] =	vst v63  }
0xac: {  	_ =	swait.ge [sflag:s3], $0x640  }
0xad: {  	[sflag:s3] =	ssyncset.done $0x0  }
0xae: {  	[sflag:s3] =	ssyncadd.s32 $0xFFFFF9C0  }
0xaf: {  	[tilespmem:s7], [sflag:$0x2] =	stream.indirect.gather [hbm4b:s4+s5], $0x20, s5, s5, $0xb8;
	[tilespmem:$0x19C80] =	vst v63  }
0xb0: {  	_ =	swait.ge [sflag:s8], $0xC800  }
0xb1: {  	s25 =	sshll.u32 s25, $0x2;
	[sflag:s8] =	ssyncset.done $0x0  }
0xb2: {  	s25 =	sadd.s32 s31, s25;
	[sflag:s8] =	ssyncadd.s32 $0xFFFF3800  }
0xb3: {  	[hbm4b:s25+s2] =	stream.linear.scatter [tilespmem:s6], [sflag:$0x3], $0xC800, $0x38;
	[tilespmem:$0x19C80] =	vst v63  }
0xb4: {  	s1 =	sadd.s32 $0x5780, s30;
	_ =	swait.ge [sflag:s3], $0xC800  }
0xb5: {  	s26 =	sshrl.u32 s1, $0x3;
	[sflag:s3] =	ssyncset.done $0x0  }
0xb6: {  	s26 =	sadd.s32 s29, s26;
	[sflag:s3] =	ssyncadd.s32 $0xFFFF3800  }
0xb7: {  	[tilespmem:s2], [sflag:$0x3] =	stream.linear.gather [hbm4b:s26+s2], $0x640, $0x38;
	[tilespmem:$0x19C80] =	vst v63  }
0xb8: {  	_ =	swait.ge [sflag:s3], $0x640  }
0xb9: {  	[sflag:s3] =	ssyncset.done $0x0  }
0xba: {  	[sflag:s3] =	ssyncadd.s32 $0xFFFFF9C0  }
0xbb: {  	[tilespmem:s6], [sflag:$0x1] =	stream.indirect.gather [hbm4b:s4+s5], $0x20, s2, s5, $0xb8;
	[tilespmem:$0x19C80] =	vst v63  }
0xbc: {  	_ =	swait.ge [sflag:s9], $0xC800  }
0xbd: {  	s28 =	sshll.u32 s28, $0x2;
	[sflag:s9] =	ssyncset.done $0x0  }
0xbe: {  	s28 =	sadd.s32 s31, s28;
	[sflag:s9] =	ssyncadd.s32 $0xFFFF3800  }
0xbf: {  	[hbm4b:s28+s2] =	stream.linear.scatter [tilespmem:s7], [sflag:$0x3], $0xC800, $0x38;
	[tilespmem:$0x19C80] =	vst v63  }
0xc0: {  	s0 =	sadd.s32 $0x5DC0, s30;
	_ =	swait.ge [sflag:s3], $0xC800  }
0xc1: {  	s30 =	sshrl.u32 s0, $0x3;
	[sflag:s3] =	ssyncset.done $0x0  }
0xc2: {  	s29 =	sadd.s32 s29, s30;
	[sflag:s3] =	ssyncadd.s32 $0xFFFF3800  }
0xc3: {  	[tilespmem:s5], [sflag:$0x3] =	stream.linear.gather [hbm4b:s29+s2], $0x640, $0x38;
	[tilespmem:$0x19C80] =	vst v63  }
0xc4: {  	_ =	swait.ge [sflag:s3], $0x640  }
0xc5: {  	[sflag:s3] =	ssyncset.done $0x0  }
0xc6: {  	[sflag:s3] =	ssyncadd.s32 $0xFFFFF9C0  }
0xc7: {  	[tilespmem:s7], [sflag:$0x2] =	stream.indirect.gather [hbm4b:s4+s5], $0x20, s5, s5, $0xb8;
	[tilespmem:$0x19C80] =	vst v63  }
0xc8: {  	_ =	swait.ge [sflag:s8], $0xC800  }
0xc9: {  	s1 =	sshll.u32 s1, $0x2;
	[sflag:s8] =	ssyncset.done $0x0  }
0xca: {  	s30 =	sadd.s32 s31, s1;
	[sflag:s8] =	ssyncadd.s32 $0xFFFF3800  }
0xcb: {  	[hbm4b:s30+s2] =	stream.linear.scatter [tilespmem:s6], [sflag:$0x3], $0xC800, $0x38;
	[tilespmem:$0x19C80] =	vst v63  }
0xcc: {  	_ =	swait.ge [sflag:s3], $0xC800  }
0xcd: {  	s1 =	rddreg [dreg:$0xf]  }
0xce: {  	s1 =	ssub.s32 $0x2, s1  }
0xcf: {  	s31 =	sshrl.u32 s1, $0x1  }
0xd0: {  	[sflag:s3] =	ssyncset.done $0x0;
	s1 =	ssub.s32 s1, s31  }
0xd1: {  	[sflag:s3] =	ssyncadd.s32 $0xFFFF3800;
	s1 =	smax.u32 s1, $0x1  }
0xd2: {  	_ =	swait.ge [sflag:s9], $0xC800;
	p0 =	sne.s32 s1, $0x1  }
.Ltmp0:
0xd3: {  	[sflag:s9] =	ssyncset.done $0x0;
	(pc) =	sbr.rel @!p0 .LBB2_2-.Ltmp0, $4  }
0xd4: {  	s0 =	sshll.u32 s0, $0x2;
	s31 =	rddreg [dreg:$0x2]  }
0xd5: {  	[sflag:s9] =	ssyncadd.s32 $0xFFFF3800;
	s31 =	sadd.s32 s31, s0  }
0xd6: {  	[hbm4b:s31+s2] =	stream.linear.scatter [tilespmem:s7], [sflag:$0x3], $0xC800, $0x38;
	[tilespmem:$0x19C80] =	vst v63  }
0xd7: {  	s1 =	sadd.s32 $0xFFFFFFFF, s1;
	_ =	swait.ge [sflag:s3], $0xC800  }
.LBB2_1:
0xd8: {  	[sflag:s3] =	ssyncset.done $0x0  }
0xd9: {  	s0 =	rddreg [dreg:$0x4];
	[sflag:s3] =	ssyncadd.s32 $0xFFFF3800  }
0xda: {  	[tilespmem:s2], [sflag:$0x3] =	stream.linear.gather [hbm4b:s0+s2], $0x640, $0x38;
	[tilespmem:$0x19C80] =	vst v63  }
0xdb: {  	_ =	swait.ge [sflag:s3], $0x640  }
0xdc: {  	[sflag:s3] =	ssyncset.done $0x0  }
0xdd: {  	[sflag:s3] =	ssyncadd.s32 $0xFFFFF9C0  }
0xde: {  	[tilespmem:s6], [sflag:$0x1] =	stream.indirect.gather [hbm4b:s4+s5], $0x20, s2, s5, $0xb8;
	[tilespmem:$0x19C80] =	vst v63  }
0xdf: {  	s0 =	rddreg [dreg:$0x5]  }
0xe0: {  	[tilespmem:s5], [sflag:$0x3] =	stream.linear.gather [hbm4b:s0+s2], $0x640, $0x38;
	[tilespmem:$0x19C80] =	vst v63  }
0xe1: {  	_ =	swait.ge [sflag:s3], $0x640  }
0xe2: {  	[sflag:s3] =	ssyncset.done $0x0  }
0xe3: {  	[sflag:s3] =	ssyncadd.s32 $0xFFFFF9C0  }
0xe4: {  	[tilespmem:s7], [sflag:$0x2] =	stream.indirect.gather [hbm4b:s4+s5], $0x20, s5, s5, $0xb8;
	[tilespmem:$0x19C80] =	vst v63  }
0xe5: {  	_ =	swait.ge [sflag:s8], $0xC800  }
0xe6: {  	[sflag:s8] =	ssyncset.done $0x0  }
0xe7: {  	s0 =	rddreg [dreg:$0x6];
	[sflag:s8] =	ssyncadd.s32 $0xFFFF3800  }
0xe8: {  	[hbm4b:s0+s2] =	stream.linear.scatter [tilespmem:s6], [sflag:$0x3], $0xC800, $0x38;
	[tilespmem:$0x19C80] =	vst v63  }
0xe9: {  	_ =	swait.ge [sflag:s3], $0xC800  }
0xea: {  	[sflag:s3] =	ssyncset.done $0x0  }
0xeb: {  	s0 =	rddreg [dreg:$0x7];
	[sflag:s3] =	ssyncadd.s32 $0xFFFF3800  }
0xec: {  	[tilespmem:s2], [sflag:$0x3] =	stream.linear.gather [hbm4b:s0+s2], $0x640, $0x38;
	[tilespmem:$0x19C80] =	vst v63  }
0xed: {  	_ =	swait.ge [sflag:s3], $0x640  }
0xee: {  	[sflag:s3] =	ssyncset.done $0x0  }
0xef: {  	[sflag:s3] =	ssyncadd.s32 $0xFFFFF9C0  }
0xf0: {  	[tilespmem:s6], [sflag:$0x1] =	stream.indirect.gather [hbm4b:s4+s5], $0x20, s2, s5, $0xb8;
	[tilespmem:$0x19C80] =	vst v63  }
0xf1: {  	_ =	swait.ge [sflag:s9], $0xC800  }
0xf2: {  	[sflag:s9] =	ssyncset.done $0x0  }
0xf3: {  	s0 =	rddreg [dreg:$0x8];
	[sflag:s9] =	ssyncadd.s32 $0xFFFF3800  }
0xf4: {  	[hbm4b:s0+s2] =	stream.linear.scatter [tilespmem:s7], [sflag:$0x3], $0xC800, $0x38;
	[tilespmem:$0x19C80] =	vst v63  }
0xf5: {  	_ =	swait.ge [sflag:s3], $0xC800  }
0xf6: {  	[sflag:s3] =	ssyncset.done $0x0  }
0xf7: {  	s0 =	rddreg [dreg:$0x9];
	[sflag:s3] =	ssyncadd.s32 $0xFFFF3800  }
0xf8: {  	[tilespmem:s5], [sflag:$0x3] =	stream.linear.gather [hbm4b:s0+s2], $0x640, $0x38;
	[tilespmem:$0x19C80] =	vst v63  }
0xf9: {  	_ =	swait.ge [sflag:s3], $0x640  }
0xfa: {  	[sflag:s3] =	ssyncset.done $0x0  }
0xfb: {  	[sflag:s3] =	ssyncadd.s32 $0xFFFFF9C0  }
0xfc: {  	[tilespmem:s7], [sflag:$0x2] =	stream.indirect.gather [hbm4b:s4+s5], $0x20, s5, s5, $0xb8;
	[tilespmem:$0x19C80] =	vst v63  }
0xfd: {  	_ =	swait.ge [sflag:s8], $0xC800  }
0xfe: {  	[sflag:s8] =	ssyncset.done $0x0  }
0xff: {  	s0 =	rddreg [dreg:$0xa];
	[sflag:s8] =	ssyncadd.s32 $0xFFFF3800  }
0x100: {  	[hbm4b:s0+s2] =	stream.linear.scatter [tilespmem:s6], [sflag:$0x3], $0xC800, $0x38;
	[tilespmem:$0x19C80] =	vst v63  }
0x101: {  	_ =	swait.ge [sflag:s3], $0xC800  }
0x102: {  	[sflag:s3] =	ssyncset.done $0x0  }
0x103: {  	s0 =	rddreg [dreg:$0xb];
	[sflag:s3] =	ssyncadd.s32 $0xFFFF3800  }
0x104: {  	[tilespmem:s2], [sflag:$0x3] =	stream.linear.gather [hbm4b:s0+s2], $0x640, $0x38;
	[tilespmem:$0x19C80] =	vst v63  }
0x105: {  	_ =	swait.ge [sflag:s3], $0x640  }
0x106: {  	[sflag:s3] =	ssyncset.done $0x0  }
0x107: {  	[sflag:s3] =	ssyncadd.s32 $0xFFFFF9C0  }
0x108: {  	[tilespmem:s6], [sflag:$0x1] =	stream.indirect.gather [hbm4b:s4+s5], $0x20, s2, s5, $0xb8;
	[tilespmem:$0x19C80] =	vst v63  }
0x109: {  	_ =	swait.ge [sflag:s9], $0xC800  }
0x10a: {  	[sflag:s9] =	ssyncset.done $0x0  }
0x10b: {  	s0 =	rddreg [dreg:$0xc];
	[sflag:s9] =	ssyncadd.s32 $0xFFFF3800  }
0x10c: {  	[hbm4b:s0+s2] =	stream.linear.scatter [tilespmem:s7], [sflag:$0x3], $0xC800, $0x38;
	[tilespmem:$0x19C80] =	vst v63  }
0x10d: {  	_ =	swait.ge [sflag:s3], $0xC800  }
0x10e: {  	[sflag:s3] =	ssyncset.done $0x0  }
0x10f: {  	s0 =	rddreg [dreg:$0xd];
	[sflag:s3] =	ssyncadd.s32 $0xFFFF3800  }
0x110: {  	[tilespmem:s5], [sflag:$0x3] =	stream.linear.gather [hbm4b:s0+s2], $0x640, $0x38;
	[tilespmem:$0x19C80] =	vst v63  }
0x111: {  	_ =	swait.ge [sflag:s3], $0x640  }
0x112: {  	[sflag:s3] =	ssyncset.done $0x0  }
0x113: {  	[sflag:s3] =	ssyncadd.s32 $0xFFFFF9C0  }
0x114: {  	[tilespmem:s7], [sflag:$0x2] =	stream.indirect.gather [hbm4b:s4+s5], $0x20, s5, s5, $0xb8;
	[tilespmem:$0x19C80] =	vst v63  }
0x115: {  	_ =	swait.ge [sflag:s8], $0xC800  }
0x116: {  	[sflag:s8] =	ssyncset.done $0x0  }
0x117: {  	s0 =	rddreg [dreg:$0xe];
	[sflag:s8] =	ssyncadd.s32 $0xFFFF3800  }
0x118: {  	[hbm4b:s0+s2] =	stream.linear.scatter [tilespmem:s6], [sflag:$0x3], $0xC800, $0x38;
	[tilespmem:$0x19C80] =	vst v63  }
0x119: {  	_ =	swait.ge [sflag:s3], $0xC800  }
0x11a: {  	[sflag:s3] =	ssyncset.done $0x0  }
0x11b: {  	[sflag:s3] =	ssyncadd.s32 $0xFFFF3800  }
0x11c: {  	[tilespmem:s2], [sflag:$0x3] =	stream.linear.gather [hbm4b:s10+s2], $0x640, $0x38;
	[tilespmem:$0x19C80] =	vst v63  }
0x11d: {  	_ =	swait.ge [sflag:s3], $0x640  }
0x11e: {  	[sflag:s3] =	ssyncset.done $0x0  }
0x11f: {  	[sflag:s3] =	ssyncadd.s32 $0xFFFFF9C0  }
0x120: {  	[tilespmem:s6], [sflag:$0x1] =	stream.indirect.gather [hbm4b:s4+s5], $0x20, s2, s5, $0xb8;
	[tilespmem:$0x19C80] =	vst v63  }
0x121: {  	_ =	swait.ge [sflag:s9], $0xC800  }
0x122: {  	[sflag:s9] =	ssyncset.done $0x0  }
0x123: {  	[sflag:s9] =	ssyncadd.s32 $0xFFFF3800  }
0x124: {  	[hbm4b:s11+s2] =	stream.linear.scatter [tilespmem:s7], [sflag:$0x3], $0xC800, $0x38;
	[tilespmem:$0x19C80] =	vst v63  }
0x125: {  	_ =	swait.ge [sflag:s3], $0xC800  }
0x126: {  	[sflag:s3] =	ssyncset.done $0x0  }
0x127: {  	[sflag:s3] =	ssyncadd.s32 $0xFFFF3800  }
0x128: {  	[tilespmem:s5], [sflag:$0x3] =	stream.linear.gather [hbm4b:s12+s2], $0x640, $0x38;
	[tilespmem:$0x19C80] =	vst v63  }
0x129: {  	_ =	swait.ge [sflag:s3], $0x640  }
0x12a: {  	[sflag:s3] =	ssyncset.done $0x0  }
0x12b: {  	[sflag:s3] =	ssyncadd.s32 $0xFFFFF9C0  }
0x12c: {  	[tilespmem:s7], [sflag:$0x2] =	stream.indirect.gather [hbm4b:s4+s5], $0x20, s5, s5, $0xb8;
	[tilespmem:$0x19C80] =	vst v63  }
0x12d: {  	_ =	swait.ge [sflag:s8], $0xC800  }
0x12e: {  	[sflag:s8] =	ssyncset.done $0x0  }
0x12f: {  	[sflag:s8] =	ssyncadd.s32 $0xFFFF3800  }
0x130: {  	[hbm4b:s13+s2] =	stream.linear.scatter [tilespmem:s6], [sflag:$0x3], $0xC800, $0x38;
	[tilespmem:$0x19C80] =	vst v63  }
0x131: {  	_ =	swait.ge [sflag:s3], $0xC800  }
0x132: {  	[sflag:s3] =	ssyncset.done $0x0  }
0x133: {  	[sflag:s3] =	ssyncadd.s32 $0xFFFF3800  }
0x134: {  	[tilespmem:s2], [sflag:$0x3] =	stream.linear.gather [hbm4b:s14+s2], $0x640, $0x38;
	[tilespmem:$0x19C80] =	vst v63  }
0x135: {  	_ =	swait.ge [sflag:s3], $0x640  }
0x136: {  	[sflag:s3] =	ssyncset.done $0x0  }
0x137: {  	[sflag:s3] =	ssyncadd.s32 $0xFFFFF9C0  }
0x138: {  	[tilespmem:s6], [sflag:$0x1] =	stream.indirect.gather [hbm4b:s4+s5], $0x20, s2, s5, $0xb8;
	[tilespmem:$0x19C80] =	vst v63  }
0x139: {  	_ =	swait.ge [sflag:s9], $0xC800  }
0x13a: {  	[sflag:s9] =	ssyncset.done $0x0  }
0x13b: {  	[sflag:s9] =	ssyncadd.s32 $0xFFFF3800  }
0x13c: {  	[hbm4b:s15+s2] =	stream.linear.scatter [tilespmem:s7], [sflag:$0x3], $0xC800, $0x38;
	[tilespmem:$0x19C80] =	vst v63  }
0x13d: {  	_ =	swait.ge [sflag:s3], $0xC800  }
0x13e: {  	[sflag:s3] =	ssyncset.done $0x0  }
0x13f: {  	[sflag:s3] =	ssyncadd.s32 $0xFFFF3800  }
0x140: {  	[tilespmem:s5], [sflag:$0x3] =	stream.linear.gather [hbm4b:s16+s2], $0x640, $0x38;
	[tilespmem:$0x19C80] =	vst v63  }
0x141: {  	_ =	swait.ge [sflag:s3], $0x640  }
0x142: {  	[sflag:s3] =	ssyncset.done $0x0  }
0x143: {  	[sflag:s3] =	ssyncadd.s32 $0xFFFFF9C0  }
0x144: {  	[tilespmem:s7], [sflag:$0x2] =	stream.indirect.gather [hbm4b:s4+s5], $0x20, s5, s5, $0xb8;
	[tilespmem:$0x19C80] =	vst v63  }
0x145: {  	_ =	swait.ge [sflag:s8], $0xC800  }
0x146: {  	[sflag:s8] =	ssyncset.done $0x0  }
0x147: {  	[sflag:s8] =	ssyncadd.s32 $0xFFFF3800  }
0x148: {  	[hbm4b:s17+s2] =	stream.linear.scatter [tilespmem:s6], [sflag:$0x3], $0xC800, $0x38;
	[tilespmem:$0x19C80] =	vst v63  }
0x149: {  	_ =	swait.ge [sflag:s3], $0xC800  }
0x14a: {  	[sflag:s3] =	ssyncset.done $0x0  }
0x14b: {  	[sflag:s3] =	ssyncadd.s32 $0xFFFF3800  }
0x14c: {  	[tilespmem:s2], [sflag:$0x3] =	stream.linear.gather [hbm4b:s18+s2], $0x640, $0x38;
	[tilespmem:$0x19C80] =	vst v63  }
0x14d: {  	_ =	swait.ge [sflag:s3], $0x640  }
0x14e: {  	[sflag:s3] =	ssyncset.done $0x0  }
0x14f: {  	[sflag:s3] =	ssyncadd.s32 $0xFFFFF9C0  }
0x150: {  	[tilespmem:s6], [sflag:$0x1] =	stream.indirect.gather [hbm4b:s4+s5], $0x20, s2, s5, $0xb8;
	[tilespmem:$0x19C80] =	vst v63  }
0x151: {  	_ =	swait.ge [sflag:s9], $0xC800  }
0x152: {  	[sflag:s9] =	ssyncset.done $0x0  }
0x153: {  	[sflag:s9] =	ssyncadd.s32 $0xFFFF3800  }
0x154: {  	[hbm4b:s19+s2] =	stream.linear.scatter [tilespmem:s7], [sflag:$0x3], $0xC800, $0x38;
	[tilespmem:$0x19C80] =	vst v63  }
0x155: {  	_ =	swait.ge [sflag:s3], $0xC800  }
0x156: {  	[sflag:s3] =	ssyncset.done $0x0  }
0x157: {  	[sflag:s3] =	ssyncadd.s32 $0xFFFF3800  }
0x158: {  	[tilespmem:s5], [sflag:$0x3] =	stream.linear.gather [hbm4b:s20+s2], $0x640, $0x38;
	[tilespmem:$0x19C80] =	vst v63  }
0x159: {  	_ =	swait.ge [sflag:s3], $0x640  }
0x15a: {  	[sflag:s3] =	ssyncset.done $0x0  }
0x15b: {  	[sflag:s3] =	ssyncadd.s32 $0xFFFFF9C0  }
0x15c: {  	[tilespmem:s7], [sflag:$0x2] =	stream.indirect.gather [hbm4b:s4+s5], $0x20, s5, s5, $0xb8;
	[tilespmem:$0x19C80] =	vst v63  }
0x15d: {  	_ =	swait.ge [sflag:s8], $0xC800  }
0x15e: {  	[sflag:s8] =	ssyncset.done $0x0  }
0x15f: {  	[sflag:s8] =	ssyncadd.s32 $0xFFFF3800  }
0x160: {  	[hbm4b:s21+s2] =	stream.linear.scatter [tilespmem:s6], [sflag:$0x3], $0xC800, $0x38;
	[tilespmem:$0x19C80] =	vst v63  }
0x161: {  	_ =	swait.ge [sflag:s3], $0xC800  }
0x162: {  	[sflag:s3] =	ssyncset.done $0x0  }
0x163: {  	[sflag:s3] =	ssyncadd.s32 $0xFFFF3800  }
0x164: {  	[tilespmem:s2], [sflag:$0x3] =	stream.linear.gather [hbm4b:s22+s2], $0x640, $0x38;
	[tilespmem:$0x19C80] =	vst v63  }
0x165: {  	_ =	swait.ge [sflag:s3], $0x640  }
0x166: {  	[sflag:s3] =	ssyncset.done $0x0  }
0x167: {  	[sflag:s3] =	ssyncadd.s32 $0xFFFFF9C0  }
0x168: {  	[tilespmem:s6], [sflag:$0x1] =	stream.indirect.gather [hbm4b:s4+s5], $0x20, s2, s5, $0xb8;
	[tilespmem:$0x19C80] =	vst v63  }
0x169: {  	_ =	swait.ge [sflag:s9], $0xC800  }
0x16a: {  	[sflag:s9] =	ssyncset.done $0x0  }
0x16b: {  	[sflag:s9] =	ssyncadd.s32 $0xFFFF3800  }
0x16c: {  	[hbm4b:s23+s2] =	stream.linear.scatter [tilespmem:s7], [sflag:$0x3], $0xC800, $0x38;
	[tilespmem:$0x19C80] =	vst v63  }
0x16d: {  	_ =	swait.ge [sflag:s3], $0xC800  }
0x16e: {  	[sflag:s3] =	ssyncset.done $0x0  }
0x16f: {  	[sflag:s3] =	ssyncadd.s32 $0xFFFF3800  }
0x170: {  	[tilespmem:s5], [sflag:$0x3] =	stream.linear.gather [hbm4b:s24+s2], $0x640, $0x38;
	[tilespmem:$0x19C80] =	vst v63  }
0x171: {  	_ =	swait.ge [sflag:s3], $0x640  }
0x172: {  	[sflag:s3] =	ssyncset.done $0x0  }
0x173: {  	[sflag:s3] =	ssyncadd.s32 $0xFFFFF9C0  }
0x174: {  	[tilespmem:s7], [sflag:$0x2] =	stream.indirect.gather [hbm4b:s4+s5], $0x20, s5, s5, $0xb8;
	[tilespmem:$0x19C80] =	vst v63  }
0x175: {  	_ =	swait.ge [sflag:s8], $0xC800  }
0x176: {  	[sflag:s8] =	ssyncset.done $0x0  }
0x177: {  	[sflag:s8] =	ssyncadd.s32 $0xFFFF3800  }
0x178: {  	[hbm4b:s25+s2] =	stream.linear.scatter [tilespmem:s6], [sflag:$0x3], $0xC800, $0x38;
	[tilespmem:$0x19C80] =	vst v63  }
0x179: {  	_ =	swait.ge [sflag:s3], $0xC800  }
0x17a: {  	[sflag:s3] =	ssyncset.done $0x0  }
0x17b: {  	[sflag:s3] =	ssyncadd.s32 $0xFFFF3800  }
0x17c: {  	[tilespmem:s2], [sflag:$0x3] =	stream.linear.gather [hbm4b:s26+s2], $0x640, $0x38;
	[tilespmem:$0x19C80] =	vst v63  }
0x17d: {  	_ =	swait.ge [sflag:s3], $0x640  }
0x17e: {  	[sflag:s3] =	ssyncset.done $0x0  }
0x17f: {  	[sflag:s3] =	ssyncadd.s32 $0xFFFFF9C0  }
0x180: {  	[tilespmem:s6], [sflag:$0x1] =	stream.indirect.gather [hbm4b:s4+s5], $0x20, s2, s5, $0xb8;
	[tilespmem:$0x19C80] =	vst v63  }
0x181: {  	_ =	swait.ge [sflag:s9], $0xC800  }
0x182: {  	[sflag:s9] =	ssyncset.done $0x0  }
0x183: {  	[sflag:s9] =	ssyncadd.s32 $0xFFFF3800  }
0x184: {  	[hbm4b:s28+s2] =	stream.linear.scatter [tilespmem:s7], [sflag:$0x3], $0xC800, $0x38;
	[tilespmem:$0x19C80] =	vst v63  }
0x185: {  	_ =	swait.ge [sflag:s3], $0xC800  }
0x186: {  	[sflag:s3] =	ssyncset.done $0x0  }
0x187: {  	[sflag:s3] =	ssyncadd.s32 $0xFFFF3800  }
0x188: {  	[tilespmem:s5], [sflag:$0x3] =	stream.linear.gather [hbm4b:s29+s2], $0x640, $0x38;
	[tilespmem:$0x19C80] =	vst v63  }
0x189: {  	_ =	swait.ge [sflag:s3], $0x640  }
0x18a: {  	[sflag:s3] =	ssyncset.done $0x0  }
0x18b: {  	[sflag:s3] =	ssyncadd.s32 $0xFFFFF9C0  }
0x18c: {  	[tilespmem:s7], [sflag:$0x2] =	stream.indirect.gather [hbm4b:s4+s5], $0x20, s5, s5, $0xb8;
	[tilespmem:$0x19C80] =	vst v63  }
0x18d: {  	_ =	swait.ge [sflag:s8], $0xC800  }
0x18e: {  	[sflag:s8] =	ssyncset.done $0x0  }
0x18f: {  	[sflag:s8] =	ssyncadd.s32 $0xFFFF3800  }
0x190: {  	[hbm4b:s30+s2] =	stream.linear.scatter [tilespmem:s6], [sflag:$0x3], $0xC800, $0x38;
	[tilespmem:$0x19C80] =	vst v63  }
0x191: {  	_ =	swait.ge [sflag:s3], $0xC800  }
0x192: {  	[sflag:s3] =	ssyncset.done $0x0  }
0x193: {  	p0 =	sne.s32 s1, $0x1;
	[sflag:s3] =	ssyncadd.s32 $0xFFFF3800  }
.Ltmp1:
0x194: {  	_ =	swait.ge [sflag:s9], $0xC800;
	(pc) =	sbr.rel @p0 .LBB2_1-.Ltmp1, $4  }
0x195: {  	[sflag:s9] =	ssyncset.done $0x0  }
0x196: {  	[sflag:s9] =	ssyncadd.s32 $0xFFFF3800  }
0x197: {  	[hbm4b:s31+s2] =	stream.linear.scatter [tilespmem:s7], [sflag:$0x3], $0xC800, $0x38;
	[tilespmem:$0x19C80] =	vst v63  }
0x198: {  	s1 =	sadd.s32 $0xFFFFFFFF, s1;
	_ =	swait.ge [sflag:s3], $0xC800  }
.LBB2_2:
0x199: {  	[sflag:s3] =	ssyncset.done $0x0  }
0x19a: {  	[sflag:s3] =	ssyncadd.s32 $0xFFFF3800  }
0x19b: {  	_ =	sfence.sel $0x180000  }
0x19c: {  	[bflag:$0x0] =	sbarrier.arrive $0xFFFF  }
0x19d: {  	_ =	strace $0x9000004A  }
0x19e: {  	s0 =	stileid.u32;
	[bflag:$0x2] =	sbarrier.arrive $0xFFFF  }
0x19f: {  	p0 =	sne.s32 s0, $0x0;
	s0 =	rddreg [dreg:$0x3]  }
0x1a0: {  	s0 =	sadd.s32 @!p0 $0x100000, s0  }
0x1a1: {  	[sflag:s0] =	ssyncadd.tile.s32 @!p0 $0x1;
	_ =	shalt  }
.Lfunc_end2:
_tile_overlayer_lowered:
.L_overlay_start_2:
0x1a2: {  	(tag) =	ssettag $0x2  }
0x1a3: {  	s0 =	rddreg [dreg:$0x0];
	s2 =	stileid.u32  }
0x1a4: {  	s1 =	rddreg [dreg:$0x1];
	p0 =	sne.s32 s2, $0x0  }
0x1a5: {  	s3 =	rddreg [dreg:$0x2];
	[bflag:$0x3] =	sbarrier.arrive $0xFFFF;
	s2 =	simm.s32 @!p0 $0x1C03  }
0x1a6: {  	[timem:s3], [sflag:s2] =	dma.local @!p0 [hbm:s0], s1  }
0x1a7: {  	s0 =	simm.s32 @!p0 $0x3  }
0x1a8: {  	_ =	swait.ge @!p0 [sflag:s0], s1  }
0x1a9: {  	s1 =	ssub.s32 @!p0 $0x0, s1;
	[sflag:s0] =	ssyncset.done @!p0 $0x0  }
0x1aa: {  	[sflag:s0] =	ssyncadd.s32 @!p0 s1  }
0x1ab: {  	[bflag:$0x3] =	sbarrier.arrive $0xFFFF  }
0x1ac: {  	_ =	shalt  }

// kernel: sparse-core-data-format-call.cloned.1.call-start
scs
called_computation_lowered:
.L_overlay_start_0:
0x0: {  	s2 =	sld [smem:$0x3FD9]  }
0x1: {  	s3 =	sld [smem:$0x3FFE];
	_ =	sdelay $0x1  }
0x2: {  	s1 =	srdreg.scid  }
0x3: {  	s0 =	sand.u32 $0x1, s1  }
0x4: {  	s15 =	sshll.u32 s0, $0xA;
	s2 =	sadd.s32 s3, s2  }
0x5: {  	s2 =	sadd.s32 s2, s15  }
0x6: {  	[smem:$0x3FC6] =	sst s2  }
0x7: {  	_ = 	snop  }
0x8: {  	s2 =	sld [smem:$0x3FD0];
	_ =	sdelay $0x2  }
0x9: {  	s16 =	simm.s32 $0xA;
	s4 =	simm.s32 $0x10  }
0xa: {  	[smem:s4], [sflag:s16] =	dma.local [hbm:s2], $0x1  }
0xb: {  	_ =	swait.eq [sflag:s16], $0x1  }
0xc: {  	[sflag:s16] =	ssyncset.done $0x0  }
0xd: {  	[sflag:s16] =	ssyncadd.s32 $0xFFFFFFFF  }
0xe: {  	s17 =	sld [smem:$0x10];
	(tm) =	ssettm $0x1  }
0xf: {  	s18 =	sld [smem:$0x3FFB];
	_ =	sdelay $0x3  }
0x10: {  	_ =	strace s18  }
0x11: {  	s3 =	sld [smem:$0x3FFC];
	_ =	sdelay $0x3  }
0x12: {  	_ =	strace s3  }
0x13: {  	s3 =	sld [smem:$0x3FFD];
	_ =	sdelay $0x3  }
0x14: {  	_ =	strace s3  }
0x15: {  	_ =	strace $0x8FFFFFFF  }
0x16: {  	s19 =	sld [smem:$0x3FDB];
	_ =	sdelay $0x1  }
0x17: {  	s20 =	simm.s32 $_scs_section_size  }
0x18: {  	s5 =	simm.s32 $_size__tile_overlayer_lowered;
	s6 =	simm.s32 $_tile_overlayer_lowered  }
0x19: {  	s23 =	simm.s32 $0x1BFF;
	s22 =	sshll.u32 s6, $0x1;
	s3 =	sadd.s32 s20, s19  }
0x1a: {  	s7 =	simm.s32 $0x0;
	s21 =	sshll.u32 s5, $0x1;
	s5 =	sadd.s32 s22, s3  }
0x1b: {  	[timem:s7], [sflag:s23] =	dma.local [hbm:s5], s21  }
0x1c: {  	_ =	swait.ge [sflag:s23], s21  }
0x1d: {  	s4 =	ssub.s32 $0x0, s21;
	[sflag:s23] =	ssyncset.done $0x0  }
0x1e: {  	[sflag:s23] =	ssyncadd.s32 s4;
	_ =	sdelay $0x1  }
0x1f: {  	s24 =	simm.s32 $0x1B8B  }
0x20: {  	_ =	swait.ge [sflag:s24], $0x1  }
0x21: {  	[sflag:s24] =	ssyncset.done $0x0  }
0x22: {  	s26 =	simm.s32 $0x1B8E;
	s25 =	sld [smem:$0x3FFE];
	[sflag:s24] =	ssyncadd.s32 $0xFFFFFFFF  }
0x23: {  	s27 =	simm.s32 $execute0_lowered;
	[smem:$0x3FD2] =	sst s26  }
0x24: {  	s5 =	sshll.u32 s27, $0x1;
	_ =	strace $0x8000004C;
	[dreg:$0x1] =	wrdreg $0xFFFFFFFF  }
0x25: {  	s28 =	simm.s32 $_size_execute0_lowered;
	s3 =	sadd.s32 s3, s5;
	[dreg:$0x0] =	wrdreg $0x0  }
0x26: {  	s5 =	sshll.u32 s28, $0x1;
	[dreg:$0x2] =	wrdreg s3  }
0x27: {  	[dreg:$0x3] =	wrdreg s5  }
0x28: {  	[dreg:$0x4] =	wrdreg $0xC0  }
0x29: {  	_ =	task [dreg:s7], $0x5FFFF  }
0x2a: {  	[dreg:$0x1] =	wrdreg $0xFFFFFFFF  }
0x2b: {  	[dreg:$0x0] =	wrdreg $0x60  }
0x2c: {  	[dreg:$0x2] =	wrdreg s25  }
0x2d: {  	[dreg:$0x3] =	wrdreg s17  }
0x2e: {  	[dreg:$0x4] =	wrdreg $0x9  }
0x2f: {  	_ =	task.clear_ibuf [dreg:s7], $0x5FFFF;
	_ =	strace $0x9000004C  }
0x30: {  	s29 =	simm.s32 $0x9;
	_ =	strace $0x8000004E  }
0x31: {  	_ =	swait.ge [sflag:s29], $0x1  }
0x32: {  	[sflag:s29] =	ssyncadd.s32 $0xFFFFFFFF  }
0x33: {  	_ =	strace $0x9000004E  }
0x34: {  	_ =	sfence  }
0x35: {  	s30 =	sld [smem:$0x0];
	_ =	sdelay $0x2  }
0x36: {  	s31 =	sshll.u32 s1, $0xD;
	s1 =	sshrl.u32 s1, $0x2  }
0x37: {  	s3 =	sand.u32 $0x4000, s31;
	s1 =	sadd.s32 s1, s30  }
0x38: {  	s0 =	sor.u32 s3, s0;
	s1 =	sshll.u32 s1, $0x11  }
0x39: {  	s0 =	sor.u32 s1, s0  }
0x3a: {  	s0 =	sadd.s32 $0x8F2B, s0  }
0x3b: {  	[sflag:s0] =	ssyncadd.remote.s32 $0x1  }
0x3c: {  	_ =	sfence.sel $0xFFFF  }
0x3d: {  	[dreg:$0x0] =	wrdreg $0xFFFFFFFF;
	(pc) =	sbr.abs _section_cstart, $3  }
0x3e: {  	[dreg:$0x1] =	wrdreg $0xFFFFFFFF  }
0x3f: {  	_ =	task.clear_ibuf [dreg:s7], $0x2FFFF;
	_ =	strace $0x9FFFFFFF  }
0x40: {  	(tm) =	ssettm $0x7FFFFFFF  }
0x41: {  	_ =	shalt  }
tec
execute0_lowered:
.L_overlay_start_1:
0x0: {  	(tag) =	ssettag $0x1  }
0x1: {  	s0 =	srdreg.scid  }
0x2: {  	s1 =	sshll.u32 s0, $0x4  }
0x3: {  	s0 =	stileid.u32;
	s1 =	sand.u32 $0x10, s1  }
0x4: {  	s1 =	sor.u32 s0, s1  }
0x5: {  	s6 =	rddreg [dreg:$0x0];
	s4 =	simm.s32 $0x1;
	s2 =	sshll.u32 s1, $0x7  }
0x6: {  	s7 =	simm.s32 $0x2;
	s12 =	simm.s32 $0x0;
	s1 =	ssub.s32 $0x1000, s2  }
0x7: {  	s8 =	simm.s32 $0x8000;
	s13 =	simm.s32 $0x0;
	s3 =	sand.u32 $0xF80, s1  }
0x8: {  	s9 =	simm.s32 $0x0;
	s5 =	sshrl.u32 s1, $0xC;
	p0 =	sne.s32 s3, $0x0  }
.Ltmp0:
0x9: {  	s1 =	rddreg [dreg:$0x2];
	s4 =	simm.s32 @!p0 $0x0;
	(pc) =	sbr.rel .LBB1_1-.Ltmp0, $4  }
0xa: {  	s11 =	simm.s32 $0x0;
	s3 =	rddreg [dreg:$0x1];
	s5 =	sadd.s32 s4, s5  }
0xb: {  	_ =	strace $0x8000004D;
	s4 =	simm.s32 $0x1;
	s5 =	smul.u32 $0xC8, s5  }
0xc: {  	s6 =	sadd.s32 $0x3F1E00, s6;
	s10 =	smov.u32 s2;
	[sflag:s4] =	ssyncpa.u1 $0x0  }
0xd: {  	p0 =	por $0x0, $0x0;
	[sflag:s7] =	ssyncpa.u1 $0x0;
	s7 =	sor.u32 $0x1, s5  }
.LBB1_4:
0xe: {  	s16 =	sshll.u32 s13, $0x3;
	s17 =	sand.u32 $0x78, s13  }
0xf: {  	s30 =	sand.u32 $0x3E00, s13;
	s12 =	sshll.u32 s12, $0xE;
	s16 =	sand.u32 $0xC00, s16  }
0x10: {  	s31 =	sand.u32 $0x7, s13;
	s16 =	sor.u32 s17, s16;
	s17 =	sadd.s32 s3, s30  }
0x11: {  	s13 =	sshll.u32 s31, $0x12;
	s16 =	sshrl.u32 s16, $0x3;
	s12 =	sadd.s32 s12, s17  }
0x12: {  	[tilespmem:s15+$0x0 ss:$0x81] =	vst.msk $0xffff, v0;
	s13 =	sor.u32 $0x400, s13;
	s12 =	sadd.s32 s16, s12  }
0x13: {  	[hbm4b:s12+s13] =	stream.strided.scatter [tilespmem:s14], [sflag:$0x2], $0x1000, s8, s13, $0x20;
	[tilespmem:$0x4040] =	vst v63  }
.LBB1_5:
0x14: {  	s14 =	sadd.s32 $0x1, s9  }
0x15: {  	s12 =	sadd.s32 $0x1000, s10;
	s16 =	smov.u32 s10;
	p2 =	sgt.s32 s14, $0xC7  }
0x16: {  	s16 =	smov.u32 @p2 s12  }
0x17: {  	s14 =	simm.s32 @p2 $0x0;
	p2 =	sgt.s32 s16, $0xFFF  }
0x18: {  	s16 =	smov.u32 @p2 s2;
	p2 =	sne.s32 s11, s7  }
.Ltmp1:
0x19: {  	p1 =	slt.u32 s11, $0x2;
	(pc) =	sbr.rel @!p2 .LBB1_6-.Ltmp1, $4  }
0x1a: {  	s15 =	simm.s32 @!p1 $0x2  }
0x1b: {  	s13 =	smov.u32 s10;
	p0 =	por !p0, !p0;
	_ =	swait.ge @!p1 [sflag:s15], $0x1000  }
0x1c: {  	s12 =	smov.u32 s9;
	[sflag:s15] =	ssyncset.done @!p1 $0x0;
	s9 =	smov.u32 s14  }
0x1d: {  	s11 =	sadd.s32 $0x1, s11;
	[sflag:s15] =	ssyncadd.s32 @!p1 $0xFFFFF000;
	s10 =	smov.u32 s16  }
.LBB1_1:
0x1e: {  	p1 =	sge.u32 s11, s5  }
0x1f: {  	s14 =	sand.u32 @!p1 $0x1FFFFFF, s9  }
0x20: {  	s15 =	smulhi.u32 @!p1 $0x147AE15, s14;
	_ =	sdelay $0x1  }
0x21: {  	s15 =	smul.u32 @!p1 $0xC8, s15  }
0x22: {  	s16 =	sxor.u32 @!p1 $0xFFFFFFFF, s11;
	s17 =	smul.u32 @!p1 $0xC80, s10  }
0x23: {  	s31 =	sadd.s32 $0xFFFFFFFF, s11;
	s16 =	sshll.u32 @!p1 s16, $0xC;
	s14 =	ssub.s32 @!p1 s14, s15  }
0x24: {  	s15 =	sand.u32 @!p1 $0x1000, s16;
	s16 =	sadd.s32 @!p1 s6, s17;
	s14 =	sshll.u32 @!p1 s14, $0x4  }
0x25: {  	s17 =	simm.s32 @!p1 $0x6400;
	s14 =	sadd.s32 @!p1 s14, s16;
	s16 =	simm.s32 @!p1 $0x20  }
0x26: {  	[tilespmem:s15], [sflag:$0x1] =	stream.strided.gather @!p1 [hbm4b:s14+s16], $0x1000, s17, s16, $0x38;
	[tilespmem:$0x4040] =	vst v63  }
0x27: {  	p1 =	sge.u32 s31, s5  }
.Ltmp2:
0x28: {  	_ = 	snop;
	(pc) =	sbr.rel @p1 .LBB1_5-.Ltmp2, $1  }
0x29: {  	_ =	sdelay $0x3  }
0x2a: {  	s14 =	simm.s32 $0x1  }
0x2b: {  	_ =	swait.ge [sflag:s4], $0x1000;
	s14 =	simm.s32 @!p0 $0x0  }
0x2c: {  	[sflag:s4] =	ssyncset.done $0x0;
	s15 =	sshll.u32 s14, $0xC  }
0x2d: {  	[sflag:s4] =	ssyncadd.s32 $0xFFFFF000;
	s18 =	sor.u32 $0x10, s15  }
0x2e: {  	s14 =	smul.u32 $0x4080, s14;
	v1 =	vld [tilespmem:s18+$0x0]  }
0x2f: {  	s30 =	sand.u32 $0x1, s11;
	v0 =	vld [tilespmem:s18+$0xFFFFFFF0]  }
0x30: {  	s15 =	smul.u32 $0x4080, s30;
	s14 =	sshrl.u32 s14, $0x2  }
0x31: {  	s16 =	sor.u32 $0x2000, s14  }
0x32: {  	s31 =	sshrl.u32 s15, $0x2;
	s15 =	sadd.s32 $0x0, s16  }
0x33: {  	s17 =	simm.s32 $0x4;
	s18 =	sadd.s32 $0x20, s18;
	s14 =	sor.u32 $0x2000, s31;
	[tilespmem:s15+$0x810 ss:$0x81] =	vst.msk $0xffff, v1  }
.LBB1_3:
0x34: {  	v1 =	vld [tilespmem:s18+$0x0];
	p1 =	sne.s32 s17, $0x1FC;
	[tilespmem:s15+$0x0 ss:$0x81] =	vst.msk $0xffff, v0;
	s15 =	smov.u32 s17;
	s17 =	sadd.s32 $0x4, s17  }
.Ltmp3:
0x35: {  	v0 =	vld [tilespmem:s18+$0xFFFFFFF0];
	(pc) =	sbr.rel @p1 .LBB1_3-.Ltmp3, $4  }
0x36: {  	_ = 	snop  }
0x37: {  	s15 =	sshra.s32 s15, $0x2  }
0x38: {  	s15 =	sadd.s32 s15, s16  }
0x39: {  	s18 =	sadd.s32 $0x20, s18;
	[tilespmem:s15+$0x810 ss:$0x81] =	vst.msk $0xffff, v1  }
.Ltmp4:
0x3a: {  	_ = 	snop;
	(pc) =	sbr.rel .LBB1_4-.Ltmp4, $1  }
0x3b: {  	_ =	sdelay $0x3  }
.LBB1_6:
0x3c: {  	_ =	sfence.sel $0x180000  }
0x3d: {  	s2 =	simm.s32 $0x1;
	[bflag:$0x0] =	sbarrier.arrive $0xFFFF  }
0x3e: {  	s31 =	simm.s32 $0x2;
	[sflag:s2] =	ssyncpa.u1 $0x1  }
0x3f: {  	[sflag:s31] =	ssyncpa.u1 $0x1  }
0x40: {  	p0 =	sne.s32 s0, $0x0;
	_ =	strace $0x9000004D  }
0x41: {  	s0 =	sadd.s32 @!p0 $0x100000, s1;
	[bflag:$0x2] =	sbarrier.arrive $0xFFFF  }
0x42: {  	[sflag:s0] =	ssyncadd.tile.s32 @!p0 $0x1;
	_ =	shalt  }
.Lfunc_end1:
_tile_overlayer_lowered:
.L_overlay_start_2:
0x43: {  	(tag) =	ssettag $0x2  }
0x44: {  	s0 =	rddreg [dreg:$0x0];
	s2 =	stileid.u32  }
0x45: {  	s1 =	rddreg [dreg:$0x1];
	p0 =	sne.s32 s2, $0x0  }
0x46: {  	s3 =	rddreg [dreg:$0x2];
	[bflag:$0x3] =	sbarrier.arrive $0xFFFF;
	s2 =	simm.s32 @!p0 $0x1C01  }
0x47: {  	[timem:s3], [sflag:s2] =	dma.local @!p0 [hbm:s0], s1  }
0x48: {  	s0 =	simm.s32 @!p0 $0x1  }
0x49: {  	_ =	swait.ge @!p0 [sflag:s0], s1  }
0x4a: {  	s1 =	ssub.s32 @!p0 $0x0, s1;
	[sflag:s0] =	ssyncset.done @!p0 $0x0  }
0x4b: {  	[sflag:s0] =	ssyncadd.s32 @!p0 s1  }
0x4c: {  	[bflag:$0x3] =	sbarrier.arrive $0xFFFF  }
0x4d: {  	_ =	shalt  }

</sc_bundles>
